<compile_context>
chip_gen: v7x
topology: tpu7x:2x2x1
jax: 0.10.2.dev20260603
libtpu: 0.0.44.dev20260713+nightly
codegen_flags: <defaults>
</compile_context>

<pallas_src>
import jax
import jax.numpy as jnp
from jax import lax
from jax.experimental import pallas as pl
from jax.experimental.pallas import tpu as pltpu
from jax.experimental.pallas import tpu_sc as plsc

N = 10000
N_PAD = 10112
E = 320000
D = 128
H = 8
C1 = 16
NCORES = 2
NSUB = 16
NW = NCORES * NSUB
CHUNK = 128
NCH = 80
E_PAD = NCH * CHUNK * NW
ROWS_PER_SUB = N_PAD // NSUB
RBLK = 1264

_HI = lax.Precision.HIGHEST
_F32 = jnp.float32


def _dot(a, b):
    return jnp.dot(a, b, precision=_HI, preferred_element_type=_F32)



def _proj_body(x_ref, w_ref, ms_ref, md_ref, h_ref, s_ref, d_ref):
    h = _dot(x_ref[...], w_ref[...])
    h_ref[...] = h
    s_ref[...] = _dot(h, ms_ref[...])
    d_ref[...] = _dot(h, md_ref[...])


def _tc_project(x, w, ms, md):
    return pl.pallas_call(
        _proj_body,
        grid=(N_PAD // RBLK,),
        in_specs=[
            pl.BlockSpec((RBLK, D), lambda i: (i, 0)),
            pl.BlockSpec((D, D), lambda i: (0, 0)),
            pl.BlockSpec((D, 16), lambda i: (0, 0)),
            pl.BlockSpec((D, 16), lambda i: (0, 0)),
        ],
        out_specs=[
            pl.BlockSpec((RBLK, D), lambda i: (i, 0)),
            pl.BlockSpec((RBLK, 16), lambda i: (i, 0)),
            pl.BlockSpec((RBLK, 16), lambda i: (i, 0)),
        ],
        out_shape=[
            jax.ShapeDtypeStruct((N_PAD, D), _F32),
            jax.ShapeDtypeStruct((N_PAD, 16), _F32),
            jax.ShapeDtypeStruct((N_PAD, 16), _F32),
        ],
    )(x, w, ms, md)


def _mid_body(num_ref, den_ref, rep_ref, b1_ref, bnw_ref, bnb_ref,
              w2_ref, ms_ref, md_ref, h_ref, s_ref, d_ref):
    nm = num_ref[0] + num_ref[1]
    dn = den_ref[0] + den_ref[1]
    rep = _dot(dn, rep_ref[...])
    g = nm / (rep + 1e-16) + b1_ref[...]
    t = g * bnw_ref[...] + bnb_ref[...]
    t = jnp.where(t > 0.0, t, jnp.exp(t) - 1.0)
    h2 = _dot(t, w2_ref[...])
    h_ref[...] = h2
    s_ref[...] = _dot(h2, ms_ref[...])
    d_ref[...] = _dot(h2, md_ref[...])


def _tc_mid(num, den, rep, b1, bnw, bnb, w2, ms, md):
    return pl.pallas_call(
        _mid_body,
        grid=(N_PAD // RBLK,),
        in_specs=[
            pl.BlockSpec((NCORES, RBLK, D), lambda i: (0, i, 0)),
            pl.BlockSpec((NCORES, RBLK, 16), lambda i: (0, i, 0)),
            pl.BlockSpec((16, D), lambda i: (0, 0)),
            pl.BlockSpec((1, D), lambda i: (0, 0)),
            pl.BlockSpec((1, D), lambda i: (0, 0)),
            pl.BlockSpec((1, D), lambda i: (0, 0)),
            pl.BlockSpec((D, D), lambda i: (0, 0)),
            pl.BlockSpec((D, 16), lambda i: (0, 0)),
            pl.BlockSpec((D, 16), lambda i: (0, 0)),
        ],
        out_specs=[
            pl.BlockSpec((RBLK, D), lambda i: (i, 0)),
            pl.BlockSpec((RBLK, 16), lambda i: (i, 0)),
            pl.BlockSpec((RBLK, 16), lambda i: (i, 0)),
        ],
        out_shape=[
            jax.ShapeDtypeStruct((N_PAD, D), _F32),
            jax.ShapeDtypeStruct((N_PAD, 16), _F32),
            jax.ShapeDtypeStruct((N_PAD, 16), _F32),
        ],
    )(num, den, rep, b1, bnw, bnb, w2, ms, md)


def _fin_body(num_ref, den_ref, rep_ref, b2_ref, o_ref):
    nm = num_ref[0] + num_ref[1]
    dn = den_ref[0] + den_ref[1]
    rep = _dot(dn, rep_ref[...])
    o_ref[...] = nm / (rep + 1e-16) + b2_ref[...]


def _tc_final(num, den, rep, b2):
    return pl.pallas_call(
        _fin_body,
        grid=(N_PAD // RBLK,),
        in_specs=[
            pl.BlockSpec((NCORES, RBLK, D), lambda i: (0, i, 0)),
            pl.BlockSpec((NCORES, RBLK, 16), lambda i: (0, i, 0)),
            pl.BlockSpec((16, D), lambda i: (0, 0)),
            pl.BlockSpec((1, D), lambda i: (0, 0)),
        ],
        out_specs=pl.BlockSpec((RBLK, D), lambda i: (i, 0)),
        out_shape=jax.ShapeDtypeStruct((N_PAD, D), _F32),
    )(num, den, rep, b2)



def _sc_edge_body(src2_hbm, dst2_hbm, stab_hbm, dtab_hbm, h_hbm,
                  z128_hbm, z16_hbm,
                  num_hbm, den_hbm,
                  sidx0, didx0, sidx1, didx1,
                  hrows0, hrows1, srows, drows, wbuf,
                  num_sh, den_sh, semi, semg0, semg1, semgs, semz, semsc0, semsc1, semds):
    cid = lax.axis_index("c")
    sid = lax.axis_index("s")
    wid = sid * NCORES + cid

    IDX = ((sidx0, didx0), (sidx1, didx1))
    HROWS = (hrows0, hrows1)
    SEMG = (semg0, semg1)
    SEMSC = (semsc0, semsc1)

    def issue_idx(k, bi):
        pltpu.async_copy(src2_hbm.at[wid * NCH + k], IDX[bi][0], semi)
        pltpu.async_copy(dst2_hbm.at[wid * NCH + k], IDX[bi][1], semi)

    def wait_idx(bi):
        pltpu.make_async_copy(src2_hbm.at[0], IDX[bi][0], semi).wait()
        pltpu.make_async_copy(dst2_hbm.at[0], IDX[bi][1], semi).wait()

    def issue_h(bi):
        pltpu.async_copy(h_hbm.at[IDX[bi][0]], HROWS[bi], SEMG[bi])

    def wait_h(bi):
        pltpu.make_async_copy(h_hbm.at[IDX[bi][0]], HROWS[bi], SEMG[bi]).wait()

    def issue_sd(bi):
        pltpu.async_copy(stab_hbm.at[IDX[bi][0]], srows, semgs)
        pltpu.async_copy(dtab_hbm.at[IDX[bi][1]], drows, semgs)

    def wait_sd(bi):
        pltpu.make_async_copy(stab_hbm.at[IDX[bi][0]], srows, semgs).wait()
        pltpu.make_async_copy(dtab_hbm.at[IDX[bi][1]], drows, semgs).wait()

    r0 = sid * ROWS_PER_SUB
    pltpu.async_copy(z128_hbm.at[pl.ds(r0, ROWS_PER_SUB)],
                     num_sh.at[pl.ds(r0, ROWS_PER_SUB)], semz)
    pltpu.async_copy(z16_hbm.at[pl.ds(r0, ROWS_PER_SUB)],
                     den_sh.at[pl.ds(r0, ROWS_PER_SUB)], semz)
    issue_idx(0, 0)
    wait_idx(0)
    issue_h(0)
    issue_sd(0)
    issue_idx(1, 1)
    pltpu.make_async_copy(z128_hbm.at[pl.ds(r0, ROWS_PER_SUB)],
                          num_sh.at[pl.ds(r0, ROWS_PER_SUB)], semz).wait()
    pltpu.make_async_copy(z16_hbm.at[pl.ds(r0, ROWS_PER_SUB)],
                          den_sh.at[pl.ds(r0, ROWS_PER_SUB)], semz).wait()
    plsc.subcore_barrier()

    def outer(j, carry):
        for b in range(2):
            k = 2 * j + b
            nb = 1 - b
            hrows = HROWS[b]
            didx = IDX[b][1]

            @pl.when(k < NCH - 1)
            def _():
                wait_idx(nb)

                @pl.when(k >= 1)
                def _():
                    pltpu.make_async_copy(
                        HROWS[nb], num_sh.at[IDX[nb][1]], SEMSC[nb]).wait()

                issue_h(nb)

            wait_sd(b)

            @pl.when(k >= 1)
            def _():
                pltpu.make_async_copy(wbuf, den_sh.at[didx], semds).wait()

            def w_body(e, c):
                t = srows[e, :] + drows[e, :]
                t = jnp.where(t > 0.0, t, 0.2 * t)
                wbuf[e, :] = jnp.exp(t)
                return c

            lax.fori_loop(0, CHUNK, w_body, 0)
            wait_h(b)

            def m_body(e, c):
                wrow = wbuf[e, :]
                for hd in range(H):
                    hrows[e, pl.ds(hd * C1, C1)] = (
                        hrows[e, pl.ds(hd * C1, C1)] * wrow[hd])
                return c

            lax.fori_loop(0, CHUNK, m_body, 0, unroll=2)
            pltpu.async_copy(hrows, num_sh.at[didx], SEMSC[b], add=True)
            pltpu.async_copy(wbuf, den_sh.at[didx], semds, add=True)

            @pl.when(k < NCH - 2)
            def _():
                issue_idx(k + 2, b)

            @pl.when(k < NCH - 1)
            def _():
                issue_sd(nb)
        return carry

    lax.fori_loop(0, NCH // 2, outer, 0)
    pltpu.make_async_copy(HROWS[0], num_sh.at[IDX[0][1]], SEMSC[0]).wait()
    pltpu.make_async_copy(HROWS[1], num_sh.at[IDX[1][1]], SEMSC[1]).wait()
    pltpu.make_async_copy(wbuf, den_sh.at[IDX[1][1]], semds).wait()
    plsc.subcore_barrier()

    pltpu.sync_copy(num_sh.at[pl.ds(r0, ROWS_PER_SUB)],
                    num_hbm.at[cid, pl.ds(r0, ROWS_PER_SUB)])
    pltpu.sync_copy(den_sh.at[pl.ds(r0, ROWS_PER_SUB)],
                    den_hbm.at[cid, pl.ds(r0, ROWS_PER_SUB)])


def _make_sc_edge():
  return pl.kernel(
    _sc_edge_body,
    out_type=[
        jax.ShapeDtypeStruct((NCORES, N_PAD, D), _F32),
        jax.ShapeDtypeStruct((NCORES, N_PAD, 16), _F32),
    ],
    mesh=plsc.VectorSubcoreMesh(core_axis_name="c", subcore_axis_name="s",
                                num_cores=NCORES, num_subcores=NSUB),
    compiler_params=pltpu.CompilerParams(use_tc_tiling_on_sc=False),
    scratch_types=[
        pltpu.VMEM((CHUNK,), jnp.int32),
        pltpu.VMEM((CHUNK,), jnp.int32),
        pltpu.VMEM((CHUNK,), jnp.int32),
        pltpu.VMEM((CHUNK,), jnp.int32),
        pltpu.VMEM((CHUNK, D), _F32),
        pltpu.VMEM((CHUNK, D), _F32),
        pltpu.VMEM((CHUNK, 16), _F32),
        pltpu.VMEM((CHUNK, 16), _F32),
        pltpu.VMEM((CHUNK, 16), _F32),
        pltpu.VMEM_SHARED((N_PAD, D), _F32),
        pltpu.VMEM_SHARED((N_PAD, 16), _F32),
        pltpu.SemaphoreType.DMA,
        pltpu.SemaphoreType.DMA,
        pltpu.SemaphoreType.DMA,
        pltpu.SemaphoreType.DMA,
        pltpu.SemaphoreType.DMA,
        pltpu.SemaphoreType.DMA,
        pltpu.SemaphoreType.DMA,
        pltpu.SemaphoreType.DMA,
    ],
  )



def kernel(x, edge_index, W1, a_src1, a_dst1, b1, bn_w, bn_b,
           W2, a_src2, a_dst2, b2):
    src = edge_index[0]
    dst = edge_index[1]

    eye = jnp.eye(H, dtype=_F32)
    a1s = a_src1.reshape(H, C1)
    a1d = a_dst1.reshape(H, C1)
    ms1h = (a1s[:, :, None] * eye[:, None, :]).reshape(H * C1, H)
    md1h = (a1d[:, :, None] * eye[:, None, :]).reshape(H * C1, H)
    ms1 = jnp.concatenate([ms1h, ms1h], axis=1)
    md1 = jnp.concatenate([md1h, md1h], axis=1)
    ms2 = jnp.tile(a_src2.reshape(D, 1), (1, 16))
    md2 = jnp.tile(a_dst2.reshape(D, 1), (1, 16))
    rep1 = jnp.concatenate(
        [jnp.kron(eye, jnp.ones((1, C1), _F32)), jnp.zeros((H, D), _F32)], axis=0)
    rep2 = jnp.full((16, D), 1.0 / 16.0, _F32)

    bnw_s = (bn_w / jnp.sqrt(1.0 + 1e-5)).reshape(1, D)
    z128 = jnp.zeros((N_PAD, D), _F32)
    z16 = jnp.zeros((N_PAD, 16), _F32)

    sc_edge = _make_sc_edge()
    pad = N + (jnp.arange(E_PAD - E, dtype=jnp.int32) % (N_PAD - N))
    src2 = jnp.concatenate([src, pad]).reshape(NCH * NW, CHUNK)
    dst2 = jnp.concatenate([dst, pad]).reshape(NCH * NW, CHUNK)
    xp = jnp.pad(x, ((0, N_PAD - N), (0, 0)))
    h1, s1, d1 = _tc_project(xp, W1, ms1, md1)
    num1, den1 = sc_edge(src2, dst2, s1, d1, h1, z128, z16)
    h2, s2, d2 = _tc_mid(num1, den1, rep1, b1.reshape(1, D), bnw_s,
                         bn_b.reshape(1, D), W2, ms2, md2)
    num2, den2 = sc_edge(src2, dst2, s2, d2, h2, z128, z16)
    return _tc_final(num2, den2, rep2, b2.reshape(1, D))[:N]

# --- scband reference (transcript-rebuilt; emitter-appended) ---
"""Pipeline reference for scband-gatencoder-893353197859 (READ-ONLY COPY).

The authoritative reference and input builder live on the scoring server;
editing this copy changes nothing except your own understanding.
"""

import jax, jax.numpy as jnp
import numpy as np

N = 10000
E = 320000
D = 128
HEADS = 8
OUT1 = 16   # hidden_dim // heads = 128 // 8
OUT2 = 128  # output_dim, heads=1 on last layer


def setup_inputs(seed: int = 0) -> dict:
    key = jax.random.key(seed)
    ks = jax.random.split(key, 16)
    x = jax.random.normal(ks[0], (N, D), dtype=jnp.float32)
    edge_index = jax.random.randint(ks[1], (2, E), 0, N).astype(jnp.int32)
    s1 = 1.0 / np.sqrt(D)
    W1 = jax.random.normal(ks[2], (D, HEADS * OUT1), dtype=jnp.float32) * s1
    a_src1 = jax.random.normal(ks[3], (1, HEADS, OUT1), dtype=jnp.float32) * s1
    a_dst1 = jax.random.normal(ks[4], (1, HEADS, OUT1), dtype=jnp.float32) * s1
    b1 = jnp.zeros((HEADS * OUT1,), dtype=jnp.float32)
    bn_w = jnp.ones((HEADS * OUT1,), dtype=jnp.float32)
    bn_b = jnp.zeros((HEADS * OUT1,), dtype=jnp.float32)
    s2 = 1.0 / np.sqrt(HEADS * OUT1)
    W2 = jax.random.normal(ks[5], (HEADS * OUT1, 1 * OUT2), dtype=jnp.float32) * s2
    a_src2 = jax.random.normal(ks[6], (1, 1, OUT2), dtype=jnp.float32) * s2
    a_dst2 = jax.random.normal(ks[7], (1, 1, OUT2), dtype=jnp.float32) * s2
    b2 = jnp.zeros((OUT2,), dtype=jnp.float32)
    return {
        "x": x, "edge_index": edge_index,
        "W1": W1, "a_src1": a_src1, "a_dst1": a_dst1, "b1": b1,
        "bn_w": bn_w, "bn_b": bn_b,
        "W2": W2, "a_src2": a_src2, "a_dst2": a_dst2, "b2": b2,
    }


def _gat_conv(x, edge_index, W, a_src, a_dst, b, heads, out_ch):
    n = x.shape[0]
    h = (x @ W).reshape(n, heads, out_ch)            # [N, H, C]
    alpha_src = (h * a_src).sum(-1)                  # [N, H]
    alpha_dst = (h * a_dst).sum(-1)                  # [N, H]
    src = edge_index[0]
    dst = edge_index[1]
    e = alpha_src[src] + alpha_dst[dst]              # [E, H]
    e = jnp.where(e > 0, e, 0.2 * e)                 # LeakyReLU(0.2)
    emax = jax.ops.segment_max(e, dst, num_segments=n)
    emax = jnp.where(jnp.isfinite(emax), emax, 0.0)
    ee = jnp.exp(e - emax[dst])
    denom = jax.ops.segment_sum(ee, dst, num_segments=n)
    alpha = ee / (denom[dst] + 1e-16)                # softmax over incoming edges per dst
    msg = h[src] * alpha[:, :, None]                 # [E, H, C]
    out = jax.ops.segment_sum(msg, dst, num_segments=n)  # [N, H, C]
    return out.reshape(n, heads * out_ch) + b


def reference(x, edge_index, W1, a_src1, a_dst1, b1, bn_w, bn_b, W2, a_src2, a_dst2, b2):
    # Layer 1: GATConv(128, 16, heads=8) -> [N, 128]
    h = _gat_conv(x, edge_index, W1, a_src1, a_dst1, b1, HEADS, OUT1)
    # BatchNorm1d (eval mode: running_mean=0, running_var=1)
    h = (h / jnp.sqrt(1.0 + 1e-5)) * bn_w + bn_b
    # ELU
    h = jax.nn.elu(h)
    # Dropout: eval mode -> identity
    # Layer 2: GATConv(128, 128, heads=1) -> [N, 128]
    out = _gat_conv(h, edge_index, W2, a_src2, a_dst2, b2, 1, OUT2)
    return out

if __name__ == "__main__":
    import jax
    _d = setup_inputs()
    print(jax.jit(kernel)(*tuple(_d.values())))

</pallas_src>

<mosaic_0001>
#map = affine_map<(d0, d1) -> (0, 0)>
#map1 = affine_map<(d0, d1) -> (0, 0, 0)>
module attributes {stable_mosaic.version = 14 : i64} {
  func.func @_sc_edge_body(%arg0: i32, %arg1: i32, %arg2: memref<2560x128xi32, #tpu.memory_space<hbm>>, %arg3: memref<2560x128xi32, #tpu.memory_space<hbm>>, %arg4: memref<10112x16xf32, #tpu.memory_space<hbm>>, %arg5: memref<10112x16xf32, #tpu.memory_space<hbm>>, %arg6: memref<10112x128xf32, #tpu.memory_space<hbm>>, %arg7: memref<10112x128xf32, #tpu.memory_space<hbm>>, %arg8: memref<10112x16xf32, #tpu.memory_space<hbm>>, %arg9: memref<2x10112x128xf32, #tpu.memory_space<hbm>>, %arg10: memref<2x10112x16xf32, #tpu.memory_space<hbm>>, %arg11: memref<128xi32, #tpu.memory_space<vmem>>, %arg12: memref<128xi32, #tpu.memory_space<vmem>>, %arg13: memref<128xi32, #tpu.memory_space<vmem>>, %arg14: memref<128xi32, #tpu.memory_space<vmem>>, %arg15: memref<128x128xf32, #tpu.memory_space<vmem>>, %arg16: memref<128x128xf32, #tpu.memory_space<vmem>>, %arg17: memref<128x16xf32, #tpu.memory_space<vmem>>, %arg18: memref<128x16xf32, #tpu.memory_space<vmem>>, %arg19: memref<128x16xf32, #tpu.memory_space<vmem>>, %arg20: memref<10112x128xf32, #tpu.memory_space<vmem_shared>>, %arg21: memref<10112x16xf32, #tpu.memory_space<vmem_shared>>, %arg22: memref<!tpu.dma_semaphore, #tpu.memory_space<semaphore_mem>>, %arg23: memref<!tpu.dma_semaphore, #tpu.memory_space<semaphore_mem>>, %arg24: memref<!tpu.dma_semaphore, #tpu.memory_space<semaphore_mem>>, %arg25: memref<!tpu.dma_semaphore, #tpu.memory_space<semaphore_mem>>, %arg26: memref<!tpu.dma_semaphore, #tpu.memory_space<semaphore_mem>>, %arg27: memref<!tpu.dma_semaphore, #tpu.memory_space<semaphore_mem>>, %arg28: memref<!tpu.dma_semaphore, #tpu.memory_space<semaphore_mem>>, %arg29: memref<!tpu.dma_semaphore, #tpu.memory_space<semaphore_mem>>) attributes {dimension_semantics = [#tpu.dimension_semantics<core_parallel>, #tpu.dimension_semantics<subcore_parallel>], iteration_bounds = array<i64: 2, 16>, scalar_prefetch = 0 : i64, scratch_operands = 19 : i64, tpu.core_type = #tpu.core_type<sc_vector_subcore>, window_params = [{transform_indices = #map}, {transform_indices = #map}, {transform_indices = #map}, {transform_indices = #map}, {transform_indices = #map}, {transform_indices = #map}, {transform_indices = #map}, {transform_indices = #map1}, {transform_indices = #map1}]} {
    %mul3A = arith.constant 2 : i32
    %mul3A_0 = arith.muli %arg1, %mul3A : i32
    %add3A = arith.addi %mul3A_0, %arg0 : i32
    %mul3A_1 = arith.constant 632 : i32
    %mul3A_2 = arith.muli %arg1, %mul3A_1 : i32
    %dma_start3A = arith.constant 0 : i32
    %dma_start3A_3 = tpu.memref_slice %arg20[%mul3A_2, %dma_start3A] : memref<10112x128xf32, #tpu.memory_space<vmem_shared>> -> memref<632x128xf32, #tpu.memory_space<vmem_shared>>
    %dma_start3A_4 = arith.constant 0 : i32
    %dma_start3A_5 = tpu.memref_slice %arg7[%mul3A_2, %dma_start3A_4] : memref<10112x128xf32, #tpu.memory_space<hbm>> -> memref<632x128xf32, #tpu.memory_space<hbm>>
    tpu.enqueue_dma source(%dma_start3A_5 : memref<632x128xf32, #tpu.memory_space<hbm>>) target(%dma_start3A_3 : memref<632x128xf32, #tpu.memory_space<vmem_shared>>) target_semaphore(%arg26 : memref<!tpu.dma_semaphore, #tpu.memory_space<semaphore_mem>>)
    %dma_start3A_6 = arith.constant 0 : i32
    %dma_start3A_7 = tpu.memref_slice %arg21[%mul3A_2, %dma_start3A_6] : memref<10112x16xf32, #tpu.memory_space<vmem_shared>> -> memref<632x16xf32, #tpu.memory_space<vmem_shared>>
    %dma_start3A_8 = arith.constant 0 : i32
    %dma_start3A_9 = tpu.memref_slice %arg8[%mul3A_2, %dma_start3A_8] : memref<10112x16xf32, #tpu.memory_space<hbm>> -> memref<632x16xf32, #tpu.memory_space<hbm>>
    tpu.enqueue_dma source(%dma_start3A_9 : memref<632x16xf32, #tpu.memory_space<hbm>>) target(%dma_start3A_7 : memref<632x16xf32, #tpu.memory_space<vmem_shared>>) target_semaphore(%arg26 : memref<!tpu.dma_semaphore, #tpu.memory_space<semaphore_mem>>)
    %mul3A_10 = arith.constant 80 : i32
    %mul3A_11 = arith.muli %add3A, %mul3A_10 : i32
    %add3A_12 = arith.constant 0 : i32
    %add3A_13 = arith.addi %mul3A_11, %add3A_12 : i32
    %dma_start3A_14 = arith.constant 0 : i32
    %dma_start3A_15 = tpu.memref_slice %arg2[%add3A_13, %dma_start3A_14] : memref<2560x128xi32, #tpu.memory_space<hbm>> -> memref<1x128xi32, #tpu.memory_space<hbm>>
    %dma_start3A_16 = tpu.memref_squeeze %dma_start3A_15 : memref<1x128xi32, #tpu.memory_space<hbm>> -> memref<128xi32, #tpu.memory_space<hbm>>
    %dma_start3A_17 = arith.constant 0 : i32
    %dma_start3A_18 = tpu.memref_slice %arg2[%add3A_13, %dma_start3A_17] : memref<2560x128xi32, #tpu.memory_space<hbm>> -> memref<1x128xi32, #tpu.memory_space<hbm>>
    %dma_start3A_19 = tpu.memref_squeeze %dma_start3A_18 : memref<1x128xi32, #tpu.memory_space<hbm>> -> memref<128xi32, #tpu.memory_space<hbm>>
    tpu.enqueue_dma source(%dma_start3A_19 : memref<128xi32, #tpu.memory_space<hbm>>) target(%arg11 : memref<128xi32, #tpu.memory_space<vmem>>) target_semaphore(%arg22 : memref<!tpu.dma_semaphore, #tpu.memory_space<semaphore_mem>>)
    %mul3A_20 = arith.constant 80 : i32
    %mul3A_21 = arith.muli %add3A, %mul3A_20 : i32
    %add3A_22 = arith.constant 0 : i32
    %add3A_23 = arith.addi %mul3A_21, %add3A_22 : i32
    %dma_start3A_24 = arith.constant 0 : i32
    %dma_start3A_25 = tpu.memref_slice %arg3[%add3A_23, %dma_start3A_24] : memref<2560x128xi32, #tpu.memory_space<hbm>> -> memref<1x128xi32, #tpu.memory_space<hbm>>
    %dma_start3A_26 = tpu.memref_squeeze %dma_start3A_25 : memref<1x128xi32, #tpu.memory_space<hbm>> -> memref<128xi32, #tpu.memory_space<hbm>>
    %dma_start3A_27 = arith.constant 0 : i32
    %dma_start3A_28 = tpu.memref_slice %arg3[%add3A_23, %dma_start3A_27] : memref<2560x128xi32, #tpu.memory_space<hbm>> -> memref<1x128xi32, #tpu.memory_space<hbm>>
    %dma_start3A_29 = tpu.memref_squeeze %dma_start3A_28 : memref<1x128xi32, #tpu.memory_space<hbm>> -> memref<128xi32, #tpu.memory_space<hbm>>
    tpu.enqueue_dma source(%dma_start3A_29 : memref<128xi32, #tpu.memory_space<hbm>>) target(%arg12 : memref<128xi32, #tpu.memory_space<vmem>>) target_semaphore(%arg22 : memref<!tpu.dma_semaphore, #tpu.memory_space<semaphore_mem>>)
    %dma_wait3A = arith.constant 0 : i32
    %dma_wait3A_30 = arith.constant 0 : i32
    %dma_wait3A_31 = tpu.memref_slice %arg2[%dma_wait3A, %dma_wait3A_30] : memref<2560x128xi32, #tpu.memory_space<hbm>> -> memref<1x128xi32, #tpu.memory_space<hbm>>
    %dma_wait3A_32 = tpu.memref_squeeze %dma_wait3A_31 : memref<1x128xi32, #tpu.memory_space<hbm>> -> memref<128xi32, #tpu.memory_space<hbm>>
    %dma_wait3A_33 = arith.constant 0 : i32
    %dma_wait3A_34 = tpu.memref_slice %arg2[%dma_wait3A, %dma_wait3A_33] : memref<2560x128xi32, #tpu.memory_space<hbm>> -> memref<1x128xi32, #tpu.memory_space<hbm>>
    %dma_wait3A_35 = tpu.memref_squeeze %dma_wait3A_34 : memref<1x128xi32, #tpu.memory_space<hbm>> -> memref<128xi32, #tpu.memory_space<hbm>>
    tpu.wait_dma2 semaphore(%arg22 : memref<!tpu.dma_semaphore, #tpu.memory_space<semaphore_mem>>) src(%dma_wait3A_35 : memref<128xi32, #tpu.memory_space<hbm>>) dst(%arg11 : memref<128xi32, #tpu.memory_space<vmem>>)
    %dma_wait3A_36 = arith.constant 0 : i32
    %dma_wait3A_37 = arith.constant 0 : i32
    %dma_wait3A_38 = tpu.memref_slice %arg3[%dma_wait3A_36, %dma_wait3A_37] : memref<2560x128xi32, #tpu.memory_space<hbm>> -> memref<1x128xi32, #tpu.memory_space<hbm>>
    %dma_wait3A_39 = tpu.memref_squeeze %dma_wait3A_38 : memref<1x128xi32, #tpu.memory_space<hbm>> -> memref<128xi32, #tpu.memory_space<hbm>>
    %dma_wait3A_40 = arith.constant 0 : i32
    %dma_wait3A_41 = tpu.memref_slice %arg3[%dma_wait3A_36, %dma_wait3A_40] : memref<2560x128xi32, #tpu.memory_space<hbm>> -> memref<1x128xi32, #tpu.memory_space<hbm>>
    %dma_wait3A_42 = tpu.memref_squeeze %dma_wait3A_41 : memref<1x128xi32, #tpu.memory_space<hbm>> -> memref<128xi32, #tpu.memory_space<hbm>>
    tpu.wait_dma2 semaphore(%arg22 : memref<!tpu.dma_semaphore, #tpu.memory_space<semaphore_mem>>) src(%dma_wait3A_42 : memref<128xi32, #tpu.memory_space<hbm>>) dst(%arg12 : memref<128xi32, #tpu.memory_space<vmem>>)
    %dma_start3A_43 = arith.constant 0 : i32
    %dma_start3A_44 = arith.constant 0 : i32
    %dma_start3A_45 = tpu.memref_slice %arg6[%dma_start3A_43, %dma_start3A_44] : memref<10112x128xf32, #tpu.memory_space<hbm>> -> memref<10112x128xf32, #tpu.memory_space<hbm>>
    tpu.enqueue_indirect_dma source(%dma_start3A_45 : memref<10112x128xf32, #tpu.memory_space<hbm>>) target(%arg15 : memref<128x128xf32, #tpu.memory_space<vmem>>) offsets(%arg11 : memref<128xi32, #tpu.memory_space<vmem>>) semaphore(%arg23 : memref<!tpu.dma_semaphore, #tpu.memory_space<semaphore_mem>>)
    %dma_start3A_46 = arith.constant 0 : i32
    %dma_start3A_47 = arith.constant 0 : i32
    %dma_start3A_48 = tpu.memref_slice %arg4[%dma_start3A_46, %dma_start3A_47] : memref<10112x16xf32, #tpu.memory_space<hbm>> -> memref<10112x16xf32, #tpu.memory_space<hbm>>
    tpu.enqueue_indirect_dma source(%dma_start3A_48 : memref<10112x16xf32, #tpu.memory_space<hbm>>) target(%arg17 : memref<128x16xf32, #tpu.memory_space<vmem>>) offsets(%arg11 : memref<128xi32, #tpu.memory_space<vmem>>) semaphore(%arg25 : memref<!tpu.dma_semaphore, #tpu.memory_space<semaphore_mem>>)
    %dma_start3A_49 = arith.constant 0 : i32
    %dma_start3A_50 = arith.constant 0 : i32
    %dma_start3A_51 = tpu.memref_slice %arg5[%dma_start3A_49, %dma_start3A_50] : memref<10112x16xf32, #tpu.memory_space<hbm>> -> memref<10112x16xf32, #tpu.memory_space<hbm>>
    tpu.enqueue_indirect_dma source(%dma_start3A_51 : memref<10112x16xf32, #tpu.memory_space<hbm>>) target(%arg18 : memref<128x16xf32, #tpu.memory_space<vmem>>) offsets(%arg12 : memref<128xi32, #tpu.memory_space<vmem>>) semaphore(%arg25 : memref<!tpu.dma_semaphore, #tpu.memory_space<semaphore_mem>>)
    %mul3A_52 = arith.constant 80 : i32
    %mul3A_53 = arith.muli %add3A, %mul3A_52 : i32
    %add3A_54 = arith.constant 1 : i32
    %add3A_55 = arith.addi %mul3A_53, %add3A_54 : i32
    %dma_start3A_56 = arith.constant 0 : i32
    %dma_start3A_57 = tpu.memref_slice %arg2[%add3A_55, %dma_start3A_56] : memref<2560x128xi32, #tpu.memory_space<hbm>> -> memref<1x128xi32, #tpu.memory_space<hbm>>
    %dma_start3A_58 = tpu.memref_squeeze %dma_start3A_57 : memref<1x128xi32, #tpu.memory_space<hbm>> -> memref<128xi32, #tpu.memory_space<hbm>>
    %dma_start3A_59 = arith.constant 0 : i32
    %dma_start3A_60 = tpu.memref_slice %arg2[%add3A_55, %dma_start3A_59] : memref<2560x128xi32, #tpu.memory_space<hbm>> -> memref<1x128xi32, #tpu.memory_space<hbm>>
    %dma_start3A_61 = tpu.memref_squeeze %dma_start3A_60 : memref<1x128xi32, #tpu.memory_space<hbm>> -> memref<128xi32, #tpu.memory_space<hbm>>
    tpu.enqueue_dma source(%dma_start3A_61 : memref<128xi32, #tpu.memory_space<hbm>>) target(%arg13 : memref<128xi32, #tpu.memory_space<vmem>>) target_semaphore(%arg22 : memref<!tpu.dma_semaphore, #tpu.memory_space<semaphore_mem>>)
    %mul3A_62 = arith.constant 80 : i32
    %mul3A_63 = arith.muli %add3A, %mul3A_62 : i32
    %add3A_64 = arith.constant 1 : i32
    %add3A_65 = arith.addi %mul3A_63, %add3A_64 : i32
    %dma_start3A_66 = arith.constant 0 : i32
    %dma_start3A_67 = tpu.memref_slice %arg3[%add3A_65, %dma_start3A_66] : memref<2560x128xi32, #tpu.memory_space<hbm>> -> memref<1x128xi32, #tpu.memory_space<hbm>>
    %dma_start3A_68 = tpu.memref_squeeze %dma_start3A_67 : memref<1x128xi32, #tpu.memory_space<hbm>> -> memref<128xi32, #tpu.memory_space<hbm>>
    %dma_start3A_69 = arith.constant 0 : i32
    %dma_start3A_70 = tpu.memref_slice %arg3[%add3A_65, %dma_start3A_69] : memref<2560x128xi32, #tpu.memory_space<hbm>> -> memref<1x128xi32, #tpu.memory_space<hbm>>
    %dma_start3A_71 = tpu.memref_squeeze %dma_start3A_70 : memref<1x128xi32, #tpu.memory_space<hbm>> -> memref<128xi32, #tpu.memory_space<hbm>>
    tpu.enqueue_dma source(%dma_start3A_71 : memref<128xi32, #tpu.memory_space<hbm>>) target(%arg14 : memref<128xi32, #tpu.memory_space<vmem>>) target_semaphore(%arg22 : memref<!tpu.dma_semaphore, #tpu.memory_space<semaphore_mem>>)
    %dma_wait3A_72 = arith.constant 0 : i32
    %dma_wait3A_73 = tpu.memref_slice %arg20[%mul3A_2, %dma_wait3A_72] : memref<10112x128xf32, #tpu.memory_space<vmem_shared>> -> memref<632x128xf32, #tpu.memory_space<vmem_shared>>
    %dma_wait3A_74 = arith.constant 0 : i32
    %dma_wait3A_75 = tpu.memref_slice %arg7[%mul3A_2, %dma_wait3A_74] : memref<10112x128xf32, #tpu.memory_space<hbm>> -> memref<632x128xf32, #tpu.memory_space<hbm>>
    tpu.wait_dma2 semaphore(%arg26 : memref<!tpu.dma_semaphore, #tpu.memory_space<semaphore_mem>>) src(%dma_wait3A_75 : memref<632x128xf32, #tpu.memory_space<hbm>>) dst(%dma_wait3A_73 : memref<632x128xf32, #tpu.memory_space<vmem_shared>>)
    %dma_wait3A_76 = arith.constant 0 : i32
    %dma_wait3A_77 = tpu.memref_slice %arg21[%mul3A_2, %dma_wait3A_76] : memref<10112x16xf32, #tpu.memory_space<vmem_shared>> -> memref<632x16xf32, #tpu.memory_space<vmem_shared>>
    %dma_wait3A_78 = arith.constant 0 : i32
    %dma_wait3A_79 = tpu.memref_slice %arg8[%mul3A_2, %dma_wait3A_78] : memref<10112x16xf32, #tpu.memory_space<hbm>> -> memref<632x16xf32, #tpu.memory_space<hbm>>
    tpu.wait_dma2 semaphore(%arg26 : memref<!tpu.dma_semaphore, #tpu.memory_space<semaphore_mem>>) src(%dma_wait3A_79 : memref<632x16xf32, #tpu.memory_space<hbm>>) dst(%dma_wait3A_77 : memref<632x16xf32, #tpu.memory_space<vmem_shared>>)
    %barrier3A = arith.constant 0 : index
    tpu.barrier barrier_id(%barrier3A)
    %scan3A = arith.constant 0 : i32
    %scan3A_80 = arith.constant 0 : i32
    %scan3A_81 = arith.constant 40 : i32
    %scan3A_82 = arith.addi %scan3A_80, %scan3A_81 : i32
    %scan3A_83 = arith.constant 1 : i32
    scf.for %scan3A_95 = %scan3A_80 to %scan3A_82 step %scan3A_83  : i32 {
      %mul3A_96 = arith.constant 2 : i32
      %mul3A_97 = arith.muli %mul3A_96, %scan3A_95 : i32
      %add3A_98 = arith.constant 0 : i32
      %add3A_99 = arith.addi %mul3A_97, %add3A_98 : i32
      %lt3A = arith.constant 79 : i32
      %lt3A_100 = arith.cmpi slt, %add3A_99, %lt3A : i32
      %convert_element_type3A = arith.extui %lt3A_100 : i1 to i32
      %cond3A = arith.constant 0 : i32
      %cond3A_101 = arith.cmpi ne, %convert_element_type3A, %cond3A : i32
      scf.if %cond3A_101 {
        %dma_wait3A_194 = arith.constant 0 : i32
        %dma_wait3A_195 = arith.constant 0 : i32
        %dma_wait3A_196 = tpu.memref_slice %arg2[%dma_wait3A_194, %dma_wait3A_195] : memref<2560x128xi32, #tpu.memory_space<hbm>> -> memref<1x128xi32, #tpu.memory_space<hbm>>
        %dma_wait3A_197 = tpu.memref_squeeze %dma_wait3A_196 : memref<1x128xi32, #tpu.memory_space<hbm>> -> memref<128xi32, #tpu.memory_space<hbm>>
        %dma_wait3A_198 = arith.constant 0 : i32
        %dma_wait3A_199 = tpu.memref_slice %arg2[%dma_wait3A_194, %dma_wait3A_198] : memref<2560x128xi32, #tpu.memory_space<hbm>> -> memref<1x128xi32, #tpu.memory_space<hbm>>
        %dma_wait3A_200 = tpu.memref_squeeze %dma_wait3A_199 : memref<1x128xi32, #tpu.memory_space<hbm>> -> memref<128xi32, #tpu.memory_space<hbm>>
        tpu.wait_dma2 semaphore(%arg22 : memref<!tpu.dma_semaphore, #tpu.memory_space<semaphore_mem>>) src(%dma_wait3A_200 : memref<128xi32, #tpu.memory_space<hbm>>) dst(%arg13 : memref<128xi32, #tpu.memory_space<vmem>>)
        %dma_wait3A_201 = arith.constant 0 : i32
        %dma_wait3A_202 = arith.constant 0 : i32
        %dma_wait3A_203 = tpu.memref_slice %arg3[%dma_wait3A_201, %dma_wait3A_202] : memref<2560x128xi32, #tpu.memory_space<hbm>> -> memref<1x128xi32, #tpu.memory_space<hbm>>
        %dma_wait3A_204 = tpu.memref_squeeze %dma_wait3A_203 : memref<1x128xi32, #tpu.memory_space<hbm>> -> memref<128xi32, #tpu.memory_space<hbm>>
        %dma_wait3A_205 = arith.constant 0 : i32
        %dma_wait3A_206 = tpu.memref_slice %arg3[%dma_wait3A_201, %dma_wait3A_205] : memref<2560x128xi32, #tpu.memory_space<hbm>> -> memref<1x128xi32, #tpu.memory_space<hbm>>
        %dma_wait3A_207 = tpu.memref_squeeze %dma_wait3A_206 : memref<1x128xi32, #tpu.memory_space<hbm>> -> memref<128xi32, #tpu.memory_space<hbm>>
        tpu.wait_dma2 semaphore(%arg22 : memref<!tpu.dma_semaphore, #tpu.memory_space<semaphore_mem>>) src(%dma_wait3A_207 : memref<128xi32, #tpu.memory_space<hbm>>) dst(%arg14 : memref<128xi32, #tpu.memory_space<vmem>>)
        %ge3A_208 = arith.constant 1 : i32
        %ge3A_209 = arith.cmpi sge, %add3A_99, %ge3A_208 : i32
        %convert_element_type3A_210 = arith.extui %ge3A_209 : i1 to i32
        %cond3A_211 = arith.constant 0 : i32
        %cond3A_212 = arith.cmpi ne, %convert_element_type3A_210, %cond3A_211 : i32
        scf.if %cond3A_212 {
          %dma_wait3A_216 = arith.constant 0 : i32
          %dma_wait3A_217 = arith.constant 0 : i32
          %dma_wait3A_218 = tpu.memref_slice %arg20[%dma_wait3A_216, %dma_wait3A_217] : memref<10112x128xf32, #tpu.memory_space<vmem_shared>> -> memref<10112x128xf32, #tpu.memory_space<vmem_shared>>
          tpu.wait_indirect_dma semaphore(%arg28 : memref<!tpu.dma_semaphore, #tpu.memory_space<semaphore_mem>>) src(%arg16 : memref<128x128xf32, #tpu.memory_space<vmem>>) dst(%dma_wait3A_218 : memref<10112x128xf32, #tpu.memory_space<vmem_shared>>)
        } else {
        }
        %dma_start3A_213 = arith.constant 0 : i32
        %dma_start3A_214 = arith.constant 0 : i32
        %dma_start3A_215 = tpu.memref_slice %arg6[%dma_start3A_213, %dma_start3A_214] : memref<10112x128xf32, #tpu.memory_space<hbm>> -> memref<10112x128xf32, #tpu.memory_space<hbm>>
        tpu.enqueue_indirect_dma source(%dma_start3A_215 : memref<10112x128xf32, #tpu.memory_space<hbm>>) target(%arg16 : memref<128x128xf32, #tpu.memory_space<vmem>>) offsets(%arg13 : memref<128xi32, #tpu.memory_space<vmem>>) semaphore(%arg24 : memref<!tpu.dma_semaphore, #tpu.memory_space<semaphore_mem>>)
      } else {
      }
      %dma_wait3A_102 = arith.constant 0 : i32
      %dma_wait3A_103 = arith.constant 0 : i32
      %dma_wait3A_104 = tpu.memref_slice %arg4[%dma_wait3A_102, %dma_wait3A_103] : memref<10112x16xf32, #tpu.memory_space<hbm>> -> memref<10112x16xf32, #tpu.memory_space<hbm>>
      tpu.wait_indirect_dma semaphore(%arg25 : memref<!tpu.dma_semaphore, #tpu.memory_space<semaphore_mem>>) src(%dma_wait3A_104 : memref<10112x16xf32, #tpu.memory_space<hbm>>) dst(%arg17 : memref<128x16xf32, #tpu.memory_space<vmem>>)
      %dma_wait3A_105 = arith.constant 0 : i32
      %dma_wait3A_106 = arith.constant 0 : i32
      %dma_wait3A_107 = tpu.memref_slice %arg5[%dma_wait3A_105, %dma_wait3A_106] : memref<10112x16xf32, #tpu.memory_space<hbm>> -> memref<10112x16xf32, #tpu.memory_space<hbm>>
      tpu.wait_indirect_dma semaphore(%arg25 : memref<!tpu.dma_semaphore, #tpu.memory_space<semaphore_mem>>) src(%dma_wait3A_107 : memref<10112x16xf32, #tpu.memory_space<hbm>>) dst(%arg18 : memref<128x16xf32, #tpu.memory_space<vmem>>)
      %ge3A = arith.constant 1 : i32
      %ge3A_108 = arith.cmpi sge, %add3A_99, %ge3A : i32
      %convert_element_type3A_109 = arith.extui %ge3A_108 : i1 to i32
      %cond3A_110 = arith.constant 0 : i32
      %cond3A_111 = arith.cmpi ne, %convert_element_type3A_109, %cond3A_110 : i32
      scf.if %cond3A_111 {
        %dma_wait3A_194 = arith.constant 0 : i32
        %dma_wait3A_195 = arith.constant 0 : i32
        %dma_wait3A_196 = tpu.memref_slice %arg21[%dma_wait3A_194, %dma_wait3A_195] : memref<10112x16xf32, #tpu.memory_space<vmem_shared>> -> memref<10112x16xf32, #tpu.memory_space<vmem_shared>>
        tpu.wait_indirect_dma semaphore(%arg29 : memref<!tpu.dma_semaphore, #tpu.memory_space<semaphore_mem>>) src(%arg19 : memref<128x16xf32, #tpu.memory_space<vmem>>) dst(%dma_wait3A_196 : memref<10112x16xf32, #tpu.memory_space<vmem_shared>>)
      } else {
      }
      %scan3A_112 = arith.constant 0 : i32
      %scan3A_113 = arith.constant 0 : i32
      %scan3A_114 = arith.constant 128 : i32
      %scan3A_115 = arith.addi %scan3A_113, %scan3A_114 : i32
      %scan3A_116 = arith.constant 1 : i32
      scf.for %scan3A_194 = %scan3A_113 to %scan3A_115 step %scan3A_116  : i32 {
        %get3A = arith.index_cast %scan3A_194 : i32 to index
        %get3A_195 = arith.constant 0 : index
        %get3A_196 = tpu.vector_load %arg17[%get3A, %get3A_195] {strides = array<i32>} : memref<128x16xf32, #tpu.memory_space<vmem>>, vector<1x16xf32>,
        %get3A_197 = vector.shape_cast %get3A_196 : vector<1x16xf32> to vector<16xf32>
        %get3A_198 = arith.index_cast %scan3A_194 : i32 to index
        %get3A_199 = arith.constant 0 : index
        %get3A_200 = tpu.vector_load %arg18[%get3A_198, %get3A_199] {strides = array<i32>} : memref<128x16xf32, #tpu.memory_space<vmem>>, vector<1x16xf32>,
        %get3A_201 = vector.shape_cast %get3A_200 : vector<1x16xf32> to vector<16xf32>
        %add3A_202 = arith.addf %get3A_197, %get3A_201 : vector<16xf32>
        %gt3A = arith.constant 0.000000e+00 : f32
        %gt3A_203 = vector.broadcast %gt3A : f32 to vector<16xf32>
        %gt3A_204 = arith.cmpf ogt, %add3A_202, %gt3A_203 : vector<16xf32>
        %mul3A_205 = arith.constant 2.000000e-01 : f32
        %mul3A_206 = vector.broadcast %mul3A_205 : f32 to vector<16xf32>
        %mul3A_207 = arith.mulf %mul3A_206, %add3A_202 : vector<16xf32>
        %select_n3A = arith.select %gt3A_204, %add3A_202, %mul3A_207 : vector<16xi1>, vector<16xf32>
        %exp3A = math.exp %select_n3A : vector<16xf32>
        %swap3A = arith.index_cast %scan3A_194 : i32 to index
        %swap3A_208 = arith.constant 0 : index
        %swap3A_209 = tpu.vector_load %arg19[%swap3A, %swap3A_208] {strides = array<i32>} : memref<128x16xf32, #tpu.memory_space<vmem>>, vector<1x16xf32>,
        %swap3A_210 = vector.shape_cast %swap3A_209 : vector<1x16xf32> to vector<16xf32>
        %swap3A_211 = vector.shape_cast %exp3A : vector<16xf32> to vector<1x16xf32>
        tpu.vector_store %arg19[%swap3A, %swap3A_208], %swap3A_211 {strides = array<i32>} : memref<128x16xf32, #tpu.memory_space<vmem>>, vector<1x16xf32>,
      }
      %scan3A_117 = arith.constant 128 : i32
      %dma_wait3A_118 = arith.constant 0 : i32
      %dma_wait3A_119 = arith.constant 0 : i32
      %dma_wait3A_120 = tpu.memref_slice %arg6[%dma_wait3A_118, %dma_wait3A_119] : memref<10112x128xf32, #tpu.memory_space<hbm>> -> memref<10112x128xf32, #tpu.memory_space<hbm>>
      tpu.wait_indirect_dma semaphore(%arg23 : memref<!tpu.dma_semaphore, #tpu.memory_space<semaphore_mem>>) src(%dma_wait3A_120 : memref<10112x128xf32, #tpu.memory_space<hbm>>) dst(%arg15 : memref<128x128xf32, #tpu.memory_space<vmem>>)
      %scan3A_121 = arith.constant 0 : i32
      %scan3A_122 = arith.constant 0 : i32
      %scan3A_123 = arith.constant 128 : i32
      %scan3A_124 = arith.addi %scan3A_122, %scan3A_123 : i32
      %scan3A_125 = arith.constant 2 : i32
      scf.for %scan3A_194 = %scan3A_122 to %scan3A_124 step %scan3A_125  : i32 {
        %get3A = arith.index_cast %scan3A_194 : i32 to index
        %get3A_195 = arith.constant 0 : index
        %get3A_196 = tpu.vector_load %arg19[%get3A, %get3A_195] {strides = array<i32>} : memref<128x16xf32, #tpu.memory_space<vmem>>, vector<1x16xf32>,
        %get3A_197 = vector.shape_cast %get3A_196 : vector<1x16xf32> to vector<16xf32>
        %get3A_198 = arith.index_cast %scan3A_194 : i32 to index
        %get3A_199 = arith.constant 0 : index
        %get3A_200 = tpu.vector_load %arg15[%get3A_198, %get3A_199] {strides = array<i32>} : memref<128x128xf32, #tpu.memory_space<vmem>>, vector<1x16xf32>,
        %get3A_201 = vector.shape_cast %get3A_200 : vector<1x16xf32> to vector<16xf32>
        %slice3A = vector.extract_strided_slice %get3A_197 {offsets = [0], sizes = [1], strides = [1]} : vector<16xf32> to vector<1xf32>
        %squeeze3A = vector.extract %slice3A[0] : f32 from vector<1xf32>
        %mul3A_202 = vector.broadcast %squeeze3A : f32 to vector<16xf32>
        %mul3A_203 = arith.mulf %get3A_201, %mul3A_202 : vector<16xf32>
        %swap3A = arith.index_cast %scan3A_194 : i32 to index
        %swap3A_204 = arith.constant 0 : index
        %swap3A_205 = tpu.vector_load %arg15[%swap3A, %swap3A_204] {strides = array<i32>} : memref<128x128xf32, #tpu.memory_space<vmem>>, vector<1x16xf32>,
        %swap3A_206 = vector.shape_cast %swap3A_205 : vector<1x16xf32> to vector<16xf32>
        %swap3A_207 = vector.shape_cast %mul3A_203 : vector<16xf32> to vector<1x16xf32>
        tpu.vector_store %arg15[%swap3A, %swap3A_204], %swap3A_207 {strides = array<i32>} : memref<128x128xf32, #tpu.memory_space<vmem>>, vector<1x16xf32>,
        %get3A_208 = arith.index_cast %scan3A_194 : i32 to index
        %get3A_209 = arith.constant 16 : index
        %get3A_210 = tpu.vector_load %arg15[%get3A_208, %get3A_209] {strides = array<i32>} : memref<128x128xf32, #tpu.memory_space<vmem>>, vector<1x16xf32>,
        %get3A_211 = vector.shape_cast %get3A_210 : vector<1x16xf32> to vector<16xf32>
        %slice3A_212 = vector.extract_strided_slice %get3A_197 {offsets = [1], sizes = [1], strides = [1]} : vector<16xf32> to vector<1xf32>
        %squeeze3A_213 = vector.extract %slice3A_212[0] : f32 from vector<1xf32>
        %mul3A_214 = vector.broadcast %squeeze3A_213 : f32 to vector<16xf32>
        %mul3A_215 = arith.mulf %get3A_211, %mul3A_214 : vector<16xf32>
        %swap3A_216 = arith.index_cast %scan3A_194 : i32 to index
        %swap3A_217 = arith.constant 16 : index
        %swap3A_218 = tpu.vector_load %arg15[%swap3A_216, %swap3A_217] {strides = array<i32>} : memref<128x128xf32, #tpu.memory_space<vmem>>, vector<1x16xf32>,
        %swap3A_219 = vector.shape_cast %swap3A_218 : vector<1x16xf32> to vector<16xf32>
        %swap3A_220 = vector.shape_cast %mul3A_215 : vector<16xf32> to vector<1x16xf32>
        tpu.vector_store %arg15[%swap3A_216, %swap3A_217], %swap3A_220 {strides = array<i32>} : memref<128x128xf32, #tpu.memory_space<vmem>>, vector<1x16xf32>,
        %get3A_221 = arith.index_cast %scan3A_194 : i32 to index
        %get3A_222 = arith.constant 32 : index
        %get3A_223 = tpu.vector_load %arg15[%get3A_221, %get3A_222] {strides = array<i32>} : memref<128x128xf32, #tpu.memory_space<vmem>>, vector<1x16xf32>,
        %get3A_224 = vector.shape_cast %get3A_223 : vector<1x16xf32> to vector<16xf32>
        %slice3A_225 = vector.extract_strided_slice %get3A_197 {offsets = [2], sizes = [1], strides = [1]} : vector<16xf32> to vector<1xf32>
        %squeeze3A_226 = vector.extract %slice3A_225[0] : f32 from vector<1xf32>
        %mul3A_227 = vector.broadcast %squeeze3A_226 : f32 to vector<16xf32>
        %mul3A_228 = arith.mulf %get3A_224, %mul3A_227 : vector<16xf32>
        %swap3A_229 = arith.index_cast %scan3A_194 : i32 to index
        %swap3A_230 = arith.constant 32 : index
        %swap3A_231 = tpu.vector_load %arg15[%swap3A_229, %swap3A_230] {strides = array<i32>} : memref<128x128xf32, #tpu.memory_space<vmem>>, vector<1x16xf32>,
        %swap3A_232 = vector.shape_cast %swap3A_231 : vector<1x16xf32> to vector<16xf32>
        %swap3A_233 = vector.shape_cast %mul3A_228 : vector<16xf32> to vector<1x16xf32>
        tpu.vector_store %arg15[%swap3A_229, %swap3A_230], %swap3A_233 {strides = array<i32>} : memref<128x128xf32, #tpu.memory_space<vmem>>, vector<1x16xf32>,
        %get3A_234 = arith.index_cast %scan3A_194 : i32 to index
        %get3A_235 = arith.constant 48 : index
        %get3A_236 = tpu.vector_load %arg15[%get3A_234, %get3A_235] {strides = array<i32>} : memref<128x128xf32, #tpu.memory_space<vmem>>, vector<1x16xf32>,
        %get3A_237 = vector.shape_cast %get3A_236 : vector<1x16xf32> to vector<16xf32>
        %slice3A_238 = vector.extract_strided_slice %get3A_197 {offsets = [3], sizes = [1], strides = [1]} : vector<16xf32> to vector<1xf32>
        %squeeze3A_239 = vector.extract %slice3A_238[0] : f32 from vector<1xf32>
        %mul3A_240 = vector.broadcast %squeeze3A_239 : f32 to vector<16xf32>
        %mul3A_241 = arith.mulf %get3A_237, %mul3A_240 : vector<16xf32>
        %swap3A_242 = arith.index_cast %scan3A_194 : i32 to index
        %swap3A_243 = arith.constant 48 : index
        %swap3A_244 = tpu.vector_load %arg15[%swap3A_242, %swap3A_243] {strides = array<i32>} : memref<128x128xf32, #tpu.memory_space<vmem>>, vector<1x16xf32>,
        %swap3A_245 = vector.shape_cast %swap3A_244 : vector<1x16xf32> to vector<16xf32>
        %swap3A_246 = vector.shape_cast %mul3A_241 : vector<16xf32> to vector<1x16xf32>
        tpu.vector_store %arg15[%swap3A_242, %swap3A_243], %swap3A_246 {strides = array<i32>} : memref<128x128xf32, #tpu.memory_space<vmem>>, vector<1x16xf32>,
        %get3A_247 = arith.index_cast %scan3A_194 : i32 to index
        %get3A_248 = arith.constant 64 : index
        %get3A_249 = tpu.vector_load %arg15[%get3A_247, %get3A_248] {strides = array<i32>} : memref<128x128xf32, #tpu.memory_space<vmem>>, vector<1x16xf32>,
        %get3A_250 = vector.shape_cast %get3A_249 : vector<1x16xf32> to vector<16xf32>
        %slice3A_251 = vector.extract_strided_slice %get3A_197 {offsets = [4], sizes = [1], strides = [1]} : vector<16xf32> to vector<1xf32>
        %squeeze3A_252 = vector.extract %slice3A_251[0] : f32 from vector<1xf32>
        %mul3A_253 = vector.broadcast %squeeze3A_252 : f32 to vector<16xf32>
        %mul3A_254 = arith.mulf %get3A_250, %mul3A_253 : vector<16xf32>
        %swap3A_255 = arith.index_cast %scan3A_194 : i32 to index
        %swap3A_256 = arith.constant 64 : index
        %swap3A_257 = tpu.vector_load %arg15[%swap3A_255, %swap3A_256] {strides = array<i32>} : memref<128x128xf32, #tpu.memory_space<vmem>>, vector<1x16xf32>,
        %swap3A_258 = vector.shape_cast %swap3A_257 : vector<1x16xf32> to vector<16xf32>
        %swap3A_259 = vector.shape_cast %mul3A_254 : vector<16xf32> to vector<1x16xf32>
        tpu.vector_store %arg15[%swap3A_255, %swap3A_256], %swap3A_259 {strides = array<i32>} : memref<128x128xf32, #tpu.memory_space<vmem>>, vector<1x16xf32>,
        %get3A_260 = arith.index_cast %scan3A_194 : i32 to index
        %get3A_261 = arith.constant 80 : index
        %get3A_262 = tpu.vector_load %arg15[%get3A_260, %get3A_261] {strides = array<i32>} : memref<128x128xf32, #tpu.memory_space<vmem>>, vector<1x16xf32>,
        %get3A_263 = vector.shape_cast %get3A_262 : vector<1x16xf32> to vector<16xf32>
        %slice3A_264 = vector.extract_strided_slice %get3A_197 {offsets = [5], sizes = [1], strides = [1]} : vector<16xf32> to vector<1xf32>
        %squeeze3A_265 = vector.extract %slice3A_264[0] : f32 from vector<1xf32>
        %mul3A_266 = vector.broadcast %squeeze3A_265 : f32 to vector<16xf32>
        %mul3A_267 = arith.mulf %get3A_263, %mul3A_266 : vector<16xf32>
        %swap3A_268 = arith.index_cast %scan3A_194 : i32 to index
        %swap3A_269 = arith.constant 80 : index
        %swap3A_270 = tpu.vector_load %arg15[%swap3A_268, %swap3A_269] {strides = array<i32>} : memref<128x128xf32, #tpu.memory_space<vmem>>, vector<1x16xf32>,
        %swap3A_271 = vector.shape_cast %swap3A_270 : vector<1x16xf32> to vector<16xf32>
        %swap3A_272 = vector.shape_cast %mul3A_267 : vector<16xf32> to vector<1x16xf32>
        tpu.vector_store %arg15[%swap3A_268, %swap3A_269], %swap3A_272 {strides = array<i32>} : memref<128x128xf32, #tpu.memory_space<vmem>>, vector<1x16xf32>,
        %get3A_273 = arith.index_cast %scan3A_194 : i32 to index
        %get3A_274 = arith.constant 96 : index
        %get3A_275 = tpu.vector_load %arg15[%get3A_273, %get3A_274] {strides = array<i32>} : memref<128x128xf32, #tpu.memory_space<vmem>>, vector<1x16xf32>,
        %get3A_276 = vector.shape_cast %get3A_275 : vector<1x16xf32> to vector<16xf32>
        %slice3A_277 = vector.extract_strided_slice %get3A_197 {offsets = [6], sizes = [1], strides = [1]} : vector<16xf32> to vector<1xf32>
        %squeeze3A_278 = vector.extract %slice3A_277[0] : f32 from vector<1xf32>
        %mul3A_279 = vector.broadcast %squeeze3A_278 : f32 to vector<16xf32>
        %mul3A_280 = arith.mulf %get3A_276, %mul3A_279 : vector<16xf32>
        %swap3A_281 = arith.index_cast %scan3A_194 : i32 to index
        %swap3A_282 = arith.constant 96 : index
        %swap3A_283 = tpu.vector_load %arg15[%swap3A_281, %swap3A_282] {strides = array<i32>} : memref<128x128xf32, #tpu.memory_space<vmem>>, vector<1x16xf32>,
        %swap3A_284 = vector.shape_cast %swap3A_283 : vector<1x16xf32> to vector<16xf32>
        %swap3A_285 = vector.shape_cast %mul3A_280 : vector<16xf32> to vector<1x16xf32>
        tpu.vector_store %arg15[%swap3A_281, %swap3A_282], %swap3A_285 {strides = array<i32>} : memref<128x128xf32, #tpu.memory_space<vmem>>, vector<1x16xf32>,
        %get3A_286 = arith.index_cast %scan3A_194 : i32 to index
        %get3A_287 = arith.constant 112 : index
        %get3A_288 = tpu.vector_load %arg15[%get3A_286, %get3A_287] {strides = array<i32>} : memref<128x128xf32, #tpu.memory_space<vmem>>, vector<1x16xf32>,
        %get3A_289 = vector.shape_cast %get3A_288 : vector<1x16xf32> to vector<16xf32>
        %slice3A_290 = vector.extract_strided_slice %get3A_197 {offsets = [7], sizes = [1], strides = [1]} : vector<16xf32> to vector<1xf32>
        %squeeze3A_291 = vector.extract %slice3A_290[0] : f32 from vector<1xf32>
        %mul3A_292 = vector.broadcast %squeeze3A_291 : f32 to vector<16xf32>
        %mul3A_293 = arith.mulf %get3A_289, %mul3A_292 : vector<16xf32>
        %swap3A_294 = arith.index_cast %scan3A_194 : i32 to index
        %swap3A_295 = arith.constant 112 : index
        %swap3A_296 = tpu.vector_load %arg15[%swap3A_294, %swap3A_295] {strides = array<i32>} : memref<128x128xf32, #tpu.memory_space<vmem>>, vector<1x16xf32>,
        %swap3A_297 = vector.shape_cast %swap3A_296 : vector<1x16xf32> to vector<16xf32>
        %swap3A_298 = vector.shape_cast %mul3A_293 : vector<16xf32> to vector<1x16xf32>
        tpu.vector_store %arg15[%swap3A_294, %swap3A_295], %swap3A_298 {strides = array<i32>} : memref<128x128xf32, #tpu.memory_space<vmem>>, vector<1x16xf32>,
        %scan3A_299 = arith.constant 1 : i32
        %scan3A_300 = arith.addi %scan3A_194, %scan3A_299 : i32
        %get3A_301 = arith.index_cast %scan3A_300 : i32 to index
        %get3A_302 = arith.constant 0 : index
        %get3A_303 = tpu.vector_load %arg19[%get3A_301, %get3A_302] {strides = array<i32>} : memref<128x16xf32, #tpu.memory_space<vmem>>, vector<1x16xf32>,
        %get3A_304 = vector.shape_cast %get3A_303 : vector<1x16xf32> to vector<16xf32>
        %get3A_305 = arith.index_cast %scan3A_300 : i32 to index
        %get3A_306 = arith.constant 0 : index
        %get3A_307 = tpu.vector_load %arg15[%get3A_305, %get3A_306] {strides = array<i32>} : memref<128x128xf32, #tpu.memory_space<vmem>>, vector<1x16xf32>,
        %get3A_308 = vector.shape_cast %get3A_307 : vector<1x16xf32> to vector<16xf32>
        %slice3A_309 = vector.extract_strided_slice %get3A_304 {offsets = [0], sizes = [1], strides = [1]} : vector<16xf32> to vector<1xf32>
        %squeeze3A_310 = vector.extract %slice3A_309[0] : f32 from vector<1xf32>
        %mul3A_311 = vector.broadcast %squeeze3A_310 : f32 to vector<16xf32>
        %mul3A_312 = arith.mulf %get3A_308, %mul3A_311 : vector<16xf32>
        %swap3A_313 = arith.index_cast %scan3A_300 : i32 to index
        %swap3A_314 = arith.constant 0 : index
        %swap3A_315 = tpu.vector_load %arg15[%swap3A_313, %swap3A_314] {strides = array<i32>} : memref<128x128xf32, #tpu.memory_space<vmem>>, vector<1x16xf32>,
        %swap3A_316 = vector.shape_cast %swap3A_315 : vector<1x16xf32> to vector<16xf32>
        %swap3A_317 = vector.shape_cast %mul3A_312 : vector<16xf32> to vector<1x16xf32>
        tpu.vector_store %arg15[%swap3A_313, %swap3A_314], %swap3A_317 {strides = array<i32>} : memref<128x128xf32, #tpu.memory_space<vmem>>, vector<1x16xf32>,
        %get3A_318 = arith.index_cast %scan3A_300 : i32 to index
        %get3A_319 = arith.constant 16 : index
        %get3A_320 = tpu.vector_load %arg15[%get3A_318, %get3A_319] {strides = array<i32>} : memref<128x128xf32, #tpu.memory_space<vmem>>, vector<1x16xf32>,
        %get3A_321 = vector.shape_cast %get3A_320 : vector<1x16xf32> to vector<16xf32>
        %slice3A_322 = vector.extract_strided_slice %get3A_304 {offsets = [1], sizes = [1], strides = [1]} : vector<16xf32> to vector<1xf32>
        %squeeze3A_323 = vector.extract %slice3A_322[0] : f32 from vector<1xf32>
        %mul3A_324 = vector.broadcast %squeeze3A_323 : f32 to vector<16xf32>
        %mul3A_325 = arith.mulf %get3A_321, %mul3A_324 : vector<16xf32>
        %swap3A_326 = arith.index_cast %scan3A_300 : i32 to index
        %swap3A_327 = arith.constant 16 : index
        %swap3A_328 = tpu.vector_load %arg15[%swap3A_326, %swap3A_327] {strides = array<i32>} : memref<128x128xf32, #tpu.memory_space<vmem>>, vector<1x16xf32>,
        %swap3A_329 = vector.shape_cast %swap3A_328 : vector<1x16xf32> to vector<16xf32>
        %swap3A_330 = vector.shape_cast %mul3A_325 : vector<16xf32> to vector<1x16xf32>
        tpu.vector_store %arg15[%swap3A_326, %swap3A_327], %swap3A_330 {strides = array<i32>} : memref<128x128xf32, #tpu.memory_space<vmem>>, vector<1x16xf32>,
        %get3A_331 = arith.index_cast %scan3A_300 : i32 to index
        %get3A_332 = arith.constant 32 : index
        %get3A_333 = tpu.vector_load %arg15[%get3A_331, %get3A_332] {strides = array<i32>} : memref<128x128xf32, #tpu.memory_space<vmem>>, vector<1x16xf32>,
        %get3A_334 = vector.shape_cast %get3A_333 : vector<1x16xf32> to vector<16xf32>
        %slice3A_335 = vector.extract_strided_slice %get3A_304 {offsets = [2], sizes = [1], strides = [1]} : vector<16xf32> to vector<1xf32>
        %squeeze3A_336 = vector.extract %slice3A_335[0] : f32 from vector<1xf32>
        %mul3A_337 = vector.broadcast %squeeze3A_336 : f32 to vector<16xf32>
        %mul3A_338 = arith.mulf %get3A_334, %mul3A_337 : vector<16xf32>
        %swap3A_339 = arith.index_cast %scan3A_300 : i32 to index
        %swap3A_340 = arith.constant 32 : index
        %swap3A_341 = tpu.vector_load %arg15[%swap3A_339, %swap3A_340] {strides = array<i32>} : memref<128x128xf32, #tpu.memory_space<vmem>>, vector<1x16xf32>,
        %swap3A_342 = vector.shape_cast %swap3A_341 : vector<1x16xf32> to vector<16xf32>
        %swap3A_343 = vector.shape_cast %mul3A_338 : vector<16xf32> to vector<1x16xf32>
        tpu.vector_store %arg15[%swap3A_339, %swap3A_340], %swap3A_343 {strides = array<i32>} : memref<128x128xf32, #tpu.memory_space<vmem>>, vector<1x16xf32>,
        %get3A_344 = arith.index_cast %scan3A_300 : i32 to index
        %get3A_345 = arith.constant 48 : index
        %get3A_346 = tpu.vector_load %arg15[%get3A_344, %get3A_345] {strides = array<i32>} : memref<128x128xf32, #tpu.memory_space<vmem>>, vector<1x16xf32>,
        %get3A_347 = vector.shape_cast %get3A_346 : vector<1x16xf32> to vector<16xf32>
        %slice3A_348 = vector.extract_strided_slice %get3A_304 {offsets = [3], sizes = [1], strides = [1]} : vector<16xf32> to vector<1xf32>
        %squeeze3A_349 = vector.extract %slice3A_348[0] : f32 from vector<1xf32>
        %mul3A_350 = vector.broadcast %squeeze3A_349 : f32 to vector<16xf32>
        %mul3A_351 = arith.mulf %get3A_347, %mul3A_350 : vector<16xf32>
        %swap3A_352 = arith.index_cast %scan3A_300 : i32 to index
        %swap3A_353 = arith.constant 48 : index
        %swap3A_354 = tpu.vector_load %arg15[%swap3A_352, %swap3A_353] {strides = array<i32>} : memref<128x128xf32, #tpu.memory_space<vmem>>, vector<1x16xf32>,
        %swap3A_355 = vector.shape_cast %swap3A_354 : vector<1x16xf32> to vector<16xf32>
        %swap3A_356 = vector.shape_cast %mul3A_351 : vector<16xf32> to vector<1x16xf32>
        tpu.vector_store %arg15[%swap3A_352, %swap3A_353], %swap3A_356 {strides = array<i32>} : memref<128x128xf32, #tpu.memory_space<vmem>>, vector<1x16xf32>,
        %get3A_357 = arith.index_cast %scan3A_300 : i32 to index
        %get3A_358 = arith.constant 64 : index
        %get3A_359 = tpu.vector_load %arg15[%get3A_357, %get3A_358] {strides = array<i32>} : memref<128x128xf32, #tpu.memory_space<vmem>>, vector<1x16xf32>,
        %get3A_360 = vector.shape_cast %get3A_359 : vector<1x16xf32> to vector<16xf32>
        %slice3A_361 = vector.extract_strided_slice %get3A_304 {offsets = [4], sizes = [1], strides = [1]} : vector<16xf32> to vector<1xf32>
        %squeeze3A_362 = vector.extract %slice3A_361[0] : f32 from vector<1xf32>
        %mul3A_363 = vector.broadcast %squeeze3A_362 : f32 to vector<16xf32>
        %mul3A_364 = arith.mulf %get3A_360, %mul3A_363 : vector<16xf32>
        %swap3A_365 = arith.index_cast %scan3A_300 : i32 to index
        %swap3A_366 = arith.constant 64 : index
        %swap3A_367 = tpu.vector_load %arg15[%swap3A_365, %swap3A_366] {strides = array<i32>} : memref<128x128xf32, #tpu.memory_space<vmem>>, vector<1x16xf32>,
        %swap3A_368 = vector.shape_cast %swap3A_367 : vector<1x16xf32> to vector<16xf32>
        %swap3A_369 = vector.shape_cast %mul3A_364 : vector<16xf32> to vector<1x16xf32>
        tpu.vector_store %arg15[%swap3A_365, %swap3A_366], %swap3A_369 {strides = array<i32>} : memref<128x128xf32, #tpu.memory_space<vmem>>, vector<1x16xf32>,
        %get3A_370 = arith.index_cast %scan3A_300 : i32 to index
        %get3A_371 = arith.constant 80 : index
        %get3A_372 = tpu.vector_load %arg15[%get3A_370, %get3A_371] {strides = array<i32>} : memref<128x128xf32, #tpu.memory_space<vmem>>, vector<1x16xf32>,
        %get3A_373 = vector.shape_cast %get3A_372 : vector<1x16xf32> to vector<16xf32>
        %slice3A_374 = vector.extract_strided_slice %get3A_304 {offsets = [5], sizes = [1], strides = [1]} : vector<16xf32> to vector<1xf32>
        %squeeze3A_375 = vector.extract %slice3A_374[0] : f32 from vector<1xf32>
        %mul3A_376 = vector.broadcast %squeeze3A_375 : f32 to vector<16xf32>
        %mul3A_377 = arith.mulf %get3A_373, %mul3A_376 : vector<16xf32>
        %swap3A_378 = arith.index_cast %scan3A_300 : i32 to index
        %swap3A_379 = arith.constant 80 : index
        %swap3A_380 = tpu.vector_load %arg15[%swap3A_378, %swap3A_379] {strides = array<i32>} : memref<128x128xf32, #tpu.memory_space<vmem>>, vector<1x16xf32>,
        %swap3A_381 = vector.shape_cast %swap3A_380 : vector<1x16xf32> to vector<16xf32>
        %swap3A_382 = vector.shape_cast %mul3A_377 : vector<16xf32> to vector<1x16xf32>
        tpu.vector_store %arg15[%swap3A_378, %swap3A_379], %swap3A_382 {strides = array<i32>} : memref<128x128xf32, #tpu.memory_space<vmem>>, vector<1x16xf32>,
        %get3A_383 = arith.index_cast %scan3A_300 : i32 to index
        %get3A_384 = arith.constant 96 : index
        %get3A_385 = tpu.vector_load %arg15[%get3A_383, %get3A_384] {strides = array<i32>} : memref<128x128xf32, #tpu.memory_space<vmem>>, vector<1x16xf32>,
        %get3A_386 = vector.shape_cast %get3A_385 : vector<1x16xf32> to vector<16xf32>
        %slice3A_387 = vector.extract_strided_slice %get3A_304 {offsets = [6], sizes = [1], strides = [1]} : vector<16xf32> to vector<1xf32>
        %squeeze3A_388 = vector.extract %slice3A_387[0] : f32 from vector<1xf32>
        %mul3A_389 = vector.broadcast %squeeze3A_388 : f32 to vector<16xf32>
        %mul3A_390 = arith.mulf %get3A_386, %mul3A_389 : vector<16xf32>
        %swap3A_391 = arith.index_cast %scan3A_300 : i32 to index
        %swap3A_392 = arith.constant 96 : index
        %swap3A_393 = tpu.vector_load %arg15[%swap3A_391, %swap3A_392] {strides = array<i32>} : memref<128x128xf32, #tpu.memory_space<vmem>>, vector<1x16xf32>,
        %swap3A_394 = vector.shape_cast %swap3A_393 : vector<1x16xf32> to vector<16xf32>
        %swap3A_395 = vector.shape_cast %mul3A_390 : vector<16xf32> to vector<1x16xf32>
        tpu.vector_store %arg15[%swap3A_391, %swap3A_392], %swap3A_395 {strides = array<i32>} : memref<128x128xf32, #tpu.memory_space<vmem>>, vector<1x16xf32>,
        %get3A_396 = arith.index_cast %scan3A_300 : i32 to index
        %get3A_397 = arith.constant 112 : index
        %get3A_398 = tpu.vector_load %arg15[%get3A_396, %get3A_397] {strides = array<i32>} : memref<128x128xf32, #tpu.memory_space<vmem>>, vector<1x16xf32>,
        %get3A_399 = vector.shape_cast %get3A_398 : vector<1x16xf32> to vector<16xf32>
        %slice3A_400 = vector.extract_strided_slice %get3A_304 {offsets = [7], sizes = [1], strides = [1]} : vector<16xf32> to vector<1xf32>
        %squeeze3A_401 = vector.extract %slice3A_400[0] : f32 from vector<1xf32>
        %mul3A_402 = vector.broadcast %squeeze3A_401 : f32 to vector<16xf32>
        %mul3A_403 = arith.mulf %get3A_399, %mul3A_402 : vector<16xf32>
        %swap3A_404 = arith.index_cast %scan3A_300 : i32 to index
        %swap3A_405 = arith.constant 112 : index
        %swap3A_406 = tpu.vector_load %arg15[%swap3A_404, %swap3A_405] {strides = array<i32>} : memref<128x128xf32, #tpu.memory_space<vmem>>, vector<1x16xf32>,
        %swap3A_407 = vector.shape_cast %swap3A_406 : vector<1x16xf32> to vector<16xf32>
        %swap3A_408 = vector.shape_cast %mul3A_403 : vector<16xf32> to vector<1x16xf32>
        tpu.vector_store %arg15[%swap3A_404, %swap3A_405], %swap3A_408 {strides = array<i32>} : memref<128x128xf32, #tpu.memory_space<vmem>>, vector<1x16xf32>,
      }
      %scan3A_126 = arith.constant 128 : i32
      %dma_start3A_127 = arith.constant 0 : i32
      %dma_start3A_128 = arith.constant 0 : i32
      %dma_start3A_129 = tpu.memref_slice %arg20[%dma_start3A_127, %dma_start3A_128] : memref<10112x128xf32, #tpu.memory_space<vmem_shared>> -> memref<10112x128xf32, #tpu.memory_space<vmem_shared>>
      tpu.enqueue_indirect_dma source(%arg15 : memref<128x128xf32, #tpu.memory_space<vmem>>) target(%dma_start3A_129 : memref<10112x128xf32, #tpu.memory_space<vmem_shared>>) offsets(%arg12 : memref<128xi32, #tpu.memory_space<vmem>>) semaphore(%arg27 : memref<!tpu.dma_semaphore, #tpu.memory_space<semaphore_mem>>) {add = true}
      %dma_start3A_130 = arith.constant 0 : i32
      %dma_start3A_131 = arith.constant 0 : i32
      %dma_start3A_132 = tpu.memref_slice %arg21[%dma_start3A_130, %dma_start3A_131] : memref<10112x16xf32, #tpu.memory_space<vmem_shared>> -> memref<10112x16xf32, #tpu.memory_space<vmem_shared>>
      tpu.enqueue_indirect_dma source(%arg19 : memref<128x16xf32, #tpu.memory_space<vmem>>) target(%dma_start3A_132 : memref<10112x16xf32, #tpu.memory_space<vmem_shared>>) offsets(%arg12 : memref<128xi32, #tpu.memory_space<vmem>>) semaphore(%arg29 : memref<!tpu.dma_semaphore, #tpu.memory_space<semaphore_mem>>) {add = true}
      %lt3A_133 = arith.constant 78 : i32
      %lt3A_134 = arith.cmpi slt, %add3A_99, %lt3A_133 : i32
      %convert_element_type3A_135 = arith.extui %lt3A_134 : i1 to i32
      %cond3A_136 = arith.constant 0 : i32
      %cond3A_137 = arith.cmpi ne, %convert_element_type3A_135, %cond3A_136 : i32
      scf.if %cond3A_137 {
        %add3A_194 = arith.constant 2 : i32
        %add3A_195 = arith.addi %add3A_99, %add3A_194 : i32
        %mul3A_196 = arith.constant 80 : i32
        %mul3A_197 = arith.muli %add3A, %mul3A_196 : i32
        %add3A_198 = arith.addi %mul3A_197, %add3A_195 : i32
        %dma_start3A_199 = arith.constant 0 : i32
        %dma_start3A_200 = tpu.memref_slice %arg2[%add3A_198, %dma_start3A_199] : memref<2560x128xi32, #tpu.memory_space<hbm>> -> memref<1x128xi32, #tpu.memory_space<hbm>>
        %dma_start3A_201 = tpu.memref_squeeze %dma_start3A_200 : memref<1x128xi32, #tpu.memory_space<hbm>> -> memref<128xi32, #tpu.memory_space<hbm>>
        %dma_start3A_202 = arith.constant 0 : i32
        %dma_start3A_203 = tpu.memref_slice %arg2[%add3A_198, %dma_start3A_202] : memref<2560x128xi32, #tpu.memory_space<hbm>> -> memref<1x128xi32, #tpu.memory_space<hbm>>
        %dma_start3A_204 = tpu.memref_squeeze %dma_start3A_203 : memref<1x128xi32, #tpu.memory_space<hbm>> -> memref<128xi32, #tpu.memory_space<hbm>>
        tpu.enqueue_dma source(%dma_start3A_204 : memref<128xi32, #tpu.memory_space<hbm>>) target(%arg11 : memref<128xi32, #tpu.memory_space<vmem>>) target_semaphore(%arg22 : memref<!tpu.dma_semaphore, #tpu.memory_space<semaphore_mem>>)
        %mul3A_205 = arith.constant 80 : i32
        %mul3A_206 = arith.muli %add3A, %mul3A_205 : i32
        %add3A_207 = arith.addi %mul3A_206, %add3A_195 : i32
        %dma_start3A_208 = arith.constant 0 : i32
        %dma_start3A_209 = tpu.memref_slice %arg3[%add3A_207, %dma_start3A_208] : memref<2560x128xi32, #tpu.memory_space<hbm>> -> memref<1x128xi32, #tpu.memory_space<hbm>>
        %dma_start3A_210 = tpu.memref_squeeze %dma_start3A_209 : memref<1x128xi32, #tpu.memory_space<hbm>> -> memref<128xi32, #tpu.memory_space<hbm>>
        %dma_start3A_211 = arith.constant 0 : i32
        %dma_start3A_212 = tpu.memref_slice %arg3[%add3A_207, %dma_start3A_211] : memref<2560x128xi32, #tpu.memory_space<hbm>> -> memref<1x128xi32, #tpu.memory_space<hbm>>
        %dma_start3A_213 = tpu.memref_squeeze %dma_start3A_212 : memref<1x128xi32, #tpu.memory_space<hbm>> -> memref<128xi32, #tpu.memory_space<hbm>>
        tpu.enqueue_dma source(%dma_start3A_213 : memref<128xi32, #tpu.memory_space<hbm>>) target(%arg12 : memref<128xi32, #tpu.memory_space<vmem>>) target_semaphore(%arg22 : memref<!tpu.dma_semaphore, #tpu.memory_space<semaphore_mem>>)
      } else {
      }
      %lt3A_138 = arith.constant 79 : i32
      %lt3A_139 = arith.cmpi slt, %add3A_99, %lt3A_138 : i32
      %convert_element_type3A_140 = arith.extui %lt3A_139 : i1 to i32
      %cond3A_141 = arith.constant 0 : i32
      %cond3A_142 = arith.cmpi ne, %convert_element_type3A_140, %cond3A_141 : i32
      scf.if %cond3A_142 {
        %dma_start3A_194 = arith.constant 0 : i32
        %dma_start3A_195 = arith.constant 0 : i32
        %dma_start3A_196 = tpu.memref_slice %arg4[%dma_start3A_194, %dma_start3A_195] : memref<10112x16xf32, #tpu.memory_space<hbm>> -> memref<10112x16xf32, #tpu.memory_space<hbm>>
        tpu.enqueue_indirect_dma source(%dma_start3A_196 : memref<10112x16xf32, #tpu.memory_space<hbm>>) target(%arg17 : memref<128x16xf32, #tpu.memory_space<vmem>>) offsets(%arg13 : memref<128xi32, #tpu.memory_space<vmem>>) semaphore(%arg25 : memref<!tpu.dma_semaphore, #tpu.memory_space<semaphore_mem>>)
        %dma_start3A_197 = arith.constant 0 : i32
        %dma_start3A_198 = arith.constant 0 : i32
        %dma_start3A_199 = tpu.memref_slice %arg5[%dma_start3A_197, %dma_start3A_198] : memref<10112x16xf32, #tpu.memory_space<hbm>> -> memref<10112x16xf32, #tpu.memory_space<hbm>>
        tpu.enqueue_indirect_dma source(%dma_start3A_199 : memref<10112x16xf32, #tpu.memory_space<hbm>>) target(%arg18 : memref<128x16xf32, #tpu.memory_space<vmem>>) offsets(%arg14 : memref<128xi32, #tpu.memory_space<vmem>>) semaphore(%arg25 : memref<!tpu.dma_semaphore, #tpu.memory_space<semaphore_mem>>)
      } else {
      }
      %mul3A_143 = arith.constant 2 : i32
      %mul3A_144 = arith.muli %mul3A_143, %scan3A_95 : i32
      %add3A_145 = arith.constant 1 : i32
      %add3A_146 = arith.addi %mul3A_144, %add3A_145 : i32
      %lt3A_147 = arith.constant 79 : i32
      %lt3A_148 = arith.cmpi slt, %add3A_146, %lt3A_147 : i32
      %convert_element_type3A_149 = arith.extui %lt3A_148 : i1 to i32
      %cond3A_150 = arith.constant 0 : i32
      %cond3A_151 = arith.cmpi ne, %convert_element_type3A_149, %cond3A_150 : i32
      scf.if %cond3A_151 {
        %dma_wait3A_194 = arith.constant 0 : i32
        %dma_wait3A_195 = arith.constant 0 : i32
        %dma_wait3A_196 = tpu.memref_slice %arg2[%dma_wait3A_194, %dma_wait3A_195] : memref<2560x128xi32, #tpu.memory_space<hbm>> -> memref<1x128xi32, #tpu.memory_space<hbm>>
        %dma_wait3A_197 = tpu.memref_squeeze %dma_wait3A_196 : memref<1x128xi32, #tpu.memory_space<hbm>> -> memref<128xi32, #tpu.memory_space<hbm>>
        %dma_wait3A_198 = arith.constant 0 : i32
        %dma_wait3A_199 = tpu.memref_slice %arg2[%dma_wait3A_194, %dma_wait3A_198] : memref<2560x128xi32, #tpu.memory_space<hbm>> -> memref<1x128xi32, #tpu.memory_space<hbm>>
        %dma_wait3A_200 = tpu.memref_squeeze %dma_wait3A_199 : memref<1x128xi32, #tpu.memory_space<hbm>> -> memref<128xi32, #tpu.memory_space<hbm>>
        tpu.wait_dma2 semaphore(%arg22 : memref<!tpu.dma_semaphore, #tpu.memory_space<semaphore_mem>>) src(%dma_wait3A_200 : memref<128xi32, #tpu.memory_space<hbm>>) dst(%arg11 : memref<128xi32, #tpu.memory_space<vmem>>)
        %dma_wait3A_201 = arith.constant 0 : i32
        %dma_wait3A_202 = arith.constant 0 : i32
        %dma_wait3A_203 = tpu.memref_slice %arg3[%dma_wait3A_201, %dma_wait3A_202] : memref<2560x128xi32, #tpu.memory_space<hbm>> -> memref<1x128xi32, #tpu.memory_space<hbm>>
        %dma_wait3A_204 = tpu.memref_squeeze %dma_wait3A_203 : memref<1x128xi32, #tpu.memory_space<hbm>> -> memref<128xi32, #tpu.memory_space<hbm>>
        %dma_wait3A_205 = arith.constant 0 : i32
        %dma_wait3A_206 = tpu.memref_slice %arg3[%dma_wait3A_201, %dma_wait3A_205] : memref<2560x128xi32, #tpu.memory_space<hbm>> -> memref<1x128xi32, #tpu.memory_space<hbm>>
        %dma_wait3A_207 = tpu.memref_squeeze %dma_wait3A_206 : memref<1x128xi32, #tpu.memory_space<hbm>> -> memref<128xi32, #tpu.memory_space<hbm>>
        tpu.wait_dma2 semaphore(%arg22 : memref<!tpu.dma_semaphore, #tpu.memory_space<semaphore_mem>>) src(%dma_wait3A_207 : memref<128xi32, #tpu.memory_space<hbm>>) dst(%arg12 : memref<128xi32, #tpu.memory_space<vmem>>)
        %ge3A_208 = arith.constant 1 : i32
        %ge3A_209 = arith.cmpi sge, %add3A_146, %ge3A_208 : i32
        %convert_element_type3A_210 = arith.extui %ge3A_209 : i1 to i32
        %cond3A_211 = arith.constant 0 : i32
        %cond3A_212 = arith.cmpi ne, %convert_element_type3A_210, %cond3A_211 : i32
        scf.if %cond3A_212 {
          %dma_wait3A_216 = arith.constant 0 : i32
          %dma_wait3A_217 = arith.constant 0 : i32
          %dma_wait3A_218 = tpu.memref_slice %arg20[%dma_wait3A_216, %dma_wait3A_217] : memref<10112x128xf32, #tpu.memory_space<vmem_shared>> -> memref<10112x128xf32, #tpu.memory_space<vmem_shared>>
          tpu.wait_indirect_dma semaphore(%arg27 : memref<!tpu.dma_semaphore, #tpu.memory_space<semaphore_mem>>) src(%arg15 : memref<128x128xf32, #tpu.memory_space<vmem>>) dst(%dma_wait3A_218 : memref<10112x128xf32, #tpu.memory_space<vmem_shared>>)
        } else {
        }
        %dma_start3A_213 = arith.constant 0 : i32
        %dma_start3A_214 = arith.constant 0 : i32
        %dma_start3A_215 = tpu.memref_slice %arg6[%dma_start3A_213, %dma_start3A_214] : memref<10112x128xf32, #tpu.memory_space<hbm>> -> memref<10112x128xf32, #tpu.memory_space<hbm>>
        tpu.enqueue_indirect_dma source(%dma_start3A_215 : memref<10112x128xf32, #tpu.memory_space<hbm>>) target(%arg15 : memref<128x128xf32, #tpu.memory_space<vmem>>) offsets(%arg11 : memref<128xi32, #tpu.memory_space<vmem>>) semaphore(%arg23 : memref<!tpu.dma_semaphore, #tpu.memory_space<semaphore_mem>>)
      } else {
      }
      %dma_wait3A_152 = arith.constant 0 : i32
      %dma_wait3A_153 = arith.constant 0 : i32
      %dma_wait3A_154 = tpu.memref_slice %arg4[%dma_wait3A_152, %dma_wait3A_153] : memref<10112x16xf32, #tpu.memory_space<hbm>> -> memref<10112x16xf32, #tpu.memory_space<hbm>>
      tpu.wait_indirect_dma semaphore(%arg25 : memref<!tpu.dma_semaphore, #tpu.memory_space<semaphore_mem>>) src(%dma_wait3A_154 : memref<10112x16xf32, #tpu.memory_space<hbm>>) dst(%arg17 : memref<128x16xf32, #tpu.memory_space<vmem>>)
      %dma_wait3A_155 = arith.constant 0 : i32
      %dma_wait3A_156 = arith.constant 0 : i32
      %dma_wait3A_157 = tpu.memref_slice %arg5[%dma_wait3A_155, %dma_wait3A_156] : memref<10112x16xf32, #tpu.memory_space<hbm>> -> memref<10112x16xf32, #tpu.memory_space<hbm>>
      tpu.wait_indirect_dma semaphore(%arg25 : memref<!tpu.dma_semaphore, #tpu.memory_space<semaphore_mem>>) src(%dma_wait3A_157 : memref<10112x16xf32, #tpu.memory_space<hbm>>) dst(%arg18 : memref<128x16xf32, #tpu.memory_space<vmem>>)
      %ge3A_158 = arith.constant 1 : i32
      %ge3A_159 = arith.cmpi sge, %add3A_146, %ge3A_158 : i32
      %convert_element_type3A_160 = arith.extui %ge3A_159 : i1 to i32
      %cond3A_161 = arith.constant 0 : i32
      %cond3A_162 = arith.cmpi ne, %convert_element_type3A_160, %cond3A_161 : i32
      scf.if %cond3A_162 {
        %dma_wait3A_194 = arith.constant 0 : i32
        %dma_wait3A_195 = arith.constant 0 : i32
        %dma_wait3A_196 = tpu.memref_slice %arg21[%dma_wait3A_194, %dma_wait3A_195] : memref<10112x16xf32, #tpu.memory_space<vmem_shared>> -> memref<10112x16xf32, #tpu.memory_space<vmem_shared>>
        tpu.wait_indirect_dma semaphore(%arg29 : memref<!tpu.dma_semaphore, #tpu.memory_space<semaphore_mem>>) src(%arg19 : memref<128x16xf32, #tpu.memory_space<vmem>>) dst(%dma_wait3A_196 : memref<10112x16xf32, #tpu.memory_space<vmem_shared>>)
      } else {
      }
      %scan3A_163 = arith.constant 0 : i32
      %scan3A_164 = arith.constant 0 : i32
      %scan3A_165 = arith.constant 128 : i32
      %scan3A_166 = arith.addi %scan3A_164, %scan3A_165 : i32
      %scan3A_167 = arith.constant 1 : i32
      scf.for %scan3A_194 = %scan3A_164 to %scan3A_166 step %scan3A_167  : i32 {
        %get3A = arith.index_cast %scan3A_194 : i32 to index
        %get3A_195 = arith.constant 0 : index
        %get3A_196 = tpu.vector_load %arg17[%get3A, %get3A_195] {strides = array<i32>} : memref<128x16xf32, #tpu.memory_space<vmem>>, vector<1x16xf32>,
        %get3A_197 = vector.shape_cast %get3A_196 : vector<1x16xf32> to vector<16xf32>
        %get3A_198 = arith.index_cast %scan3A_194 : i32 to index
        %get3A_199 = arith.constant 0 : index
        %get3A_200 = tpu.vector_load %arg18[%get3A_198, %get3A_199] {strides = array<i32>} : memref<128x16xf32, #tpu.memory_space<vmem>>, vector<1x16xf32>,
        %get3A_201 = vector.shape_cast %get3A_200 : vector<1x16xf32> to vector<16xf32>
        %add3A_202 = arith.addf %get3A_197, %get3A_201 : vector<16xf32>
        %gt3A = arith.constant 0.000000e+00 : f32
        %gt3A_203 = vector.broadcast %gt3A : f32 to vector<16xf32>
        %gt3A_204 = arith.cmpf ogt, %add3A_202, %gt3A_203 : vector<16xf32>
        %mul3A_205 = arith.constant 2.000000e-01 : f32
        %mul3A_206 = vector.broadcast %mul3A_205 : f32 to vector<16xf32>
        %mul3A_207 = arith.mulf %mul3A_206, %add3A_202 : vector<16xf32>
        %select_n3A = arith.select %gt3A_204, %add3A_202, %mul3A_207 : vector<16xi1>, vector<16xf32>
        %exp3A = math.exp %select_n3A : vector<16xf32>
        %swap3A = arith.index_cast %scan3A_194 : i32 to index
        %swap3A_208 = arith.constant 0 : index
        %swap3A_209 = tpu.vector_load %arg19[%swap3A, %swap3A_208] {strides = array<i32>} : memref<128x16xf32, #tpu.memory_space<vmem>>, vector<1x16xf32>,
        %swap3A_210 = vector.shape_cast %swap3A_209 : vector<1x16xf32> to vector<16xf32>
        %swap3A_211 = vector.shape_cast %exp3A : vector<16xf32> to vector<1x16xf32>
        tpu.vector_store %arg19[%swap3A, %swap3A_208], %swap3A_211 {strides = array<i32>} : memref<128x16xf32, #tpu.memory_space<vmem>>, vector<1x16xf32>,
      }
      %scan3A_168 = arith.constant 128 : i32
      %dma_wait3A_169 = arith.constant 0 : i32
      %dma_wait3A_170 = arith.constant 0 : i32
      %dma_wait3A_171 = tpu.memref_slice %arg6[%dma_wait3A_169, %dma_wait3A_170] : memref<10112x128xf32, #tpu.memory_space<hbm>> -> memref<10112x128xf32, #tpu.memory_space<hbm>>
      tpu.wait_indirect_dma semaphore(%arg24 : memref<!tpu.dma_semaphore, #tpu.memory_space<semaphore_mem>>) src(%dma_wait3A_171 : memref<10112x128xf32, #tpu.memory_space<hbm>>) dst(%arg16 : memref<128x128xf32, #tpu.memory_space<vmem>>)
      %scan3A_172 = arith.constant 0 : i32
      %scan3A_173 = arith.constant 0 : i32
      %scan3A_174 = arith.constant 128 : i32
      %scan3A_175 = arith.addi %scan3A_173, %scan3A_174 : i32
      %scan3A_176 = arith.constant 2 : i32
      scf.for %scan3A_194 = %scan3A_173 to %scan3A_175 step %scan3A_176  : i32 {
        %get3A = arith.index_cast %scan3A_194 : i32 to index
        %get3A_195 = arith.constant 0 : index
        %get3A_196 = tpu.vector_load %arg19[%get3A, %get3A_195] {strides = array<i32>} : memref<128x16xf32, #tpu.memory_space<vmem>>, vector<1x16xf32>,
        %get3A_197 = vector.shape_cast %get3A_196 : vector<1x16xf32> to vector<16xf32>
        %get3A_198 = arith.index_cast %scan3A_194 : i32 to index
        %get3A_199 = arith.constant 0 : index
        %get3A_200 = tpu.vector_load %arg16[%get3A_198, %get3A_199] {strides = array<i32>} : memref<128x128xf32, #tpu.memory_space<vmem>>, vector<1x16xf32>,
        %get3A_201 = vector.shape_cast %get3A_200 : vector<1x16xf32> to vector<16xf32>
        %slice3A = vector.extract_strided_slice %get3A_197 {offsets = [0], sizes = [1], strides = [1]} : vector<16xf32> to vector<1xf32>
        %squeeze3A = vector.extract %slice3A[0] : f32 from vector<1xf32>
        %mul3A_202 = vector.broadcast %squeeze3A : f32 to vector<16xf32>
        %mul3A_203 = arith.mulf %get3A_201, %mul3A_202 : vector<16xf32>
        %swap3A = arith.index_cast %scan3A_194 : i32 to index
        %swap3A_204 = arith.constant 0 : index
        %swap3A_205 = tpu.vector_load %arg16[%swap3A, %swap3A_204] {strides = array<i32>} : memref<128x128xf32, #tpu.memory_space<vmem>>, vector<1x16xf32>,
        %swap3A_206 = vector.shape_cast %swap3A_205 : vector<1x16xf32> to vector<16xf32>
        %swap3A_207 = vector.shape_cast %mul3A_203 : vector<16xf32> to vector<1x16xf32>
        tpu.vector_store %arg16[%swap3A, %swap3A_204], %swap3A_207 {strides = array<i32>} : memref<128x128xf32, #tpu.memory_space<vmem>>, vector<1x16xf32>,
        %get3A_208 = arith.index_cast %scan3A_194 : i32 to index
        %get3A_209 = arith.constant 16 : index
        %get3A_210 = tpu.vector_load %arg16[%get3A_208, %get3A_209] {strides = array<i32>} : memref<128x128xf32, #tpu.memory_space<vmem>>, vector<1x16xf32>,
        %get3A_211 = vector.shape_cast %get3A_210 : vector<1x16xf32> to vector<16xf32>
        %slice3A_212 = vector.extract_strided_slice %get3A_197 {offsets = [1], sizes = [1], strides = [1]} : vector<16xf32> to vector<1xf32>
        %squeeze3A_213 = vector.extract %slice3A_212[0] : f32 from vector<1xf32>
        %mul3A_214 = vector.broadcast %squeeze3A_213 : f32 to vector<16xf32>
        %mul3A_215 = arith.mulf %get3A_211, %mul3A_214 : vector<16xf32>
        %swap3A_216 = arith.index_cast %scan3A_194 : i32 to index
        %swap3A_217 = arith.constant 16 : index
        %swap3A_218 = tpu.vector_load %arg16[%swap3A_216, %swap3A_217] {strides = array<i32>} : memref<128x128xf32, #tpu.memory_space<vmem>>, vector<1x16xf32>,
        %swap3A_219 = vector.shape_cast %swap3A_218 : vector<1x16xf32> to vector<16xf32>
        %swap3A_220 = vector.shape_cast %mul3A_215 : vector<16xf32> to vector<1x16xf32>
        tpu.vector_store %arg16[%swap3A_216, %swap3A_217], %swap3A_220 {strides = array<i32>} : memref<128x128xf32, #tpu.memory_space<vmem>>, vector<1x16xf32>,
        %get3A_221 = arith.index_cast %scan3A_194 : i32 to index
        %get3A_222 = arith.constant 32 : index
        %get3A_223 = tpu.vector_load %arg16[%get3A_221, %get3A_222] {strides = array<i32>} : memref<128x128xf32, #tpu.memory_space<vmem>>, vector<1x16xf32>,
        %get3A_224 = vector.shape_cast %get3A_223 : vector<1x16xf32> to vector<16xf32>
        %slice3A_225 = vector.extract_strided_slice %get3A_197 {offsets = [2], sizes = [1], strides = [1]} : vector<16xf32> to vector<1xf32>
        %squeeze3A_226 = vector.extract %slice3A_225[0] : f32 from vector<1xf32>
        %mul3A_227 = vector.broadcast %squeeze3A_226 : f32 to vector<16xf32>
        %mul3A_228 = arith.mulf %get3A_224, %mul3A_227 : vector<16xf32>
        %swap3A_229 = arith.index_cast %scan3A_194 : i32 to index
        %swap3A_230 = arith.constant 32 : index
        %swap3A_231 = tpu.vector_load %arg16[%swap3A_229, %swap3A_230] {strides = array<i32>} : memref<128x128xf32, #tpu.memory_space<vmem>>, vector<1x16xf32>,
        %swap3A_232 = vector.shape_cast %swap3A_231 : vector<1x16xf32> to vector<16xf32>
        %swap3A_233 = vector.shape_cast %mul3A_228 : vector<16xf32> to vector<1x16xf32>
        tpu.vector_store %arg16[%swap3A_229, %swap3A_230], %swap3A_233 {strides = array<i32>} : memref<128x128xf32, #tpu.memory_space<vmem>>, vector<1x16xf32>,
        %get3A_234 = arith.index_cast %scan3A_194 : i32 to index
        %get3A_235 = arith.constant 48 : index
        %get3A_236 = tpu.vector_load %arg16[%get3A_234, %get3A_235] {strides = array<i32>} : memref<128x128xf32, #tpu.memory_space<vmem>>, vector<1x16xf32>,
        %get3A_237 = vector.shape_cast %get3A_236 : vector<1x16xf32> to vector<16xf32>
        %slice3A_238 = vector.extract_strided_slice %get3A_197 {offsets = [3], sizes = [1], strides = [1]} : vector<16xf32> to vector<1xf32>
        %squeeze3A_239 = vector.extract %slice3A_238[0] : f32 from vector<1xf32>
        %mul3A_240 = vector.broadcast %squeeze3A_239 : f32 to vector<16xf32>
        %mul3A_241 = arith.mulf %get3A_237, %mul3A_240 : vector<16xf32>
        %swap3A_242 = arith.index_cast %scan3A_194 : i32 to index
        %swap3A_243 = arith.constant 48 : index
        %swap3A_244 = tpu.vector_load %arg16[%swap3A_242, %swap3A_243] {strides = array<i32>} : memref<128x128xf32, #tpu.memory_space<vmem>>, vector<1x16xf32>,
        %swap3A_245 = vector.shape_cast %swap3A_244 : vector<1x16xf32> to vector<16xf32>
        %swap3A_246 = vector.shape_cast %mul3A_241 : vector<16xf32> to vector<1x16xf32>
        tpu.vector_store %arg16[%swap3A_242, %swap3A_243], %swap3A_246 {strides = array<i32>} : memref<128x128xf32, #tpu.memory_space<vmem>>, vector<1x16xf32>,
        %get3A_247 = arith.index_cast %scan3A_194 : i32 to index
        %get3A_248 = arith.constant 64 : index
        %get3A_249 = tpu.vector_load %arg16[%get3A_247, %get3A_248] {strides = array<i32>} : memref<128x128xf32, #tpu.memory_space<vmem>>, vector<1x16xf32>,
        %get3A_250 = vector.shape_cast %get3A_249 : vector<1x16xf32> to vector<16xf32>
        %slice3A_251 = vector.extract_strided_slice %get3A_197 {offsets = [4], sizes = [1], strides = [1]} : vector<16xf32> to vector<1xf32>
        %squeeze3A_252 = vector.extract %slice3A_251[0] : f32 from vector<1xf32>
        %mul3A_253 = vector.broadcast %squeeze3A_252 : f32 to vector<16xf32>
        %mul3A_254 = arith.mulf %get3A_250, %mul3A_253 : vector<16xf32>
        %swap3A_255 = arith.index_cast %scan3A_194 : i32 to index
        %swap3A_256 = arith.constant 64 : index
        %swap3A_257 = tpu.vector_load %arg16[%swap3A_255, %swap3A_256] {strides = array<i32>} : memref<128x128xf32, #tpu.memory_space<vmem>>, vector<1x16xf32>,
        %swap3A_258 = vector.shape_cast %swap3A_257 : vector<1x16xf32> to vector<16xf32>
        %swap3A_259 = vector.shape_cast %mul3A_254 : vector<16xf32> to vector<1x16xf32>
        tpu.vector_store %arg16[%swap3A_255, %swap3A_256], %swap3A_259 {strides = array<i32>} : memref<128x128xf32, #tpu.memory_space<vmem>>, vector<1x16xf32>,
        %get3A_260 = arith.index_cast %scan3A_194 : i32 to index
        %get3A_261 = arith.constant 80 : index
        %get3A_262 = tpu.vector_load %arg16[%get3A_260, %get3A_261] {strides = array<i32>} : memref<128x128xf32, #tpu.memory_space<vmem>>, vector<1x16xf32>,
        %get3A_263 = vector.shape_cast %get3A_262 : vector<1x16xf32> to vector<16xf32>
        %slice3A_264 = vector.extract_strided_slice %get3A_197 {offsets = [5], sizes = [1], strides = [1]} : vector<16xf32> to vector<1xf32>
        %squeeze3A_265 = vector.extract %slice3A_264[0] : f32 from vector<1xf32>
        %mul3A_266 = vector.broadcast %squeeze3A_265 : f32 to vector<16xf32>
        %mul3A_267 = arith.mulf %get3A_263, %mul3A_266 : vector<16xf32>
        %swap3A_268 = arith.index_cast %scan3A_194 : i32 to index
        %swap3A_269 = arith.constant 80 : index
        %swap3A_270 = tpu.vector_load %arg16[%swap3A_268, %swap3A_269] {strides = array<i32>} : memref<128x128xf32, #tpu.memory_space<vmem>>, vector<1x16xf32>,
        %swap3A_271 = vector.shape_cast %swap3A_270 : vector<1x16xf32> to vector<16xf32>
        %swap3A_272 = vector.shape_cast %mul3A_267 : vector<16xf32> to vector<1x16xf32>
        tpu.vector_store %arg16[%swap3A_268, %swap3A_269], %swap3A_272 {strides = array<i32>} : memref<128x128xf32, #tpu.memory_space<vmem>>, vector<1x16xf32>,
        %get3A_273 = arith.index_cast %scan3A_194 : i32 to index
        %get3A_274 = arith.constant 96 : index
        %get3A_275 = tpu.vector_load %arg16[%get3A_273, %get3A_274] {strides = array<i32>} : memref<128x128xf32, #tpu.memory_space<vmem>>, vector<1x16xf32>,
        %get3A_276 = vector.shape_cast %get3A_275 : vector<1x16xf32> to vector<16xf32>
        %slice3A_277 = vector.extract_strided_slice %get3A_197 {offsets = [6], sizes = [1], strides = [1]} : vector<16xf32> to vector<1xf32>
        %squeeze3A_278 = vector.extract %slice3A_277[0] : f32 from vector<1xf32>
        %mul3A_279 = vector.broadcast %squeeze3A_278 : f32 to vector<16xf32>
        %mul3A_280 = arith.mulf %get3A_276, %mul3A_279 : vector<16xf32>
        %swap3A_281 = arith.index_cast %scan3A_194 : i32 to index
        %swap3A_282 = arith.constant 96 : index
        %swap3A_283 = tpu.vector_load %arg16[%swap3A_281, %swap3A_282] {strides = array<i32>} : memref<128x128xf32, #tpu.memory_space<vmem>>, vector<1x16xf32>,
        %swap3A_284 = vector.shape_cast %swap3A_283 : vector<1x16xf32> to vector<16xf32>
        %swap3A_285 = vector.shape_cast %mul3A_280 : vector<16xf32> to vector<1x16xf32>
        tpu.vector_store %arg16[%swap3A_281, %swap3A_282], %swap3A_285 {strides = array<i32>} : memref<128x128xf32, #tpu.memory_space<vmem>>, vector<1x16xf32>,
        %get3A_286 = arith.index_cast %scan3A_194 : i32 to index
        %get3A_287 = arith.constant 112 : index
        %get3A_288 = tpu.vector_load %arg16[%get3A_286, %get3A_287] {strides = array<i32>} : memref<128x128xf32, #tpu.memory_space<vmem>>, vector<1x16xf32>,
        %get3A_289 = vector.shape_cast %get3A_288 : vector<1x16xf32> to vector<16xf32>
        %slice3A_290 = vector.extract_strided_slice %get3A_197 {offsets = [7], sizes = [1], strides = [1]} : vector<16xf32> to vector<1xf32>
        %squeeze3A_291 = vector.extract %slice3A_290[0] : f32 from vector<1xf32>
        %mul3A_292 = vector.broadcast %squeeze3A_291 : f32 to vector<16xf32>
        %mul3A_293 = arith.mulf %get3A_289, %mul3A_292 : vector<16xf32>
        %swap3A_294 = arith.index_cast %scan3A_194 : i32 to index
        %swap3A_295 = arith.constant 112 : index
        %swap3A_296 = tpu.vector_load %arg16[%swap3A_294, %swap3A_295] {strides = array<i32>} : memref<128x128xf32, #tpu.memory_space<vmem>>, vector<1x16xf32>,
        %swap3A_297 = vector.shape_cast %swap3A_296 : vector<1x16xf32> to vector<16xf32>
        %swap3A_298 = vector.shape_cast %mul3A_293 : vector<16xf32> to vector<1x16xf32>
        tpu.vector_store %arg16[%swap3A_294, %swap3A_295], %swap3A_298 {strides = array<i32>} : memref<128x128xf32, #tpu.memory_space<vmem>>, vector<1x16xf32>,
        %scan3A_299 = arith.constant 1 : i32
        %scan3A_300 = arith.addi %scan3A_194, %scan3A_299 : i32
        %get3A_301 = arith.index_cast %scan3A_300 : i32 to index
        %get3A_302 = arith.constant 0 : index
        %get3A_303 = tpu.vector_load %arg19[%get3A_301, %get3A_302] {strides = array<i32>} : memref<128x16xf32, #tpu.memory_space<vmem>>, vector<1x16xf32>,
        %get3A_304 = vector.shape_cast %get3A_303 : vector<1x16xf32> to vector<16xf32>
        %get3A_305 = arith.index_cast %scan3A_300 : i32 to index
        %get3A_306 = arith.constant 0 : index
        %get3A_307 = tpu.vector_load %arg16[%get3A_305, %get3A_306] {strides = array<i32>} : memref<128x128xf32, #tpu.memory_space<vmem>>, vector<1x16xf32>,
        %get3A_308 = vector.shape_cast %get3A_307 : vector<1x16xf32> to vector<16xf32>
        %slice3A_309 = vector.extract_strided_slice %get3A_304 {offsets = [0], sizes = [1], strides = [1]} : vector<16xf32> to vector<1xf32>
        %squeeze3A_310 = vector.extract %slice3A_309[0] : f32 from vector<1xf32>
        %mul3A_311 = vector.broadcast %squeeze3A_310 : f32 to vector<16xf32>
        %mul3A_312 = arith.mulf %get3A_308, %mul3A_311 : vector<16xf32>
        %swap3A_313 = arith.index_cast %scan3A_300 : i32 to index
        %swap3A_314 = arith.constant 0 : index
        %swap3A_315 = tpu.vector_load %arg16[%swap3A_313, %swap3A_314] {strides = array<i32>} : memref<128x128xf32, #tpu.memory_space<vmem>>, vector<1x16xf32>,
        %swap3A_316 = vector.shape_cast %swap3A_315 : vector<1x16xf32> to vector<16xf32>
        %swap3A_317 = vector.shape_cast %mul3A_312 : vector<16xf32> to vector<1x16xf32>
        tpu.vector_store %arg16[%swap3A_313, %swap3A_314], %swap3A_317 {strides = array<i32>} : memref<128x128xf32, #tpu.memory_space<vmem>>, vector<1x16xf32>,
        %get3A_318 = arith.index_cast %scan3A_300 : i32 to index
        %get3A_319 = arith.constant 16 : index
        %get3A_320 = tpu.vector_load %arg16[%get3A_318, %get3A_319] {strides = array<i32>} : memref<128x128xf32, #tpu.memory_space<vmem>>, vector<1x16xf32>,
        %get3A_321 = vector.shape_cast %get3A_320 : vector<1x16xf32> to vector<16xf32>
        %slice3A_322 = vector.extract_strided_slice %get3A_304 {offsets = [1], sizes = [1], strides = [1]} : vector<16xf32> to vector<1xf32>
        %squeeze3A_323 = vector.extract %slice3A_322[0] : f32 from vector<1xf32>
        %mul3A_324 = vector.broadcast %squeeze3A_323 : f32 to vector<16xf32>
        %mul3A_325 = arith.mulf %get3A_321, %mul3A_324 : vector<16xf32>
        %swap3A_326 = arith.index_cast %scan3A_300 : i32 to index
        %swap3A_327 = arith.constant 16 : index
        %swap3A_328 = tpu.vector_load %arg16[%swap3A_326, %swap3A_327] {strides = array<i32>} : memref<128x128xf32, #tpu.memory_space<vmem>>, vector<1x16xf32>,
        %swap3A_329 = vector.shape_cast %swap3A_328 : vector<1x16xf32> to vector<16xf32>
        %swap3A_330 = vector.shape_cast %mul3A_325 : vector<16xf32> to vector<1x16xf32>
        tpu.vector_store %arg16[%swap3A_326, %swap3A_327], %swap3A_330 {strides = array<i32>} : memref<128x128xf32, #tpu.memory_space<vmem>>, vector<1x16xf32>,
        %get3A_331 = arith.index_cast %scan3A_300 : i32 to index
        %get3A_332 = arith.constant 32 : index
        %get3A_333 = tpu.vector_load %arg16[%get3A_331, %get3A_332] {strides = array<i32>} : memref<128x128xf32, #tpu.memory_space<vmem>>, vector<1x16xf32>,
        %get3A_334 = vector.shape_cast %get3A_333 : vector<1x16xf32> to vector<16xf32>
        %slice3A_335 = vector.extract_strided_slice %get3A_304 {offsets = [2], sizes = [1], strides = [1]} : vector<16xf32> to vector<1xf32>
        %squeeze3A_336 = vector.extract %slice3A_335[0] : f32 from vector<1xf32>
        %mul3A_337 = vector.broadcast %squeeze3A_336 : f32 to vector<16xf32>
        %mul3A_338 = arith.mulf %get3A_334, %mul3A_337 : vector<16xf32>
        %swap3A_339 = arith.index_cast %scan3A_300 : i32 to index
        %swap3A_340 = arith.constant 32 : index
        %swap3A_341 = tpu.vector_load %arg16[%swap3A_339, %swap3A_340] {strides = array<i32>} : memref<128x128xf32, #tpu.memory_space<vmem>>, vector<1x16xf32>,
        %swap3A_342 = vector.shape_cast %swap3A_341 : vector<1x16xf32> to vector<16xf32>
        %swap3A_343 = vector.shape_cast %mul3A_338 : vector<16xf32> to vector<1x16xf32>
        tpu.vector_store %arg16[%swap3A_339, %swap3A_340], %swap3A_343 {strides = array<i32>} : memref<128x128xf32, #tpu.memory_space<vmem>>, vector<1x16xf32>,
        %get3A_344 = arith.index_cast %scan3A_300 : i32 to index
        %get3A_345 = arith.constant 48 : index
        %get3A_346 = tpu.vector_load %arg16[%get3A_344, %get3A_345] {strides = array<i32>} : memref<128x128xf32, #tpu.memory_space<vmem>>, vector<1x16xf32>,
        %get3A_347 = vector.shape_cast %get3A_346 : vector<1x16xf32> to vector<16xf32>
        %slice3A_348 = vector.extract_strided_slice %get3A_304 {offsets = [3], sizes = [1], strides = [1]} : vector<16xf32> to vector<1xf32>
        %squeeze3A_349 = vector.extract %slice3A_348[0] : f32 from vector<1xf32>
        %mul3A_350 = vector.broadcast %squeeze3A_349 : f32 to vector<16xf32>
        %mul3A_351 = arith.mulf %get3A_347, %mul3A_350 : vector<16xf32>
        %swap3A_352 = arith.index_cast %scan3A_300 : i32 to index
        %swap3A_353 = arith.constant 48 : index
        %swap3A_354 = tpu.vector_load %arg16[%swap3A_352, %swap3A_353] {strides = array<i32>} : memref<128x128xf32, #tpu.memory_space<vmem>>, vector<1x16xf32>,
        %swap3A_355 = vector.shape_cast %swap3A_354 : vector<1x16xf32> to vector<16xf32>
        %swap3A_356 = vector.shape_cast %mul3A_351 : vector<16xf32> to vector<1x16xf32>
        tpu.vector_store %arg16[%swap3A_352, %swap3A_353], %swap3A_356 {strides = array<i32>} : memref<128x128xf32, #tpu.memory_space<vmem>>, vector<1x16xf32>,
        %get3A_357 = arith.index_cast %scan3A_300 : i32 to index
        %get3A_358 = arith.constant 64 : index
        %get3A_359 = tpu.vector_load %arg16[%get3A_357, %get3A_358] {strides = array<i32>} : memref<128x128xf32, #tpu.memory_space<vmem>>, vector<1x16xf32>,
        %get3A_360 = vector.shape_cast %get3A_359 : vector<1x16xf32> to vector<16xf32>
        %slice3A_361 = vector.extract_strided_slice %get3A_304 {offsets = [4], sizes = [1], strides = [1]} : vector<16xf32> to vector<1xf32>
        %squeeze3A_362 = vector.extract %slice3A_361[0] : f32 from vector<1xf32>
        %mul3A_363 = vector.broadcast %squeeze3A_362 : f32 to vector<16xf32>
        %mul3A_364 = arith.mulf %get3A_360, %mul3A_363 : vector<16xf32>
        %swap3A_365 = arith.index_cast %scan3A_300 : i32 to index
        %swap3A_366 = arith.constant 64 : index
        %swap3A_367 = tpu.vector_load %arg16[%swap3A_365, %swap3A_366] {strides = array<i32>} : memref<128x128xf32, #tpu.memory_space<vmem>>, vector<1x16xf32>,
        %swap3A_368 = vector.shape_cast %swap3A_367 : vector<1x16xf32> to vector<16xf32>
        %swap3A_369 = vector.shape_cast %mul3A_364 : vector<16xf32> to vector<1x16xf32>
        tpu.vector_store %arg16[%swap3A_365, %swap3A_366], %swap3A_369 {strides = array<i32>} : memref<128x128xf32, #tpu.memory_space<vmem>>, vector<1x16xf32>,
        %get3A_370 = arith.index_cast %scan3A_300 : i32 to index
        %get3A_371 = arith.constant 80 : index
        %get3A_372 = tpu.vector_load %arg16[%get3A_370, %get3A_371] {strides = array<i32>} : memref<128x128xf32, #tpu.memory_space<vmem>>, vector<1x16xf32>,
        %get3A_373 = vector.shape_cast %get3A_372 : vector<1x16xf32> to vector<16xf32>
        %slice3A_374 = vector.extract_strided_slice %get3A_304 {offsets = [5], sizes = [1], strides = [1]} : vector<16xf32> to vector<1xf32>
        %squeeze3A_375 = vector.extract %slice3A_374[0] : f32 from vector<1xf32>
        %mul3A_376 = vector.broadcast %squeeze3A_375 : f32 to vector<16xf32>
        %mul3A_377 = arith.mulf %get3A_373, %mul3A_376 : vector<16xf32>
        %swap3A_378 = arith.index_cast %scan3A_300 : i32 to index
        %swap3A_379 = arith.constant 80 : index
        %swap3A_380 = tpu.vector_load %arg16[%swap3A_378, %swap3A_379] {strides = array<i32>} : memref<128x128xf32, #tpu.memory_space<vmem>>, vector<1x16xf32>,
        %swap3A_381 = vector.shape_cast %swap3A_380 : vector<1x16xf32> to vector<16xf32>
        %swap3A_382 = vector.shape_cast %mul3A_377 : vector<16xf32> to vector<1x16xf32>
        tpu.vector_store %arg16[%swap3A_378, %swap3A_379], %swap3A_382 {strides = array<i32>} : memref<128x128xf32, #tpu.memory_space<vmem>>, vector<1x16xf32>,
        %get3A_383 = arith.index_cast %scan3A_300 : i32 to index
        %get3A_384 = arith.constant 96 : index
        %get3A_385 = tpu.vector_load %arg16[%get3A_383, %get3A_384] {strides = array<i32>} : memref<128x128xf32, #tpu.memory_space<vmem>>, vector<1x16xf32>,
        %get3A_386 = vector.shape_cast %get3A_385 : vector<1x16xf32> to vector<16xf32>
        %slice3A_387 = vector.extract_strided_slice %get3A_304 {offsets = [6], sizes = [1], strides = [1]} : vector<16xf32> to vector<1xf32>
        %squeeze3A_388 = vector.extract %slice3A_387[0] : f32 from vector<1xf32>
        %mul3A_389 = vector.broadcast %squeeze3A_388 : f32 to vector<16xf32>
        %mul3A_390 = arith.mulf %get3A_386, %mul3A_389 : vector<16xf32>
        %swap3A_391 = arith.index_cast %scan3A_300 : i32 to index
        %swap3A_392 = arith.constant 96 : index
        %swap3A_393 = tpu.vector_load %arg16[%swap3A_391, %swap3A_392] {strides = array<i32>} : memref<128x128xf32, #tpu.memory_space<vmem>>, vector<1x16xf32>,
        %swap3A_394 = vector.shape_cast %swap3A_393 : vector<1x16xf32> to vector<16xf32>
        %swap3A_395 = vector.shape_cast %mul3A_390 : vector<16xf32> to vector<1x16xf32>
        tpu.vector_store %arg16[%swap3A_391, %swap3A_392], %swap3A_395 {strides = array<i32>} : memref<128x128xf32, #tpu.memory_space<vmem>>, vector<1x16xf32>,
        %get3A_396 = arith.index_cast %scan3A_300 : i32 to index
        %get3A_397 = arith.constant 112 : index
        %get3A_398 = tpu.vector_load %arg16[%get3A_396, %get3A_397] {strides = array<i32>} : memref<128x128xf32, #tpu.memory_space<vmem>>, vector<1x16xf32>,
        %get3A_399 = vector.shape_cast %get3A_398 : vector<1x16xf32> to vector<16xf32>
        %slice3A_400 = vector.extract_strided_slice %get3A_304 {offsets = [7], sizes = [1], strides = [1]} : vector<16xf32> to vector<1xf32>
        %squeeze3A_401 = vector.extract %slice3A_400[0] : f32 from vector<1xf32>
        %mul3A_402 = vector.broadcast %squeeze3A_401 : f32 to vector<16xf32>
        %mul3A_403 = arith.mulf %get3A_399, %mul3A_402 : vector<16xf32>
        %swap3A_404 = arith.index_cast %scan3A_300 : i32 to index
        %swap3A_405 = arith.constant 112 : index
        %swap3A_406 = tpu.vector_load %arg16[%swap3A_404, %swap3A_405] {strides = array<i32>} : memref<128x128xf32, #tpu.memory_space<vmem>>, vector<1x16xf32>,
        %swap3A_407 = vector.shape_cast %swap3A_406 : vector<1x16xf32> to vector<16xf32>
        %swap3A_408 = vector.shape_cast %mul3A_403 : vector<16xf32> to vector<1x16xf32>
        tpu.vector_store %arg16[%swap3A_404, %swap3A_405], %swap3A_408 {strides = array<i32>} : memref<128x128xf32, #tpu.memory_space<vmem>>, vector<1x16xf32>,
      }
      %scan3A_177 = arith.constant 128 : i32
      %dma_start3A_178 = arith.constant 0 : i32
      %dma_start3A_179 = arith.constant 0 : i32
      %dma_start3A_180 = tpu.memref_slice %arg20[%dma_start3A_178, %dma_start3A_179] : memref<10112x128xf32, #tpu.memory_space<vmem_shared>> -> memref<10112x128xf32, #tpu.memory_space<vmem_shared>>
      tpu.enqueue_indirect_dma source(%arg16 : memref<128x128xf32, #tpu.memory_space<vmem>>) target(%dma_start3A_180 : memref<10112x128xf32, #tpu.memory_space<vmem_shared>>) offsets(%arg14 : memref<128xi32, #tpu.memory_space<vmem>>) semaphore(%arg28 : memref<!tpu.dma_semaphore, #tpu.memory_space<semaphore_mem>>) {add = true}
      %dma_start3A_181 = arith.constant 0 : i32
      %dma_start3A_182 = arith.constant 0 : i32
      %dma_start3A_183 = tpu.memref_slice %arg21[%dma_start3A_181, %dma_start3A_182] : memref<10112x16xf32, #tpu.memory_space<vmem_shared>> -> memref<10112x16xf32, #tpu.memory_space<vmem_shared>>
      tpu.enqueue_indirect_dma source(%arg19 : memref<128x16xf32, #tpu.memory_space<vmem>>) target(%dma_start3A_183 : memref<10112x16xf32, #tpu.memory_space<vmem_shared>>) offsets(%arg14 : memref<128xi32, #tpu.memory_space<vmem>>) semaphore(%arg29 : memref<!tpu.dma_semaphore, #tpu.memory_space<semaphore_mem>>) {add = true}
      %lt3A_184 = arith.constant 78 : i32
      %lt3A_185 = arith.cmpi slt, %add3A_146, %lt3A_184 : i32
      %convert_element_type3A_186 = arith.extui %lt3A_185 : i1 to i32
      %cond3A_187 = arith.constant 0 : i32
      %cond3A_188 = arith.cmpi ne, %convert_element_type3A_186, %cond3A_187 : i32
      scf.if %cond3A_188 {
        %add3A_194 = arith.constant 2 : i32
        %add3A_195 = arith.addi %add3A_146, %add3A_194 : i32
        %mul3A_196 = arith.constant 80 : i32
        %mul3A_197 = arith.muli %add3A, %mul3A_196 : i32
        %add3A_198 = arith.addi %mul3A_197, %add3A_195 : i32
        %dma_start3A_199 = arith.constant 0 : i32
        %dma_start3A_200 = tpu.memref_slice %arg2[%add3A_198, %dma_start3A_199] : memref<2560x128xi32, #tpu.memory_space<hbm>> -> memref<1x128xi32, #tpu.memory_space<hbm>>
        %dma_start3A_201 = tpu.memref_squeeze %dma_start3A_200 : memref<1x128xi32, #tpu.memory_space<hbm>> -> memref<128xi32, #tpu.memory_space<hbm>>
        %dma_start3A_202 = arith.constant 0 : i32
        %dma_start3A_203 = tpu.memref_slice %arg2[%add3A_198, %dma_start3A_202] : memref<2560x128xi32, #tpu.memory_space<hbm>> -> memref<1x128xi32, #tpu.memory_space<hbm>>
        %dma_start3A_204 = tpu.memref_squeeze %dma_start3A_203 : memref<1x128xi32, #tpu.memory_space<hbm>> -> memref<128xi32, #tpu.memory_space<hbm>>
        tpu.enqueue_dma source(%dma_start3A_204 : memref<128xi32, #tpu.memory_space<hbm>>) target(%arg13 : memref<128xi32, #tpu.memory_space<vmem>>) target_semaphore(%arg22 : memref<!tpu.dma_semaphore, #tpu.memory_space<semaphore_mem>>)
        %mul3A_205 = arith.constant 80 : i32
        %mul3A_206 = arith.muli %add3A, %mul3A_205 : i32
        %add3A_207 = arith.addi %mul3A_206, %add3A_195 : i32
        %dma_start3A_208 = arith.constant 0 : i32
        %dma_start3A_209 = tpu.memref_slice %arg3[%add3A_207, %dma_start3A_208] : memref<2560x128xi32, #tpu.memory_space<hbm>> -> memref<1x128xi32, #tpu.memory_space<hbm>>
        %dma_start3A_210 = tpu.memref_squeeze %dma_start3A_209 : memref<1x128xi32, #tpu.memory_space<hbm>> -> memref<128xi32, #tpu.memory_space<hbm>>
        %dma_start3A_211 = arith.constant 0 : i32
        %dma_start3A_212 = tpu.memref_slice %arg3[%add3A_207, %dma_start3A_211] : memref<2560x128xi32, #tpu.memory_space<hbm>> -> memref<1x128xi32, #tpu.memory_space<hbm>>
        %dma_start3A_213 = tpu.memref_squeeze %dma_start3A_212 : memref<1x128xi32, #tpu.memory_space<hbm>> -> memref<128xi32, #tpu.memory_space<hbm>>
        tpu.enqueue_dma source(%dma_start3A_213 : memref<128xi32, #tpu.memory_space<hbm>>) target(%arg14 : memref<128xi32, #tpu.memory_space<vmem>>) target_semaphore(%arg22 : memref<!tpu.dma_semaphore, #tpu.memory_space<semaphore_mem>>)
      } else {
      }
      %lt3A_189 = arith.constant 79 : i32
      %lt3A_190 = arith.cmpi slt, %add3A_146, %lt3A_189 : i32
      %convert_element_type3A_191 = arith.extui %lt3A_190 : i1 to i32
      %cond3A_192 = arith.constant 0 : i32
      %cond3A_193 = arith.cmpi ne, %convert_element_type3A_191, %cond3A_192 : i32
      scf.if %cond3A_193 {
        %dma_start3A_194 = arith.constant 0 : i32
        %dma_start3A_195 = arith.constant 0 : i32
        %dma_start3A_196 = tpu.memref_slice %arg4[%dma_start3A_194, %dma_start3A_195] : memref<10112x16xf32, #tpu.memory_space<hbm>> -> memref<10112x16xf32, #tpu.memory_space<hbm>>
        tpu.enqueue_indirect_dma source(%dma_start3A_196 : memref<10112x16xf32, #tpu.memory_space<hbm>>) target(%arg17 : memref<128x16xf32, #tpu.memory_space<vmem>>) offsets(%arg11 : memref<128xi32, #tpu.memory_space<vmem>>) semaphore(%arg25 : memref<!tpu.dma_semaphore, #tpu.memory_space<semaphore_mem>>)
        %dma_start3A_197 = arith.constant 0 : i32
        %dma_start3A_198 = arith.constant 0 : i32
        %dma_start3A_199 = tpu.memref_slice %arg5[%dma_start3A_197, %dma_start3A_198] : memref<10112x16xf32, #tpu.memory_space<hbm>> -> memref<10112x16xf32, #tpu.memory_space<hbm>>
        tpu.enqueue_indirect_dma source(%dma_start3A_199 : memref<10112x16xf32, #tpu.memory_space<hbm>>) target(%arg18 : memref<128x16xf32, #tpu.memory_space<vmem>>) offsets(%arg12 : memref<128xi32, #tpu.memory_space<vmem>>) semaphore(%arg25 : memref<!tpu.dma_semaphore, #tpu.memory_space<semaphore_mem>>)
      } else {
      }
    }
    %scan3A_84 = arith.constant 40 : i32
    %dma_wait3A_85 = arith.constant 0 : i32
    %dma_wait3A_86 = arith.constant 0 : i32
    %dma_wait3A_87 = tpu.memref_slice %arg20[%dma_wait3A_85, %dma_wait3A_86] : memref<10112x128xf32, #tpu.memory_space<vmem_shared>> -> memref<10112x128xf32, #tpu.memory_space<vmem_shared>>
    tpu.wait_indirect_dma semaphore(%arg27 : memref<!tpu.dma_semaphore, #tpu.memory_space<semaphore_mem>>) src(%arg15 : memref<128x128xf32, #tpu.memory_space<vmem>>) dst(%dma_wait3A_87 : memref<10112x128xf32, #tpu.memory_space<vmem_shared>>)
    %dma_wait3A_88 = arith.constant 0 : i32
    %dma_wait3A_89 = arith.constant 0 : i32
    %dma_wait3A_90 = tpu.memref_slice %arg20[%dma_wait3A_88, %dma_wait3A_89] : memref<10112x128xf32, #tpu.memory_space<vmem_shared>> -> memref<10112x128xf32, #tpu.memory_space<vmem_shared>>
    tpu.wait_indirect_dma semaphore(%arg28 : memref<!tpu.dma_semaphore, #tpu.memory_space<semaphore_mem>>) src(%arg16 : memref<128x128xf32, #tpu.memory_space<vmem>>) dst(%dma_wait3A_90 : memref<10112x128xf32, #tpu.memory_space<vmem_shared>>)
    %dma_wait3A_91 = arith.constant 0 : i32
    %dma_wait3A_92 = arith.constant 0 : i32
    %dma_wait3A_93 = tpu.memref_slice %arg21[%dma_wait3A_91, %dma_wait3A_92] : memref<10112x16xf32, #tpu.memory_space<vmem_shared>> -> memref<10112x16xf32, #tpu.memory_space<vmem_shared>>
    tpu.wait_indirect_dma semaphore(%arg29 : memref<!tpu.dma_semaphore, #tpu.memory_space<semaphore_mem>>) src(%arg19 : memref<128x16xf32, #tpu.memory_space<vmem>>) dst(%dma_wait3A_93 : memref<10112x16xf32, #tpu.memory_space<vmem_shared>>)
    %barrier3A_94 = arith.constant 0 : index
    tpu.barrier barrier_id(%barrier3A_94)
    "tpu.region"() ({
      %run_scoped3A = tpu.sem_alloc : memref<!tpu.dma_semaphore, #tpu.memory_space<semaphore_mem>>
      %dma_start3A_95 = arith.constant 0 : i32
      %dma_start3A_96 = tpu.memref_slice %arg9[%arg0, %mul3A_2, %dma_start3A_95] : memref<2x10112x128xf32, #tpu.memory_space<hbm>> -> memref<1x632x128xf32, #tpu.memory_space<hbm>>
      %dma_start3A_97 = tpu.memref_squeeze %dma_start3A_96 : memref<1x632x128xf32, #tpu.memory_space<hbm>> -> memref<632x128xf32, #tpu.memory_space<hbm>>
      %dma_start3A_98 = arith.constant 0 : i32
      %dma_start3A_99 = tpu.memref_slice %arg20[%mul3A_2, %dma_start3A_98] : memref<10112x128xf32, #tpu.memory_space<vmem_shared>> -> memref<632x128xf32, #tpu.memory_space<vmem_shared>>
      tpu.enqueue_dma source(%dma_start3A_99 : memref<632x128xf32, #tpu.memory_space<vmem_shared>>) target(%dma_start3A_97 : memref<632x128xf32, #tpu.memory_space<hbm>>) target_semaphore(%run_scoped3A : memref<!tpu.dma_semaphore, #tpu.memory_space<semaphore_mem>>)
      %dma_wait3A_100 = arith.constant 0 : i32
      %dma_wait3A_101 = tpu.memref_slice %arg9[%arg0, %mul3A_2, %dma_wait3A_100] : memref<2x10112x128xf32, #tpu.memory_space<hbm>> -> memref<1x632x128xf32, #tpu.memory_space<hbm>>
      %dma_wait3A_102 = tpu.memref_squeeze %dma_wait3A_101 : memref<1x632x128xf32, #tpu.memory_space<hbm>> -> memref<632x128xf32, #tpu.memory_space<hbm>>
      %dma_wait3A_103 = arith.constant 0 : i32
      %dma_wait3A_104 = tpu.memref_slice %arg20[%mul3A_2, %dma_wait3A_103] : memref<10112x128xf32, #tpu.memory_space<vmem_shared>> -> memref<632x128xf32, #tpu.memory_space<vmem_shared>>
      tpu.wait_dma2 semaphore(%run_scoped3A : memref<!tpu.dma_semaphore, #tpu.memory_space<semaphore_mem>>) src(%dma_wait3A_104 : memref<632x128xf32, #tpu.memory_space<vmem_shared>>) dst(%dma_wait3A_102 : memref<632x128xf32, #tpu.memory_space<hbm>>)
      tpu.yield
    }) : () -> ()
    "tpu.region"() ({
      %run_scoped3A = tpu.sem_alloc : memref<!tpu.dma_semaphore, #tpu.memory_space<semaphore_mem>>
      %dma_start3A_95 = arith.constant 0 : i32
      %dma_start3A_96 = tpu.memref_slice %arg10[%arg0, %mul3A_2, %dma_start3A_95] : memref<2x10112x16xf32, #tpu.memory_space<hbm>> -> memref<1x632x16xf32, #tpu.memory_space<hbm>>
      %dma_start3A_97 = tpu.memref_squeeze %dma_start3A_96 : memref<1x632x16xf32, #tpu.memory_space<hbm>> -> memref<632x16xf32, #tpu.memory_space<hbm>>
      %dma_start3A_98 = arith.constant 0 : i32
      %dma_start3A_99 = tpu.memref_slice %arg21[%mul3A_2, %dma_start3A_98] : memref<10112x16xf32, #tpu.memory_space<vmem_shared>> -> memref<632x16xf32, #tpu.memory_space<vmem_shared>>
      tpu.enqueue_dma source(%dma_start3A_99 : memref<632x16xf32, #tpu.memory_space<vmem_shared>>) target(%dma_start3A_97 : memref<632x16xf32, #tpu.memory_space<hbm>>) target_semaphore(%run_scoped3A : memref<!tpu.dma_semaphore, #tpu.memory_space<semaphore_mem>>)
      %dma_wait3A_100 = arith.constant 0 : i32
      %dma_wait3A_101 = tpu.memref_slice %arg10[%arg0, %mul3A_2, %dma_wait3A_100] : memref<2x10112x16xf32, #tpu.memory_space<hbm>> -> memref<1x632x16xf32, #tpu.memory_space<hbm>>
      %dma_wait3A_102 = tpu.memref_squeeze %dma_wait3A_101 : memref<1x632x16xf32, #tpu.memory_space<hbm>> -> memref<632x16xf32, #tpu.memory_space<hbm>>
      %dma_wait3A_103 = arith.constant 0 : i32
      %dma_wait3A_104 = tpu.memref_slice %arg21[%mul3A_2, %dma_wait3A_103] : memref<10112x16xf32, #tpu.memory_space<vmem_shared>> -> memref<632x16xf32, #tpu.memory_space<vmem_shared>>
      tpu.wait_dma2 semaphore(%run_scoped3A : memref<!tpu.dma_semaphore, #tpu.memory_space<semaphore_mem>>) src(%dma_wait3A_104 : memref<632x16xf32, #tpu.memory_space<vmem_shared>>) dst(%dma_wait3A_102 : memref<632x16xf32, #tpu.memory_space<hbm>>)
      tpu.yield
    }) : () -> ()
    return
  }
}

#map = affine_map<(d0, d1) -> (0, 0)>
#map1 = affine_map<(d0, d1) -> (0, 0, 0)>
module attributes {stable_mosaic.version = 14 : i64} {
  func.func @_sc_edge_body(%arg0: i32, %arg1: i32, %arg2: memref<2560x128xi32, #tpu.memory_space<hbm>>, %arg3: memref<2560x128xi32, #tpu.memory_space<hbm>>, %arg4: memref<10112x16xf32, #tpu.memory_space<hbm>>, %arg5: memref<10112x16xf32, #tpu.memory_space<hbm>>, %arg6: memref<10112x128xf32, #tpu.memory_space<hbm>>, %arg7: memref<10112x128xf32, #tpu.memory_space<hbm>>, %arg8: memref<10112x16xf32, #tpu.memory_space<hbm>>, %arg9: memref<2x10112x128xf32, #tpu.memory_space<hbm>>, %arg10: memref<2x10112x16xf32, #tpu.memory_space<hbm>>, %arg11: memref<128xi32, #tpu.memory_space<vmem>>, %arg12: memref<128xi32, #tpu.memory_space<vmem>>, %arg13: memref<128xi32, #tpu.memory_space<vmem>>, %arg14: memref<128xi32, #tpu.memory_space<vmem>>, %arg15: memref<128x128xf32, #tpu.memory_space<vmem>>, %arg16: memref<128x128xf32, #tpu.memory_space<vmem>>, %arg17: memref<128x16xf32, #tpu.memory_space<vmem>>, %arg18: memref<128x16xf32, #tpu.memory_space<vmem>>, %arg19: memref<128x16xf32, #tpu.memory_space<vmem>>, %arg20: memref<10112x128xf32, #tpu.memory_space<vmem_shared>>, %arg21: memref<10112x16xf32, #tpu.memory_space<vmem_shared>>, %arg22: memref<!tpu.dma_semaphore, #tpu.memory_space<semaphore_mem>>, %arg23: memref<!tpu.dma_semaphore, #tpu.memory_space<semaphore_mem>>, %arg24: memref<!tpu.dma_semaphore, #tpu.memory_space<semaphore_mem>>, %arg25: memref<!tpu.dma_semaphore, #tpu.memory_space<semaphore_mem>>, %arg26: memref<!tpu.dma_semaphore, #tpu.memory_space<semaphore_mem>>, %arg27: memref<!tpu.dma_semaphore, #tpu.memory_space<semaphore_mem>>, %arg28: memref<!tpu.dma_semaphore, #tpu.memory_space<semaphore_mem>>, %arg29: memref<!tpu.dma_semaphore, #tpu.memory_space<semaphore_mem>>) attributes {dimension_semantics = [#tpu.dimension_semantics<core_parallel>, #tpu.dimension_semantics<subcore_parallel>], iteration_bounds = array<i64: 2, 16>, scalar_prefetch = 0 : i64, scratch_operands = 19 : i64, tpu.core_type = #tpu.core_type<sc_vector_subcore>, window_params = [{transform_indices = #map}, {transform_indices = #map}, {transform_indices = #map}, {transform_indices = #map}, {transform_indices = #map}, {transform_indices = #map}, {transform_indices = #map}, {transform_indices = #map1}, {transform_indices = #map1}]} {
    %mul3A = arith.constant 2 : i32
    %mul3A_0 = arith.muli %arg1, %mul3A : i32
    %add3A = arith.addi %mul3A_0, %arg0 : i32
    %mul3A_1 = arith.constant 632 : i32
    %mul3A_2 = arith.muli %arg1, %mul3A_1 : i32
    %dma_start3A = arith.constant 0 : i32
    %dma_start3A_3 = tpu.memref_slice %arg20[%mul3A_2, %dma_start3A] : memref<10112x128xf32, #tpu.memory_space<vmem_shared>> -> memref<632x128xf32, #tpu.memory_space<vmem_shared>>
    %dma_start3A_4 = arith.constant 0 : i32
    %dma_start3A_5 = tpu.memref_slice %arg7[%mul3A_2, %dma_start3A_4] : memref<10112x128xf32, #tpu.memory_space<hbm>> -> memref<632x128xf32, #tpu.memory_space<hbm>>
    tpu.enqueue_dma source(%dma_start3A_5 : memref<632x128xf32, #tpu.memory_space<hbm>>) target(%dma_start3A_3 : memref<632x128xf32, #tpu.memory_space<vmem_shared>>) target_semaphore(%arg26 : memref<!tpu.dma_semaphore, #tpu.memory_space<semaphore_mem>>)
    %dma_start3A_6 = arith.constant 0 : i32
    %dma_start3A_7 = tpu.memref_slice %arg21[%mul3A_2, %dma_start3A_6] : memref<10112x16xf32, #tpu.memory_space<vmem_shared>> -> memref<632x16xf32, #tpu.memory_space<vmem_shared>>
    %dma_start3A_8 = arith.constant 0 : i32
    %dma_start3A_9 = tpu.memref_slice %arg8[%mul3A_2, %dma_start3A_8] : memref<10112x16xf32, #tpu.memory_space<hbm>> -> memref<632x16xf32, #tpu.memory_space<hbm>>
    tpu.enqueue_dma source(%dma_start3A_9 : memref<632x16xf32, #tpu.memory_space<hbm>>) target(%dma_start3A_7 : memref<632x16xf32, #tpu.memory_space<vmem_shared>>) target_semaphore(%arg26 : memref<!tpu.dma_semaphore, #tpu.memory_space<semaphore_mem>>)
    %mul3A_10 = arith.constant 80 : i32
    %mul3A_11 = arith.muli %add3A, %mul3A_10 : i32
    %add3A_12 = arith.constant 0 : i32
    %add3A_13 = arith.addi %mul3A_11, %add3A_12 : i32
    %dma_start3A_14 = arith.constant 0 : i32
    %dma_start3A_15 = tpu.memref_slice %arg2[%add3A_13, %dma_start3A_14] : memref<2560x128xi32, #tpu.memory_space<hbm>> -> memref<1x128xi32, #tpu.memory_space<hbm>>
    %dma_start3A_16 = tpu.memref_squeeze %dma_start3A_15 : memref<1x128xi32, #tpu.memory_space<hbm>> -> memref<128xi32, #tpu.memory_space<hbm>>
    %dma_start3A_17 = arith.constant 0 : i32
    %dma_start3A_18 = tpu.memref_slice %arg2[%add3A_13, %dma_start3A_17] : memref<2560x128xi32, #tpu.memory_space<hbm>> -> memref<1x128xi32, #tpu.memory_space<hbm>>
    %dma_start3A_19 = tpu.memref_squeeze %dma_start3A_18 : memref<1x128xi32, #tpu.memory_space<hbm>> -> memref<128xi32, #tpu.memory_space<hbm>>
    tpu.enqueue_dma source(%dma_start3A_19 : memref<128xi32, #tpu.memory_space<hbm>>) target(%arg11 : memref<128xi32, #tpu.memory_space<vmem>>) target_semaphore(%arg22 : memref<!tpu.dma_semaphore, #tpu.memory_space<semaphore_mem>>)
    %mul3A_20 = arith.constant 80 : i32
    %mul3A_21 = arith.muli %add3A, %mul3A_20 : i32
    %add3A_22 = arith.constant 0 : i32
    %add3A_23 = arith.addi %mul3A_21, %add3A_22 : i32
    %dma_start3A_24 = arith.constant 0 : i32
    %dma_start3A_25 = tpu.memref_slice %arg3[%add3A_23, %dma_start3A_24] : memref<2560x128xi32, #tpu.memory_space<hbm>> -> memref<1x128xi32, #tpu.memory_space<hbm>>
    %dma_start3A_26 = tpu.memref_squeeze %dma_start3A_25 : memref<1x128xi32, #tpu.memory_space<hbm>> -> memref<128xi32, #tpu.memory_space<hbm>>
    %dma_start3A_27 = arith.constant 0 : i32
    %dma_start3A_28 = tpu.memref_slice %arg3[%add3A_23, %dma_start3A_27] : memref<2560x128xi32, #tpu.memory_space<hbm>> -> memref<1x128xi32, #tpu.memory_space<hbm>>
    %dma_start3A_29 = tpu.memref_squeeze %dma_start3A_28 : memref<1x128xi32, #tpu.memory_space<hbm>> -> memref<128xi32, #tpu.memory_space<hbm>>
    tpu.enqueue_dma source(%dma_start3A_29 : memref<128xi32, #tpu.memory_space<hbm>>) target(%arg12 : memref<128xi32, #tpu.memory_space<vmem>>) target_semaphore(%arg22 : memref<!tpu.dma_semaphore, #tpu.memory_space<semaphore_mem>>)
    %dma_wait3A = arith.constant 0 : i32
    %dma_wait3A_30 = arith.constant 0 : i32
    %dma_wait3A_31 = tpu.memref_slice %arg2[%dma_wait3A, %dma_wait3A_30] : memref<2560x128xi32, #tpu.memory_space<hbm>> -> memref<1x128xi32, #tpu.memory_space<hbm>>
    %dma_wait3A_32 = tpu.memref_squeeze %dma_wait3A_31 : memref<1x128xi32, #tpu.memory_space<hbm>> -> memref<128xi32, #tpu.memory_space<hbm>>
    %dma_wait3A_33 = arith.constant 0 : i32
    %dma_wait3A_34 = tpu.memref_slice %arg2[%dma_wait3A, %dma_wait3A_33] : memref<2560x128xi32, #tpu.memory_space<hbm>> -> memref<1x128xi32, #tpu.memory_space<hbm>>
    %dma_wait3A_35 = tpu.memref_squeeze %dma_wait3A_34 : memref<1x128xi32, #tpu.memory_space<hbm>> -> memref<128xi32, #tpu.memory_space<hbm>>
    tpu.wait_dma2 semaphore(%arg22 : memref<!tpu.dma_semaphore, #tpu.memory_space<semaphore_mem>>) src(%dma_wait3A_35 : memref<128xi32, #tpu.memory_space<hbm>>) dst(%arg11 : memref<128xi32, #tpu.memory_space<vmem>>)
    %dma_wait3A_36 = arith.constant 0 : i32
    %dma_wait3A_37 = arith.constant 0 : i32
    %dma_wait3A_38 = tpu.memref_slice %arg3[%dma_wait3A_36, %dma_wait3A_37] : memref<2560x128xi32, #tpu.memory_space<hbm>> -> memref<1x128xi32, #tpu.memory_space<hbm>>
    %dma_wait3A_39 = tpu.memref_squeeze %dma_wait3A_38 : memref<1x128xi32, #tpu.memory_space<hbm>> -> memref<128xi32, #tpu.memory_space<hbm>>
    %dma_wait3A_40 = arith.constant 0 : i32
    %dma_wait3A_41 = tpu.memref_slice %arg3[%dma_wait3A_36, %dma_wait3A_40] : memref<2560x128xi32, #tpu.memory_space<hbm>> -> memref<1x128xi32, #tpu.memory_space<hbm>>
    %dma_wait3A_42 = tpu.memref_squeeze %dma_wait3A_41 : memref<1x128xi32, #tpu.memory_space<hbm>> -> memref<128xi32, #tpu.memory_space<hbm>>
    tpu.wait_dma2 semaphore(%arg22 : memref<!tpu.dma_semaphore, #tpu.memory_space<semaphore_mem>>) src(%dma_wait3A_42 : memref<128xi32, #tpu.memory_space<hbm>>) dst(%arg12 : memref<128xi32, #tpu.memory_space<vmem>>)
    %dma_start3A_43 = arith.constant 0 : i32
    %dma_start3A_44 = arith.constant 0 : i32
    %dma_start3A_45 = tpu.memref_slice %arg6[%dma_start3A_43, %dma_start3A_44] : memref<10112x128xf32, #tpu.memory_space<hbm>> -> memref<10112x128xf32, #tpu.memory_space<hbm>>
    tpu.enqueue_indirect_dma source(%dma_start3A_45 : memref<10112x128xf32, #tpu.memory_space<hbm>>) target(%arg15 : memref<128x128xf32, #tpu.memory_space<vmem>>) offsets(%arg11 : memref<128xi32, #tpu.memory_space<vmem>>) semaphore(%arg23 : memref<!tpu.dma_semaphore, #tpu.memory_space<semaphore_mem>>)
    %dma_start3A_46 = arith.constant 0 : i32
    %dma_start3A_47 = arith.constant 0 : i32
    %dma_start3A_48 = tpu.memref_slice %arg4[%dma_start3A_46, %dma_start3A_47] : memref<10112x16xf32, #tpu.memory_space<hbm>> -> memref<10112x16xf32, #tpu.memory_space<hbm>>
    tpu.enqueue_indirect_dma source(%dma_start3A_48 : memref<10112x16xf32, #tpu.memory_space<hbm>>) target(%arg17 : memref<128x16xf32, #tpu.memory_space<vmem>>) offsets(%arg11 : memref<128xi32, #tpu.memory_space<vmem>>) semaphore(%arg25 : memref<!tpu.dma_semaphore, #tpu.memory_space<semaphore_mem>>)
    %dma_start3A_49 = arith.constant 0 : i32
    %dma_start3A_50 = arith.constant 0 : i32
    %dma_start3A_51 = tpu.memref_slice %arg5[%dma_start3A_49, %dma_start3A_50] : memref<10112x16xf32, #tpu.memory_space<hbm>> -> memref<10112x16xf32, #tpu.memory_space<hbm>>
    tpu.enqueue_indirect_dma source(%dma_start3A_51 : memref<10112x16xf32, #tpu.memory_space<hbm>>) target(%arg18 : memref<128x16xf32, #tpu.memory_space<vmem>>) offsets(%arg12 : memref<128xi32, #tpu.memory_space<vmem>>) semaphore(%arg25 : memref<!tpu.dma_semaphore, #tpu.memory_space<semaphore_mem>>)
    %mul3A_52 = arith.constant 80 : i32
    %mul3A_53 = arith.muli %add3A, %mul3A_52 : i32
    %add3A_54 = arith.constant 1 : i32
    %add3A_55 = arith.addi %mul3A_53, %add3A_54 : i32
    %dma_start3A_56 = arith.constant 0 : i32
    %dma_start3A_57 = tpu.memref_slice %arg2[%add3A_55, %dma_start3A_56] : memref<2560x128xi32, #tpu.memory_space<hbm>> -> memref<1x128xi32, #tpu.memory_space<hbm>>
    %dma_start3A_58 = tpu.memref_squeeze %dma_start3A_57 : memref<1x128xi32, #tpu.memory_space<hbm>> -> memref<128xi32, #tpu.memory_space<hbm>>
    %dma_start3A_59 = arith.constant 0 : i32
    %dma_start3A_60 = tpu.memref_slice %arg2[%add3A_55, %dma_start3A_59] : memref<2560x128xi32, #tpu.memory_space<hbm>> -> memref<1x128xi32, #tpu.memory_space<hbm>>
    %dma_start3A_61 = tpu.memref_squeeze %dma_start3A_60 : memref<1x128xi32, #tpu.memory_space<hbm>> -> memref<128xi32, #tpu.memory_space<hbm>>
    tpu.enqueue_dma source(%dma_start3A_61 : memref<128xi32, #tpu.memory_space<hbm>>) target(%arg13 : memref<128xi32, #tpu.memory_space<vmem>>) target_semaphore(%arg22 : memref<!tpu.dma_semaphore, #tpu.memory_space<semaphore_mem>>)
    %mul3A_62 = arith.constant 80 : i32
    %mul3A_63 = arith.muli %add3A, %mul3A_62 : i32
    %add3A_64 = arith.constant 1 : i32
    %add3A_65 = arith.addi %mul3A_63, %add3A_64 : i32
    %dma_start3A_66 = arith.constant 0 : i32
    %dma_start3A_67 = tpu.memref_slice %arg3[%add3A_65, %dma_start3A_66] : memref<2560x128xi32, #tpu.memory_space<hbm>> -> memref<1x128xi32, #tpu.memory_space<hbm>>
    %dma_start3A_68 = tpu.memref_squeeze %dma_start3A_67 : memref<1x128xi32, #tpu.memory_space<hbm>> -> memref<128xi32, #tpu.memory_space<hbm>>
    %dma_start3A_69 = arith.constant 0 : i32
    %dma_start3A_70 = tpu.memref_slice %arg3[%add3A_65, %dma_start3A_69] : memref<2560x128xi32, #tpu.memory_space<hbm>> -> memref<1x128xi32, #tpu.memory_space<hbm>>
    %dma_start3A_71 = tpu.memref_squeeze %dma_start3A_70 : memref<1x128xi32, #tpu.memory_space<hbm>> -> memref<128xi32, #tpu.memory_space<hbm>>
    tpu.enqueue_dma source(%dma_start3A_71 : memref<128xi32, #tpu.memory_space<hbm>>) target(%arg14 : memref<128xi32, #tpu.memory_space<vmem>>) target_semaphore(%arg22 : memref<!tpu.dma_semaphore, #tpu.memory_space<semaphore_mem>>)
    %dma_wait3A_72 = arith.constant 0 : i32
    %dma_wait3A_73 = tpu.memref_slice %arg20[%mul3A_2, %dma_wait3A_72] : memref<10112x128xf32, #tpu.memory_space<vmem_shared>> -> memref<632x128xf32, #tpu.memory_space<vmem_shared>>
    %dma_wait3A_74 = arith.constant 0 : i32
    %dma_wait3A_75 = tpu.memref_slice %arg7[%mul3A_2, %dma_wait3A_74] : memref<10112x128xf32, #tpu.memory_space<hbm>> -> memref<632x128xf32, #tpu.memory_space<hbm>>
    tpu.wait_dma2 semaphore(%arg26 : memref<!tpu.dma_semaphore, #tpu.memory_space<semaphore_mem>>) src(%dma_wait3A_75 : memref<632x128xf32, #tpu.memory_space<hbm>>) dst(%dma_wait3A_73 : memref<632x128xf32, #tpu.memory_space<vmem_shared>>)
    %dma_wait3A_76 = arith.constant 0 : i32
    %dma_wait3A_77 = tpu.memref_slice %arg21[%mul3A_2, %dma_wait3A_76] : memref<10112x16xf32, #tpu.memory_space<vmem_shared>> -> memref<632x16xf32, #tpu.memory_space<vmem_shared>>
    %dma_wait3A_78 = arith.constant 0 : i32
    %dma_wait3A_79 = tpu.memref_slice %arg8[%mul3A_2, %dma_wait3A_78] : memref<10112x16xf32, #tpu.memory_space<hbm>> -> memref<632x16xf32, #tpu.memory_space<hbm>>
    tpu.wait_dma2 semaphore(%arg26 : memref<!tpu.dma_semaphore, #tpu.memory_space<semaphore_mem>>) src(%dma_wait3A_79 : memref<632x16xf32, #tpu.memory_space<hbm>>) dst(%dma_wait3A_77 : memref<632x16xf32, #tpu.memory_space<vmem_shared>>)
    %barrier3A = arith.constant 0 : index
    tpu.barrier barrier_id(%barrier3A)
    %scan3A = arith.constant 0 : i32
    %scan3A_80 = arith.constant 0 : i32
    %scan3A_81 = arith.constant 40 : i32
    %scan3A_82 = arith.addi %scan3A_80, %scan3A_81 : i32
    %scan3A_83 = arith.constant 1 : i32
    scf.for %scan3A_95 = %scan3A_80 to %scan3A_82 step %scan3A_83  : i32 {
      %mul3A_96 = arith.constant 2 : i32
      %mul3A_97 = arith.muli %mul3A_96, %scan3A_95 : i32
      %add3A_98 = arith.constant 0 : i32
      %add3A_99 = arith.addi %mul3A_97, %add3A_98 : i32
      %lt3A = arith.constant 79 : i32
      %lt3A_100 = arith.cmpi slt, %add3A_99, %lt3A : i32
      %convert_element_type3A = arith.extui %lt3A_100 : i1 to i32
      %cond3A = arith.constant 0 : i32
      %cond3A_101 = arith.cmpi ne, %convert_element_type3A, %cond3A : i32
      scf.if %cond3A_101 {
        %dma_wait3A_194 = arith.constant 0 : i32
        %dma_wait3A_195 = arith.constant 0 : i32
        %dma_wait3A_196 = tpu.memref_slice %arg2[%dma_wait3A_194, %dma_wait3A_195] : memref<2560x128xi32, #tpu.memory_space<hbm>> -> memref<1x128xi32, #tpu.memory_space<hbm>>
        %dma_wait3A_197 = tpu.memref_squeeze %dma_wait3A_196 : memref<1x128xi32, #tpu.memory_space<hbm>> -> memref<128xi32, #tpu.memory_space<hbm>>
        %dma_wait3A_198 = arith.constant 0 : i32
        %dma_wait3A_199 = tpu.memref_slice %arg2[%dma_wait3A_194, %dma_wait3A_198] : memref<2560x128xi32, #tpu.memory_space<hbm>> -> memref<1x128xi32, #tpu.memory_space<hbm>>
        %dma_wait3A_200 = tpu.memref_squeeze %dma_wait3A_199 : memref<1x128xi32, #tpu.memory_space<hbm>> -> memref<128xi32, #tpu.memory_space<hbm>>
        tpu.wait_dma2 semaphore(%arg22 : memref<!tpu.dma_semaphore, #tpu.memory_space<semaphore_mem>>) src(%dma_wait3A_200 : memref<128xi32, #tpu.memory_space<hbm>>) dst(%arg13 : memref<128xi32, #tpu.memory_space<vmem>>)
        %dma_wait3A_201 = arith.constant 0 : i32
        %dma_wait3A_202 = arith.constant 0 : i32
        %dma_wait3A_203 = tpu.memref_slice %arg3[%dma_wait3A_201, %dma_wait3A_202] : memref<2560x128xi32, #tpu.memory_space<hbm>> -> memref<1x128xi32, #tpu.memory_space<hbm>>
        %dma_wait3A_204 = tpu.memref_squeeze %dma_wait3A_203 : memref<1x128xi32, #tpu.memory_space<hbm>> -> memref<128xi32, #tpu.memory_space<hbm>>
        %dma_wait3A_205 = arith.constant 0 : i32
        %dma_wait3A_206 = tpu.memref_slice %arg3[%dma_wait3A_201, %dma_wait3A_205] : memref<2560x128xi32, #tpu.memory_space<hbm>> -> memref<1x128xi32, #tpu.memory_space<hbm>>
        %dma_wait3A_207 = tpu.memref_squeeze %dma_wait3A_206 : memref<1x128xi32, #tpu.memory_space<hbm>> -> memref<128xi32, #tpu.memory_space<hbm>>
        tpu.wait_dma2 semaphore(%arg22 : memref<!tpu.dma_semaphore, #tpu.memory_space<semaphore_mem>>) src(%dma_wait3A_207 : memref<128xi32, #tpu.memory_space<hbm>>) dst(%arg14 : memref<128xi32, #tpu.memory_space<vmem>>)
        %ge3A_208 = arith.constant 1 : i32
        %ge3A_209 = arith.cmpi sge, %add3A_99, %ge3A_208 : i32
        %convert_element_type3A_210 = arith.extui %ge3A_209 : i1 to i32
        %cond3A_211 = arith.constant 0 : i32
        %cond3A_212 = arith.cmpi ne, %convert_element_type3A_210, %cond3A_211 : i32
        scf.if %cond3A_212 {
          %dma_wait3A_216 = arith.constant 0 : i32
          %dma_wait3A_217 = arith.constant 0 : i32
          %dma_wait3A_218 = tpu.memref_slice %arg20[%dma_wait3A_216, %dma_wait3A_217] : memref<10112x128xf32, #tpu.memory_space<vmem_shared>> -> memref<10112x128xf32, #tpu.memory_space<vmem_shared>>
          tpu.wait_indirect_dma semaphore(%arg28 : memref<!tpu.dma_semaphore, #tpu.memory_space<semaphore_mem>>) src(%arg16 : memref<128x128xf32, #tpu.memory_space<vmem>>) dst(%dma_wait3A_218 : memref<10112x128xf32, #tpu.memory_space<vmem_shared>>)
        } else {
        }
        %dma_start3A_213 = arith.constant 0 : i32
        %dma_start3A_214 = arith.constant 0 : i32
        %dma_start3A_215 = tpu.memref_slice %arg6[%dma_start3A_213, %dma_start3A_214] : memref<10112x128xf32, #tpu.memory_space<hbm>> -> memref<10112x128xf32, #tpu.memory_space<hbm>>
        tpu.enqueue_indirect_dma source(%dma_start3A_215 : memref<10112x128xf32, #tpu.memory_space<hbm>>) target(%arg16 : memref<128x128xf32, #tpu.memory_space<vmem>>) offsets(%arg13 : memref<128xi32, #tpu.memory_space<vmem>>) semaphore(%arg24 : memref<!tpu.dma_semaphore, #tpu.memory_space<semaphore_mem>>)
      } else {
      }
      %dma_wait3A_102 = arith.constant 0 : i32
      %dma_wait3A_103 = arith.constant 0 : i32
      %dma_wait3A_104 = tpu.memref_slice %arg4[%dma_wait3A_102, %dma_wait3A_103] : memref<10112x16xf32, #tpu.memory_space<hbm>> -> memref<10112x16xf32, #tpu.memory_space<hbm>>
      tpu.wait_indirect_dma semaphore(%arg25 : memref<!tpu.dma_semaphore, #tpu.memory_space<semaphore_mem>>) src(%dma_wait3A_104 : memref<10112x16xf32, #tpu.memory_space<hbm>>) dst(%arg17 : memref<128x16xf32, #tpu.memory_space<vmem>>)
      %dma_wait3A_105 = arith.constant 0 : i32
      %dma_wait3A_106 = arith.constant 0 : i32
      %dma_wait3A_107 = tpu.memref_slice %arg5[%dma_wait3A_105, %dma_wait3A_106] : memref<10112x16xf32, #tpu.memory_space<hbm>> -> memref<10112x16xf32, #tpu.memory_space<hbm>>
      tpu.wait_indirect_dma semaphore(%arg25 : memref<!tpu.dma_semaphore, #tpu.memory_space<semaphore_mem>>) src(%dma_wait3A_107 : memref<10112x16xf32, #tpu.memory_space<hbm>>) dst(%arg18 : memref<128x16xf32, #tpu.memory_space<vmem>>)
      %ge3A = arith.constant 1 : i32
      %ge3A_108 = arith.cmpi sge, %add3A_99, %ge3A : i32
      %convert_element_type3A_109 = arith.extui %ge3A_108 : i1 to i32
      %cond3A_110 = arith.constant 0 : i32
      %cond3A_111 = arith.cmpi ne, %convert_element_type3A_109, %cond3A_110 : i32
      scf.if %cond3A_111 {
        %dma_wait3A_194 = arith.constant 0 : i32
        %dma_wait3A_195 = arith.constant 0 : i32
        %dma_wait3A_196 = tpu.memref_slice %arg21[%dma_wait3A_194, %dma_wait3A_195] : memref<10112x16xf32, #tpu.memory_space<vmem_shared>> -> memref<10112x16xf32, #tpu.memory_space<vmem_shared>>
        tpu.wait_indirect_dma semaphore(%arg29 : memref<!tpu.dma_semaphore, #tpu.memory_space<semaphore_mem>>) src(%arg19 : memref<128x16xf32, #tpu.memory_space<vmem>>) dst(%dma_wait3A_196 : memref<10112x16xf32, #tpu.memory_space<vmem_shared>>)
      } else {
      }
      %scan3A_112 = arith.constant 0 : i32
      %scan3A_113 = arith.constant 0 : i32
      %scan3A_114 = arith.constant 128 : i32
      %scan3A_115 = arith.addi %scan3A_113, %scan3A_114 : i32
      %scan3A_116 = arith.constant 1 : i32
      scf.for %scan3A_194 = %scan3A_113 to %scan3A_115 step %scan3A_116  : i32 {
        %get3A = arith.index_cast %scan3A_194 : i32 to index
        %get3A_195 = arith.constant 0 : index
        %get3A_196 = tpu.vector_load %arg17[%get3A, %get3A_195] {strides = array<i32>} : memref<128x16xf32, #tpu.memory_space<vmem>>, vector<1x16xf32>,
        %get3A_197 = vector.shape_cast %get3A_196 : vector<1x16xf32> to vector<16xf32>
        %get3A_198 = arith.index_cast %scan3A_194 : i32 to index
        %get3A_199 = arith.constant 0 : index
        %get3A_200 = tpu.vector_load %arg18[%get3A_198, %get3A_199] {strides = array<i32>} : memref<128x16xf32, #tpu.memory_space<vmem>>, vector<1x16xf32>,
        %get3A_201 = vector.shape_cast %get3A_200 : vector<1x16xf32> to vector<16xf32>
        %add3A_202 = arith.addf %get3A_197, %get3A_201 : vector<16xf32>
        %gt3A = arith.constant 0.000000e+00 : f32
        %gt3A_203 = vector.broadcast %gt3A : f32 to vector<16xf32>
        %gt3A_204 = arith.cmpf ogt, %add3A_202, %gt3A_203 : vector<16xf32>
        %mul3A_205 = arith.constant 2.000000e-01 : f32
        %mul3A_206 = vector.broadcast %mul3A_205 : f32 to vector<16xf32>
        %mul3A_207 = arith.mulf %mul3A_206, %add3A_202 : vector<16xf32>
        %select_n3A = arith.select %gt3A_204, %add3A_202, %mul3A_207 : vector<16xi1>, vector<16xf32>
        %exp3A = math.exp %select_n3A : vector<16xf32>
        %swap3A = arith.index_cast %scan3A_194 : i32 to index
        %swap3A_208 = arith.constant 0 : index
        %swap3A_209 = tpu.vector_load %arg19[%swap3A, %swap3A_208] {strides = array<i32>} : memref<128x16xf32, #tpu.memory_space<vmem>>, vector<1x16xf32>,
        %swap3A_210 = vector.shape_cast %swap3A_209 : vector<1x16xf32> to vector<16xf32>
        %swap3A_211 = vector.shape_cast %exp3A : vector<16xf32> to vector<1x16xf32>
        tpu.vector_store %arg19[%swap3A, %swap3A_208], %swap3A_211 {strides = array<i32>} : memref<128x16xf32, #tpu.memory_space<vmem>>, vector<1x16xf32>,
      }
      %scan3A_117 = arith.constant 128 : i32
      %dma_wait3A_118 = arith.constant 0 : i32
      %dma_wait3A_119 = arith.constant 0 : i32
      %dma_wait3A_120 = tpu.memref_slice %arg6[%dma_wait3A_118, %dma_wait3A_119] : memref<10112x128xf32, #tpu.memory_space<hbm>> -> memref<10112x128xf32, #tpu.memory_space<hbm>>
      tpu.wait_indirect_dma semaphore(%arg23 : memref<!tpu.dma_semaphore, #tpu.memory_space<semaphore_mem>>) src(%dma_wait3A_120 : memref<10112x128xf32, #tpu.memory_space<hbm>>) dst(%arg15 : memref<128x128xf32, #tpu.memory_space<vmem>>)
      %scan3A_121 = arith.constant 0 : i32
      %scan3A_122 = arith.constant 0 : i32
      %scan3A_123 = arith.constant 128 : i32
      %scan3A_124 = arith.addi %scan3A_122, %scan3A_123 : i32
      %scan3A_125 = arith.constant 2 : i32
      scf.for %scan3A_194 = %scan3A_122 to %scan3A_124 step %scan3A_125  : i32 {
        %get3A = arith.index_cast %scan3A_194 : i32 to index
        %get3A_195 = arith.constant 0 : index
        %get3A_196 = tpu.vector_load %arg19[%get3A, %get3A_195] {strides = array<i32>} : memref<128x16xf32, #tpu.memory_space<vmem>>, vector<1x16xf32>,
        %get3A_197 = vector.shape_cast %get3A_196 : vector<1x16xf32> to vector<16xf32>
        %get3A_198 = arith.index_cast %scan3A_194 : i32 to index
        %get3A_199 = arith.constant 0 : index
        %get3A_200 = tpu.vector_load %arg15[%get3A_198, %get3A_199] {strides = array<i32>} : memref<128x128xf32, #tpu.memory_space<vmem>>, vector<1x16xf32>,
        %get3A_201 = vector.shape_cast %get3A_200 : vector<1x16xf32> to vector<16xf32>
        %slice3A = vector.extract_strided_slice %get3A_197 {offsets = [0], sizes = [1], strides = [1]} : vector<16xf32> to vector<1xf32>
        %squeeze3A = vector.extract %slice3A[0] : f32 from vector<1xf32>
        %mul3A_202 = vector.broadcast %squeeze3A : f32 to vector<16xf32>
        %mul3A_203 = arith.mulf %get3A_201, %mul3A_202 : vector<16xf32>
        %swap3A = arith.index_cast %scan3A_194 : i32 to index
        %swap3A_204 = arith.constant 0 : index
        %swap3A_205 = tpu.vector_load %arg15[%swap3A, %swap3A_204] {strides = array<i32>} : memref<128x128xf32, #tpu.memory_space<vmem>>, vector<1x16xf32>,
        %swap3A_206 = vector.shape_cast %swap3A_205 : vector<1x16xf32> to vector<16xf32>
        %swap3A_207 = vector.shape_cast %mul3A_203 : vector<16xf32> to vector<1x16xf32>
        tpu.vector_store %arg15[%swap3A, %swap3A_204], %swap3A_207 {strides = array<i32>} : memref<128x128xf32, #tpu.memory_space<vmem>>, vector<1x16xf32>,
        %get3A_208 = arith.index_cast %scan3A_194 : i32 to index
        %get3A_209 = arith.constant 16 : index
        %get3A_210 = tpu.vector_load %arg15[%get3A_208, %get3A_209] {strides = array<i32>} : memref<128x128xf32, #tpu.memory_space<vmem>>, vector<1x16xf32>,
        %get3A_211 = vector.shape_cast %get3A_210 : vector<1x16xf32> to vector<16xf32>
        %slice3A_212 = vector.extract_strided_slice %get3A_197 {offsets = [1], sizes = [1], strides = [1]} : vector<16xf32> to vector<1xf32>
        %squeeze3A_213 = vector.extract %slice3A_212[0] : f32 from vector<1xf32>
        %mul3A_214 = vector.broadcast %squeeze3A_213 : f32 to vector<16xf32>
        %mul3A_215 = arith.mulf %get3A_211, %mul3A_214 : vector<16xf32>
        %swap3A_216 = arith.index_cast %scan3A_194 : i32 to index
        %swap3A_217 = arith.constant 16 : index
        %swap3A_218 = tpu.vector_load %arg15[%swap3A_216, %swap3A_217] {strides = array<i32>} : memref<128x128xf32, #tpu.memory_space<vmem>>, vector<1x16xf32>,
        %swap3A_219 = vector.shape_cast %swap3A_218 : vector<1x16xf32> to vector<16xf32>
        %swap3A_220 = vector.shape_cast %mul3A_215 : vector<16xf32> to vector<1x16xf32>
        tpu.vector_store %arg15[%swap3A_216, %swap3A_217], %swap3A_220 {strides = array<i32>} : memref<128x128xf32, #tpu.memory_space<vmem>>, vector<1x16xf32>,
        %get3A_221 = arith.index_cast %scan3A_194 : i32 to index
        %get3A_222 = arith.constant 32 : index
        %get3A_223 = tpu.vector_load %arg15[%get3A_221, %get3A_222] {strides = array<i32>} : memref<128x128xf32, #tpu.memory_space<vmem>>, vector<1x16xf32>,
        %get3A_224 = vector.shape_cast %get3A_223 : vector<1x16xf32> to vector<16xf32>
        %slice3A_225 = vector.extract_strided_slice %get3A_197 {offsets = [2], sizes = [1], strides = [1]} : vector<16xf32> to vector<1xf32>
        %squeeze3A_226 = vector.extract %slice3A_225[0] : f32 from vector<1xf32>
        %mul3A_227 = vector.broadcast %squeeze3A_226 : f32 to vector<16xf32>
        %mul3A_228 = arith.mulf %get3A_224, %mul3A_227 : vector<16xf32>
        %swap3A_229 = arith.index_cast %scan3A_194 : i32 to index
        %swap3A_230 = arith.constant 32 : index
        %swap3A_231 = tpu.vector_load %arg15[%swap3A_229, %swap3A_230] {strides = array<i32>} : memref<128x128xf32, #tpu.memory_space<vmem>>, vector<1x16xf32>,
        %swap3A_232 = vector.shape_cast %swap3A_231 : vector<1x16xf32> to vector<16xf32>
        %swap3A_233 = vector.shape_cast %mul3A_228 : vector<16xf32> to vector<1x16xf32>
        tpu.vector_store %arg15[%swap3A_229, %swap3A_230], %swap3A_233 {strides = array<i32>} : memref<128x128xf32, #tpu.memory_space<vmem>>, vector<1x16xf32>,
        %get3A_234 = arith.index_cast %scan3A_194 : i32 to index
        %get3A_235 = arith.constant 48 : index
        %get3A_236 = tpu.vector_load %arg15[%get3A_234, %get3A_235] {strides = array<i32>} : memref<128x128xf32, #tpu.memory_space<vmem>>, vector<1x16xf32>,
        %get3A_237 = vector.shape_cast %get3A_236 : vector<1x16xf32> to vector<16xf32>
        %slice3A_238 = vector.extract_strided_slice %get3A_197 {offsets = [3], sizes = [1], strides = [1]} : vector<16xf32> to vector<1xf32>
        %squeeze3A_239 = vector.extract %slice3A_238[0] : f32 from vector<1xf32>
        %mul3A_240 = vector.broadcast %squeeze3A_239 : f32 to vector<16xf32>
        %mul3A_241 = arith.mulf %get3A_237, %mul3A_240 : vector<16xf32>
        %swap3A_242 = arith.index_cast %scan3A_194 : i32 to index
        %swap3A_243 = arith.constant 48 : index
        %swap3A_244 = tpu.vector_load %arg15[%swap3A_242, %swap3A_243] {strides = array<i32>} : memref<128x128xf32, #tpu.memory_space<vmem>>, vector<1x16xf32>,
        %swap3A_245 = vector.shape_cast %swap3A_244 : vector<1x16xf32> to vector<16xf32>
        %swap3A_246 = vector.shape_cast %mul3A_241 : vector<16xf32> to vector<1x16xf32>
        tpu.vector_store %arg15[%swap3A_242, %swap3A_243], %swap3A_246 {strides = array<i32>} : memref<128x128xf32, #tpu.memory_space<vmem>>, vector<1x16xf32>,
        %get3A_247 = arith.index_cast %scan3A_194 : i32 to index
        %get3A_248 = arith.constant 64 : index
        %get3A_249 = tpu.vector_load %arg15[%get3A_247, %get3A_248] {strides = array<i32>} : memref<128x128xf32, #tpu.memory_space<vmem>>, vector<1x16xf32>,
        %get3A_250 = vector.shape_cast %get3A_249 : vector<1x16xf32> to vector<16xf32>
        %slice3A_251 = vector.extract_strided_slice %get3A_197 {offsets = [4], sizes = [1], strides = [1]} : vector<16xf32> to vector<1xf32>
        %squeeze3A_252 = vector.extract %slice3A_251[0] : f32 from vector<1xf32>
        %mul3A_253 = vector.broadcast %squeeze3A_252 : f32 to vector<16xf32>
        %mul3A_254 = arith.mulf %get3A_250, %mul3A_253 : vector<16xf32>
        %swap3A_255 = arith.index_cast %scan3A_194 : i32 to index
        %swap3A_256 = arith.constant 64 : index
        %swap3A_257 = tpu.vector_load %arg15[%swap3A_255, %swap3A_256] {strides = array<i32>} : memref<128x128xf32, #tpu.memory_space<vmem>>, vector<1x16xf32>,
        %swap3A_258 = vector.shape_cast %swap3A_257 : vector<1x16xf32> to vector<16xf32>
        %swap3A_259 = vector.shape_cast %mul3A_254 : vector<16xf32> to vector<1x16xf32>
        tpu.vector_store %arg15[%swap3A_255, %swap3A_256], %swap3A_259 {strides = array<i32>} : memref<128x128xf32, #tpu.memory_space<vmem>>, vector<1x16xf32>,
        %get3A_260 = arith.index_cast %scan3A_194 : i32 to index
        %get3A_261 = arith.constant 80 : index
        %get3A_262 = tpu.vector_load %arg15[%get3A_260, %get3A_261] {strides = array<i32>} : memref<128x128xf32, #tpu.memory_space<vmem>>, vector<1x16xf32>,
        %get3A_263 = vector.shape_cast %get3A_262 : vector<1x16xf32> to vector<16xf32>
        %slice3A_264 = vector.extract_strided_slice %get3A_197 {offsets = [5], sizes = [1], strides = [1]} : vector<16xf32> to vector<1xf32>
        %squeeze3A_265 = vector.extract %slice3A_264[0] : f32 from vector<1xf32>
        %mul3A_266 = vector.broadcast %squeeze3A_265 : f32 to vector<16xf32>
        %mul3A_267 = arith.mulf %get3A_263, %mul3A_266 : vector<16xf32>
        %swap3A_268 = arith.index_cast %scan3A_194 : i32 to index
        %swap3A_269 = arith.constant 80 : index
        %swap3A_270 = tpu.vector_load %arg15[%swap3A_268, %swap3A_269] {strides = array<i32>} : memref<128x128xf32, #tpu.memory_space<vmem>>, vector<1x16xf32>,
        %swap3A_271 = vector.shape_cast %swap3A_270 : vector<1x16xf32> to vector<16xf32>
        %swap3A_272 = vector.shape_cast %mul3A_267 : vector<16xf32> to vector<1x16xf32>
        tpu.vector_store %arg15[%swap3A_268, %swap3A_269], %swap3A_272 {strides = array<i32>} : memref<128x128xf32, #tpu.memory_space<vmem>>, vector<1x16xf32>,
        %get3A_273 = arith.index_cast %scan3A_194 : i32 to index
        %get3A_274 = arith.constant 96 : index
        %get3A_275 = tpu.vector_load %arg15[%get3A_273, %get3A_274] {strides = array<i32>} : memref<128x128xf32, #tpu.memory_space<vmem>>, vector<1x16xf32>,
        %get3A_276 = vector.shape_cast %get3A_275 : vector<1x16xf32> to vector<16xf32>
        %slice3A_277 = vector.extract_strided_slice %get3A_197 {offsets = [6], sizes = [1], strides = [1]} : vector<16xf32> to vector<1xf32>
        %squeeze3A_278 = vector.extract %slice3A_277[0] : f32 from vector<1xf32>
        %mul3A_279 = vector.broadcast %squeeze3A_278 : f32 to vector<16xf32>
        %mul3A_280 = arith.mulf %get3A_276, %mul3A_279 : vector<16xf32>
        %swap3A_281 = arith.index_cast %scan3A_194 : i32 to index
        %swap3A_282 = arith.constant 96 : index
        %swap3A_283 = tpu.vector_load %arg15[%swap3A_281, %swap3A_282] {strides = array<i32>} : memref<128x128xf32, #tpu.memory_space<vmem>>, vector<1x16xf32>,
        %swap3A_284 = vector.shape_cast %swap3A_283 : vector<1x16xf32> to vector<16xf32>
        %swap3A_285 = vector.shape_cast %mul3A_280 : vector<16xf32> to vector<1x16xf32>
        tpu.vector_store %arg15[%swap3A_281, %swap3A_282], %swap3A_285 {strides = array<i32>} : memref<128x128xf32, #tpu.memory_space<vmem>>, vector<1x16xf32>,
        %get3A_286 = arith.index_cast %scan3A_194 : i32 to index
        %get3A_287 = arith.constant 112 : index
        %get3A_288 = tpu.vector_load %arg15[%get3A_286, %get3A_287] {strides = array<i32>} : memref<128x128xf32, #tpu.memory_space<vmem>>, vector<1x16xf32>,
        %get3A_289 = vector.shape_cast %get3A_288 : vector<1x16xf32> to vector<16xf32>
        %slice3A_290 = vector.extract_strided_slice %get3A_197 {offsets = [7], sizes = [1], strides = [1]} : vector<16xf32> to vector<1xf32>
        %squeeze3A_291 = vector.extract %slice3A_290[0] : f32 from vector<1xf32>
        %mul3A_292 = vector.broadcast %squeeze3A_291 : f32 to vector<16xf32>
        %mul3A_293 = arith.mulf %get3A_289, %mul3A_292 : vector<16xf32>
        %swap3A_294 = arith.index_cast %scan3A_194 : i32 to index
        %swap3A_295 = arith.constant 112 : index
        %swap3A_296 = tpu.vector_load %arg15[%swap3A_294, %swap3A_295] {strides = array<i32>} : memref<128x128xf32, #tpu.memory_space<vmem>>, vector<1x16xf32>,
        %swap3A_297 = vector.shape_cast %swap3A_296 : vector<1x16xf32> to vector<16xf32>
        %swap3A_298 = vector.shape_cast %mul3A_293 : vector<16xf32> to vector<1x16xf32>
        tpu.vector_store %arg15[%swap3A_294, %swap3A_295], %swap3A_298 {strides = array<i32>} : memref<128x128xf32, #tpu.memory_space<vmem>>, vector<1x16xf32>,
        %scan3A_299 = arith.constant 1 : i32
        %scan3A_300 = arith.addi %scan3A_194, %scan3A_299 : i32
        %get3A_301 = arith.index_cast %scan3A_300 : i32 to index
        %get3A_302 = arith.constant 0 : index
        %get3A_303 = tpu.vector_load %arg19[%get3A_301, %get3A_302] {strides = array<i32>} : memref<128x16xf32, #tpu.memory_space<vmem>>, vector<1x16xf32>,
        %get3A_304 = vector.shape_cast %get3A_303 : vector<1x16xf32> to vector<16xf32>
        %get3A_305 = arith.index_cast %scan3A_300 : i32 to index
        %get3A_306 = arith.constant 0 : index
        %get3A_307 = tpu.vector_load %arg15[%get3A_305, %get3A_306] {strides = array<i32>} : memref<128x128xf32, #tpu.memory_space<vmem>>, vector<1x16xf32>,
        %get3A_308 = vector.shape_cast %get3A_307 : vector<1x16xf32> to vector<16xf32>
        %slice3A_309 = vector.extract_strided_slice %get3A_304 {offsets = [0], sizes = [1], strides = [1]} : vector<16xf32> to vector<1xf32>
        %squeeze3A_310 = vector.extract %slice3A_309[0] : f32 from vector<1xf32>
        %mul3A_311 = vector.broadcast %squeeze3A_310 : f32 to vector<16xf32>
        %mul3A_312 = arith.mulf %get3A_308, %mul3A_311 : vector<16xf32>
        %swap3A_313 = arith.index_cast %scan3A_300 : i32 to index
        %swap3A_314 = arith.constant 0 : index
        %swap3A_315 = tpu.vector_load %arg15[%swap3A_313, %swap3A_314] {strides = array<i32>} : memref<128x128xf32, #tpu.memory_space<vmem>>, vector<1x16xf32>,
        %swap3A_316 = vector.shape_cast %swap3A_315 : vector<1x16xf32> to vector<16xf32>
        %swap3A_317 = vector.shape_cast %mul3A_312 : vector<16xf32> to vector<1x16xf32>
        tpu.vector_store %arg15[%swap3A_313, %swap3A_314], %swap3A_317 {strides = array<i32>} : memref<128x128xf32, #tpu.memory_space<vmem>>, vector<1x16xf32>,
        %get3A_318 = arith.index_cast %scan3A_300 : i32 to index
        %get3A_319 = arith.constant 16 : index
        %get3A_320 = tpu.vector_load %arg15[%get3A_318, %get3A_319] {strides = array<i32>} : memref<128x128xf32, #tpu.memory_space<vmem>>, vector<1x16xf32>,
        %get3A_321 = vector.shape_cast %get3A_320 : vector<1x16xf32> to vector<16xf32>
        %slice3A_322 = vector.extract_strided_slice %get3A_304 {offsets = [1], sizes = [1], strides = [1]} : vector<16xf32> to vector<1xf32>
        %squeeze3A_323 = vector.extract %slice3A_322[0] : f32 from vector<1xf32>
        %mul3A_324 = vector.broadcast %squeeze3A_323 : f32 to vector<16xf32>
        %mul3A_325 = arith.mulf %get3A_321, %mul3A_324 : vector<16xf32>
        %swap3A_326 = arith.index_cast %scan3A_300 : i32 to index
        %swap3A_327 = arith.constant 16 : index
        %swap3A_328 = tpu.vector_load %arg15[%swap3A_326, %swap3A_327] {strides = array<i32>} : memref<128x128xf32, #tpu.memory_space<vmem>>, vector<1x16xf32>,
        %swap3A_329 = vector.shape_cast %swap3A_328 : vector<1x16xf32> to vector<16xf32>
        %swap3A_330 = vector.shape_cast %mul3A_325 : vector<16xf32> to vector<1x16xf32>
        tpu.vector_store %arg15[%swap3A_326, %swap3A_327], %swap3A_330 {strides = array<i32>} : memref<128x128xf32, #tpu.memory_space<vmem>>, vector<1x16xf32>,
        %get3A_331 = arith.index_cast %scan3A_300 : i32 to index
        %get3A_332 = arith.constant 32 : index
        %get3A_333 = tpu.vector_load %arg15[%get3A_331, %get3A_332] {strides = array<i32>} : memref<128x128xf32, #tpu.memory_space<vmem>>, vector<1x16xf32>,
        %get3A_334 = vector.shape_cast %get3A_333 : vector<1x16xf32> to vector<16xf32>
        %slice3A_335 = vector.extract_strided_slice %get3A_304 {offsets = [2], sizes = [1], strides = [1]} : vector<16xf32> to vector<1xf32>
        %squeeze3A_336 = vector.extract %slice3A_335[0] : f32 from vector<1xf32>
        %mul3A_337 = vector.broadcast %squeeze3A_336 : f32 to vector<16xf32>
        %mul3A_338 = arith.mulf %get3A_334, %mul3A_337 : vector<16xf32>
        %swap3A_339 = arith.index_cast %scan3A_300 : i32 to index
        %swap3A_340 = arith.constant 32 : index
        %swap3A_341 = tpu.vector_load %arg15[%swap3A_339, %swap3A_340] {strides = array<i32>} : memref<128x128xf32, #tpu.memory_space<vmem>>, vector<1x16xf32>,
        %swap3A_342 = vector.shape_cast %swap3A_341 : vector<1x16xf32> to vector<16xf32>
        %swap3A_343 = vector.shape_cast %mul3A_338 : vector<16xf32> to vector<1x16xf32>
        tpu.vector_store %arg15[%swap3A_339, %swap3A_340], %swap3A_343 {strides = array<i32>} : memref<128x128xf32, #tpu.memory_space<vmem>>, vector<1x16xf32>,
        %get3A_344 = arith.index_cast %scan3A_300 : i32 to index
        %get3A_345 = arith.constant 48 : index
        %get3A_346 = tpu.vector_load %arg15[%get3A_344, %get3A_345] {strides = array<i32>} : memref<128x128xf32, #tpu.memory_space<vmem>>, vector<1x16xf32>,
        %get3A_347 = vector.shape_cast %get3A_346 : vector<1x16xf32> to vector<16xf32>
        %slice3A_348 = vector.extract_strided_slice %get3A_304 {offsets = [3], sizes = [1], strides = [1]} : vector<16xf32> to vector<1xf32>
        %squeeze3A_349 = vector.extract %slice3A_348[0] : f32 from vector<1xf32>
        %mul3A_350 = vector.broadcast %squeeze3A_349 : f32 to vector<16xf32>
        %mul3A_351 = arith.mulf %get3A_347, %mul3A_350 : vector<16xf32>
        %swap3A_352 = arith.index_cast %scan3A_300 : i32 to index
        %swap3A_353 = arith.constant 48 : index
        %swap3A_354 = tpu.vector_load %arg15[%swap3A_352, %swap3A_353] {strides = array<i32>} : memref<128x128xf32, #tpu.memory_space<vmem>>, vector<1x16xf32>,
        %swap3A_355 = vector.shape_cast %swap3A_354 : vector<1x16xf32> to vector<16xf32>
        %swap3A_356 = vector.shape_cast %mul3A_351 : vector<16xf32> to vector<1x16xf32>
        tpu.vector_store %arg15[%swap3A_352, %swap3A_353], %swap3A_356 {strides = array<i32>} : memref<128x128xf32, #tpu.memory_space<vmem>>, vector<1x16xf32>,
        %get3A_357 = arith.index_cast %scan3A_300 : i32 to index
        %get3A_358 = arith.constant 64 : index
        %get3A_359 = tpu.vector_load %arg15[%get3A_357, %get3A_358] {strides = array<i32>} : memref<128x128xf32, #tpu.memory_space<vmem>>, vector<1x16xf32>,
        %get3A_360 = vector.shape_cast %get3A_359 : vector<1x16xf32> to vector<16xf32>
        %slice3A_361 = vector.extract_strided_slice %get3A_304 {offsets = [4], sizes = [1], strides = [1]} : vector<16xf32> to vector<1xf32>
        %squeeze3A_362 = vector.extract %slice3A_361[0] : f32 from vector<1xf32>
        %mul3A_363 = vector.broadcast %squeeze3A_362 : f32 to vector<16xf32>
        %mul3A_364 = arith.mulf %get3A_360, %mul3A_363 : vector<16xf32>
        %swap3A_365 = arith.index_cast %scan3A_300 : i32 to index
        %swap3A_366 = arith.constant 64 : index
        %swap3A_367 = tpu.vector_load %arg15[%swap3A_365, %swap3A_366] {strides = array<i32>} : memref<128x128xf32, #tpu.memory_space<vmem>>, vector<1x16xf32>,
        %swap3A_368 = vector.shape_cast %swap3A_367 : vector<1x16xf32> to vector<16xf32>
        %swap3A_369 = vector.shape_cast %mul3A_364 : vector<16xf32> to vector<1x16xf32>
        tpu.vector_store %arg15[%swap3A_365, %swap3A_366], %swap3A_369 {strides = array<i32>} : memref<128x128xf32, #tpu.memory_space<vmem>>, vector<1x16xf32>,
        %get3A_370 = arith.index_cast %scan3A_300 : i32 to index
        %get3A_371 = arith.constant 80 : index
        %get3A_372 = tpu.vector_load %arg15[%get3A_370, %get3A_371] {strides = array<i32>} : memref<128x128xf32, #tpu.memory_space<vmem>>, vector<1x16xf32>,
        %get3A_373 = vector.shape_cast %get3A_372 : vector<1x16xf32> to vector<16xf32>
        %slice3A_374 = vector.extract_strided_slice %get3A_304 {offsets = [5], sizes = [1], strides = [1]} : vector<16xf32> to vector<1xf32>
        %squeeze3A_375 = vector.extract %slice3A_374[0] : f32 from vector<1xf32>
        %mul3A_376 = vector.broadcast %squeeze3A_375 : f32 to vector<16xf32>
        %mul3A_377 = arith.mulf %get3A_373, %mul3A_376 : vector<16xf32>
        %swap3A_378 = arith.index_cast %scan3A_300 : i32 to index
        %swap3A_379 = arith.constant 80 : index
        %swap3A_380 = tpu.vector_load %arg15[%swap3A_378, %swap3A_379] {strides = array<i32>} : memref<128x128xf32, #tpu.memory_space<vmem>>, vector<1x16xf32>,
        %swap3A_381 = vector.shape_cast %swap3A_380 : vector<1x16xf32> to vector<16xf32>
        %swap3A_382 = vector.shape_cast %mul3A_377 : vector<16xf32> to vector<1x16xf32>
        tpu.vector_store %arg15[%swap3A_378, %swap3A_379], %swap3A_382 {strides = array<i32>} : memref<128x128xf32, #tpu.memory_space<vmem>>, vector<1x16xf32>,
        %get3A_383 = arith.index_cast %scan3A_300 : i32 to index
        %get3A_384 = arith.constant 96 : index
        %get3A_385 = tpu.vector_load %arg15[%get3A_383, %get3A_384] {strides = array<i32>} : memref<128x128xf32, #tpu.memory_space<vmem>>, vector<1x16xf32>,
        %get3A_386 = vector.shape_cast %get3A_385 : vector<1x16xf32> to vector<16xf32>
        %slice3A_387 = vector.extract_strided_slice %get3A_304 {offsets = [6], sizes = [1], strides = [1]} : vector<16xf32> to vector<1xf32>
        %squeeze3A_388 = vector.extract %slice3A_387[0] : f32 from vector<1xf32>
        %mul3A_389 = vector.broadcast %squeeze3A_388 : f32 to vector<16xf32>
        %mul3A_390 = arith.mulf %get3A_386, %mul3A_389 : vector<16xf32>
        %swap3A_391 = arith.index_cast %scan3A_300 : i32 to index
        %swap3A_392 = arith.constant 96 : index
        %swap3A_393 = tpu.vector_load %arg15[%swap3A_391, %swap3A_392] {strides = array<i32>} : memref<128x128xf32, #tpu.memory_space<vmem>>, vector<1x16xf32>,
        %swap3A_394 = vector.shape_cast %swap3A_393 : vector<1x16xf32> to vector<16xf32>
        %swap3A_395 = vector.shape_cast %mul3A_390 : vector<16xf32> to vector<1x16xf32>
        tpu.vector_store %arg15[%swap3A_391, %swap3A_392], %swap3A_395 {strides = array<i32>} : memref<128x128xf32, #tpu.memory_space<vmem>>, vector<1x16xf32>,
        %get3A_396 = arith.index_cast %scan3A_300 : i32 to index
        %get3A_397 = arith.constant 112 : index
        %get3A_398 = tpu.vector_load %arg15[%get3A_396, %get3A_397] {strides = array<i32>} : memref<128x128xf32, #tpu.memory_space<vmem>>, vector<1x16xf32>,
        %get3A_399 = vector.shape_cast %get3A_398 : vector<1x16xf32> to vector<16xf32>
        %slice3A_400 = vector.extract_strided_slice %get3A_304 {offsets = [7], sizes = [1], strides = [1]} : vector<16xf32> to vector<1xf32>
        %squeeze3A_401 = vector.extract %slice3A_400[0] : f32 from vector<1xf32>
        %mul3A_402 = vector.broadcast %squeeze3A_401 : f32 to vector<16xf32>
        %mul3A_403 = arith.mulf %get3A_399, %mul3A_402 : vector<16xf32>
        %swap3A_404 = arith.index_cast %scan3A_300 : i32 to index
        %swap3A_405 = arith.constant 112 : index
        %swap3A_406 = tpu.vector_load %arg15[%swap3A_404, %swap3A_405] {strides = array<i32>} : memref<128x128xf32, #tpu.memory_space<vmem>>, vector<1x16xf32>,
        %swap3A_407 = vector.shape_cast %swap3A_406 : vector<1x16xf32> to vector<16xf32>
        %swap3A_408 = vector.shape_cast %mul3A_403 : vector<16xf32> to vector<1x16xf32>
        tpu.vector_store %arg15[%swap3A_404, %swap3A_405], %swap3A_408 {strides = array<i32>} : memref<128x128xf32, #tpu.memory_space<vmem>>, vector<1x16xf32>,
      }
      %scan3A_126 = arith.constant 128 : i32
      %dma_start3A_127 = arith.constant 0 : i32
      %dma_start3A_128 = arith.constant 0 : i32
      %dma_start3A_129 = tpu.memref_slice %arg20[%dma_start3A_127, %dma_start3A_128] : memref<10112x128xf32, #tpu.memory_space<vmem_shared>> -> memref<10112x128xf32, #tpu.memory_space<vmem_shared>>
      tpu.enqueue_indirect_dma source(%arg15 : memref<128x128xf32, #tpu.memory_space<vmem>>) target(%dma_start3A_129 : memref<10112x128xf32, #tpu.memory_space<vmem_shared>>) offsets(%arg12 : memref<128xi32, #tpu.memory_space<vmem>>) semaphore(%arg27 : memref<!tpu.dma_semaphore, #tpu.memory_space<semaphore_mem>>) {add = true}
      %dma_start3A_130 = arith.constant 0 : i32
      %dma_start3A_131 = arith.constant 0 : i32
      %dma_start3A_132 = tpu.memref_slice %arg21[%dma_start3A_130, %dma_start3A_131] : memref<10112x16xf32, #tpu.memory_space<vmem_shared>> -> memref<10112x16xf32, #tpu.memory_space<vmem_shared>>
      tpu.enqueue_indirect_dma source(%arg19 : memref<128x16xf32, #tpu.memory_space<vmem>>) target(%dma_start3A_132 : memref<10112x16xf32, #tpu.memory_space<vmem_shared>>) offsets(%arg12 : memref<128xi32, #tpu.memory_space<vmem>>) semaphore(%arg29 : memref<!tpu.dma_semaphore, #tpu.memory_space<semaphore_mem>>) {add = true}
      %lt3A_133 = arith.constant 78 : i32
      %lt3A_134 = arith.cmpi slt, %add3A_99, %lt3A_133 : i32
      %convert_element_type3A_135 = arith.extui %lt3A_134 : i1 to i32
      %cond3A_136 = arith.constant 0 : i32
      %cond3A_137 = arith.cmpi ne, %convert_element_type3A_135, %cond3A_136 : i32
      scf.if %cond3A_137 {
        %add3A_194 = arith.constant 2 : i32
        %add3A_195 = arith.addi %add3A_99, %add3A_194 : i32
        %mul3A_196 = arith.constant 80 : i32
        %mul3A_197 = arith.muli %add3A, %mul3A_196 : i32
        %add3A_198 = arith.addi %mul3A_197, %add3A_195 : i32
        %dma_start3A_199 = arith.constant 0 : i32
        %dma_start3A_200 = tpu.memref_slice %arg2[%add3A_198, %dma_start3A_199] : memref<2560x128xi32, #tpu.memory_space<hbm>> -> memref<1x128xi32, #tpu.memory_space<hbm>>
        %dma_start3A_201 = tpu.memref_squeeze %dma_start3A_200 : memref<1x128xi32, #tpu.memory_space<hbm>> -> memref<128xi32, #tpu.memory_space<hbm>>
        %dma_start3A_202 = arith.constant 0 : i32
        %dma_start3A_203 = tpu.memref_slice %arg2[%add3A_198, %dma_start3A_202] : memref<2560x128xi32, #tpu.memory_space<hbm>> -> memref<1x128xi32, #tpu.memory_space<hbm>>
        %dma_start3A_204 = tpu.memref_squeeze %dma_start3A_203 : memref<1x128xi32, #tpu.memory_space<hbm>> -> memref<128xi32, #tpu.memory_space<hbm>>
        tpu.enqueue_dma source(%dma_start3A_204 : memref<128xi32, #tpu.memory_space<hbm>>) target(%arg11 : memref<128xi32, #tpu.memory_space<vmem>>) target_semaphore(%arg22 : memref<!tpu.dma_semaphore, #tpu.memory_space<semaphore_mem>>)
        %mul3A_205 = arith.constant 80 : i32
        %mul3A_206 = arith.muli %add3A, %mul3A_205 : i32
        %add3A_207 = arith.addi %mul3A_206, %add3A_195 : i32
        %dma_start3A_208 = arith.constant 0 : i32
        %dma_start3A_209 = tpu.memref_slice %arg3[%add3A_207, %dma_start3A_208] : memref<2560x128xi32, #tpu.memory_space<hbm>> -> memref<1x128xi32, #tpu.memory_space<hbm>>
        %dma_start3A_210 = tpu.memref_squeeze %dma_start3A_209 : memref<1x128xi32, #tpu.memory_space<hbm>> -> memref<128xi32, #tpu.memory_space<hbm>>
        %dma_start3A_211 = arith.constant 0 : i32
        %dma_start3A_212 = tpu.memref_slice %arg3[%add3A_207, %dma_start3A_211] : memref<2560x128xi32, #tpu.memory_space<hbm>> -> memref<1x128xi32, #tpu.memory_space<hbm>>
        %dma_start3A_213 = tpu.memref_squeeze %dma_start3A_212 : memref<1x128xi32, #tpu.memory_space<hbm>> -> memref<128xi32, #tpu.memory_space<hbm>>
        tpu.enqueue_dma source(%dma_start3A_213 : memref<128xi32, #tpu.memory_space<hbm>>) target(%arg12 : memref<128xi32, #tpu.memory_space<vmem>>) target_semaphore(%arg22 : memref<!tpu.dma_semaphore, #tpu.memory_space<semaphore_mem>>)
      } else {
      }
      %lt3A_138 = arith.constant 79 : i32
      %lt3A_139 = arith.cmpi slt, %add3A_99, %lt3A_138 : i32
      %convert_element_type3A_140 = arith.extui %lt3A_139 : i1 to i32
      %cond3A_141 = arith.constant 0 : i32
      %cond3A_142 = arith.cmpi ne, %convert_element_type3A_140, %cond3A_141 : i32
      scf.if %cond3A_142 {
        %dma_start3A_194 = arith.constant 0 : i32
        %dma_start3A_195 = arith.constant 0 : i32
        %dma_start3A_196 = tpu.memref_slice %arg4[%dma_start3A_194, %dma_start3A_195] : memref<10112x16xf32, #tpu.memory_space<hbm>> -> memref<10112x16xf32, #tpu.memory_space<hbm>>
        tpu.enqueue_indirect_dma source(%dma_start3A_196 : memref<10112x16xf32, #tpu.memory_space<hbm>>) target(%arg17 : memref<128x16xf32, #tpu.memory_space<vmem>>) offsets(%arg13 : memref<128xi32, #tpu.memory_space<vmem>>) semaphore(%arg25 : memref<!tpu.dma_semaphore, #tpu.memory_space<semaphore_mem>>)
        %dma_start3A_197 = arith.constant 0 : i32
        %dma_start3A_198 = arith.constant 0 : i32
        %dma_start3A_199 = tpu.memref_slice %arg5[%dma_start3A_197, %dma_start3A_198] : memref<10112x16xf32, #tpu.memory_space<hbm>> -> memref<10112x16xf32, #tpu.memory_space<hbm>>
        tpu.enqueue_indirect_dma source(%dma_start3A_199 : memref<10112x16xf32, #tpu.memory_space<hbm>>) target(%arg18 : memref<128x16xf32, #tpu.memory_space<vmem>>) offsets(%arg14 : memref<128xi32, #tpu.memory_space<vmem>>) semaphore(%arg25 : memref<!tpu.dma_semaphore, #tpu.memory_space<semaphore_mem>>)
      } else {
      }
      %mul3A_143 = arith.constant 2 : i32
      %mul3A_144 = arith.muli %mul3A_143, %scan3A_95 : i32
      %add3A_145 = arith.constant 1 : i32
      %add3A_146 = arith.addi %mul3A_144, %add3A_145 : i32
      %lt3A_147 = arith.constant 79 : i32
      %lt3A_148 = arith.cmpi slt, %add3A_146, %lt3A_147 : i32
      %convert_element_type3A_149 = arith.extui %lt3A_148 : i1 to i32
      %cond3A_150 = arith.constant 0 : i32
      %cond3A_151 = arith.cmpi ne, %convert_element_type3A_149, %cond3A_150 : i32
      scf.if %cond3A_151 {
        %dma_wait3A_194 = arith.constant 0 : i32
        %dma_wait3A_195 = arith.constant 0 : i32
        %dma_wait3A_196 = tpu.memref_slice %arg2[%dma_wait3A_194, %dma_wait3A_195] : memref<2560x128xi32, #tpu.memory_space<hbm>> -> memref<1x128xi32, #tpu.memory_space<hbm>>
        %dma_wait3A_197 = tpu.memref_squeeze %dma_wait3A_196 : memref<1x128xi32, #tpu.memory_space<hbm>> -> memref<128xi32, #tpu.memory_space<hbm>>
        %dma_wait3A_198 = arith.constant 0 : i32
        %dma_wait3A_199 = tpu.memref_slice %arg2[%dma_wait3A_194, %dma_wait3A_198] : memref<2560x128xi32, #tpu.memory_space<hbm>> -> memref<1x128xi32, #tpu.memory_space<hbm>>
        %dma_wait3A_200 = tpu.memref_squeeze %dma_wait3A_199 : memref<1x128xi32, #tpu.memory_space<hbm>> -> memref<128xi32, #tpu.memory_space<hbm>>
        tpu.wait_dma2 semaphore(%arg22 : memref<!tpu.dma_semaphore, #tpu.memory_space<semaphore_mem>>) src(%dma_wait3A_200 : memref<128xi32, #tpu.memory_space<hbm>>) dst(%arg11 : memref<128xi32, #tpu.memory_space<vmem>>)
        %dma_wait3A_201 = arith.constant 0 : i32
        %dma_wait3A_202 = arith.constant 0 : i32
        %dma_wait3A_203 = tpu.memref_slice %arg3[%dma_wait3A_201, %dma_wait3A_202] : memref<2560x128xi32, #tpu.memory_space<hbm>> -> memref<1x128xi32, #tpu.memory_space<hbm>>
        %dma_wait3A_204 = tpu.memref_squeeze %dma_wait3A_203 : memref<1x128xi32, #tpu.memory_space<hbm>> -> memref<128xi32, #tpu.memory_space<hbm>>
        %dma_wait3A_205 = arith.constant 0 : i32
        %dma_wait3A_206 = tpu.memref_slice %arg3[%dma_wait3A_201, %dma_wait3A_205] : memref<2560x128xi32, #tpu.memory_space<hbm>> -> memref<1x128xi32, #tpu.memory_space<hbm>>
        %dma_wait3A_207 = tpu.memref_squeeze %dma_wait3A_206 : memref<1x128xi32, #tpu.memory_space<hbm>> -> memref<128xi32, #tpu.memory_space<hbm>>
        tpu.wait_dma2 semaphore(%arg22 : memref<!tpu.dma_semaphore, #tpu.memory_space<semaphore_mem>>) src(%dma_wait3A_207 : memref<128xi32, #tpu.memory_space<hbm>>) dst(%arg12 : memref<128xi32, #tpu.memory_space<vmem>>)
        %ge3A_208 = arith.constant 1 : i32
        %ge3A_209 = arith.cmpi sge, %add3A_146, %ge3A_208 : i32
        %convert_element_type3A_210 = arith.extui %ge3A_209 : i1 to i32
        %cond3A_211 = arith.constant 0 : i32
        %cond3A_212 = arith.cmpi ne, %convert_element_type3A_210, %cond3A_211 : i32
        scf.if %cond3A_212 {
          %dma_wait3A_216 = arith.constant 0 : i32
          %dma_wait3A_217 = arith.constant 0 : i32
          %dma_wait3A_218 = tpu.memref_slice %arg20[%dma_wait3A_216, %dma_wait3A_217] : memref<10112x128xf32, #tpu.memory_space<vmem_shared>> -> memref<10112x128xf32, #tpu.memory_space<vmem_shared>>
          tpu.wait_indirect_dma semaphore(%arg27 : memref<!tpu.dma_semaphore, #tpu.memory_space<semaphore_mem>>) src(%arg15 : memref<128x128xf32, #tpu.memory_space<vmem>>) dst(%dma_wait3A_218 : memref<10112x128xf32, #tpu.memory_space<vmem_shared>>)
        } else {
        }
        %dma_start3A_213 = arith.constant 0 : i32
        %dma_start3A_214 = arith.constant 0 : i32
        %dma_start3A_215 = tpu.memref_slice %arg6[%dma_start3A_213, %dma_start3A_214] : memref<10112x128xf32, #tpu.memory_space<hbm>> -> memref<10112x128xf32, #tpu.memory_space<hbm>>
        tpu.enqueue_indirect_dma source(%dma_start3A_215 : memref<10112x128xf32, #tpu.memory_space<hbm>>) target(%arg15 : memref<128x128xf32, #tpu.memory_space<vmem>>) offsets(%arg11 : memref<128xi32, #tpu.memory_space<vmem>>) semaphore(%arg23 : memref<!tpu.dma_semaphore, #tpu.memory_space<semaphore_mem>>)
      } else {
      }
      %dma_wait3A_152 = arith.constant 0 : i32
      %dma_wait3A_153 = arith.constant 0 : i32
      %dma_wait3A_154 = tpu.memref_slice %arg4[%dma_wait3A_152, %dma_wait3A_153] : memref<10112x16xf32, #tpu.memory_space<hbm>> -> memref<10112x16xf32, #tpu.memory_space<hbm>>
      tpu.wait_indirect_dma semaphore(%arg25 : memref<!tpu.dma_semaphore, #tpu.memory_space<semaphore_mem>>) src(%dma_wait3A_154 : memref<10112x16xf32, #tpu.memory_space<hbm>>) dst(%arg17 : memref<128x16xf32, #tpu.memory_space<vmem>>)
      %dma_wait3A_155 = arith.constant 0 : i32
      %dma_wait3A_156 = arith.constant 0 : i32
      %dma_wait3A_157 = tpu.memref_slice %arg5[%dma_wait3A_155, %dma_wait3A_156] : memref<10112x16xf32, #tpu.memory_space<hbm>> -> memref<10112x16xf32, #tpu.memory_space<hbm>>
      tpu.wait_indirect_dma semaphore(%arg25 : memref<!tpu.dma_semaphore, #tpu.memory_space<semaphore_mem>>) src(%dma_wait3A_157 : memref<10112x16xf32, #tpu.memory_space<hbm>>) dst(%arg18 : memref<128x16xf32, #tpu.memory_space<vmem>>)
      %ge3A_158 = arith.constant 1 : i32
      %ge3A_159 = arith.cmpi sge, %add3A_146, %ge3A_158 : i32
      %convert_element_type3A_160 = arith.extui %ge3A_159 : i1 to i32
      %cond3A_161 = arith.constant 0 : i32
      %cond3A_162 = arith.cmpi ne, %convert_element_type3A_160, %cond3A_161 : i32
      scf.if %cond3A_162 {
        %dma_wait3A_194 = arith.constant 0 : i32
        %dma_wait3A_195 = arith.constant 0 : i32
        %dma_wait3A_196 = tpu.memref_slice %arg21[%dma_wait3A_194, %dma_wait3A_195] : memref<10112x16xf32, #tpu.memory_space<vmem_shared>> -> memref<10112x16xf32, #tpu.memory_space<vmem_shared>>
        tpu.wait_indirect_dma semaphore(%arg29 : memref<!tpu.dma_semaphore, #tpu.memory_space<semaphore_mem>>) src(%arg19 : memref<128x16xf32, #tpu.memory_space<vmem>>) dst(%dma_wait3A_196 : memref<10112x16xf32, #tpu.memory_space<vmem_shared>>)
      } else {
      }
      %scan3A_163 = arith.constant 0 : i32
      %scan3A_164 = arith.constant 0 : i32
      %scan3A_165 = arith.constant 128 : i32
      %scan3A_166 = arith.addi %scan3A_164, %scan3A_165 : i32
      %scan3A_167 = arith.constant 1 : i32
      scf.for %scan3A_194 = %scan3A_164 to %scan3A_166 step %scan3A_167  : i32 {
        %get3A = arith.index_cast %scan3A_194 : i32 to index
        %get3A_195 = arith.constant 0 : index
        %get3A_196 = tpu.vector_load %arg17[%get3A, %get3A_195] {strides = array<i32>} : memref<128x16xf32, #tpu.memory_space<vmem>>, vector<1x16xf32>,
        %get3A_197 = vector.shape_cast %get3A_196 : vector<1x16xf32> to vector<16xf32>
        %get3A_198 = arith.index_cast %scan3A_194 : i32 to index
        %get3A_199 = arith.constant 0 : index
        %get3A_200 = tpu.vector_load %arg18[%get3A_198, %get3A_199] {strides = array<i32>} : memref<128x16xf32, #tpu.memory_space<vmem>>, vector<1x16xf32>,
        %get3A_201 = vector.shape_cast %get3A_200 : vector<1x16xf32> to vector<16xf32>
        %add3A_202 = arith.addf %get3A_197, %get3A_201 : vector<16xf32>
        %gt3A = arith.constant 0.000000e+00 : f32
        %gt3A_203 = vector.broadcast %gt3A : f32 to vector<16xf32>
        %gt3A_204 = arith.cmpf ogt, %add3A_202, %gt3A_203 : vector<16xf32>
        %mul3A_205 = arith.constant 2.000000e-01 : f32
        %mul3A_206 = vector.broadcast %mul3A_205 : f32 to vector<16xf32>
        %mul3A_207 = arith.mulf %mul3A_206, %add3A_202 : vector<16xf32>
        %select_n3A = arith.select %gt3A_204, %add3A_202, %mul3A_207 : vector<16xi1>, vector<16xf32>
        %exp3A = math.exp %select_n3A : vector<16xf32>
        %swap3A = arith.index_cast %scan3A_194 : i32 to index
        %swap3A_208 = arith.constant 0 : index
        %swap3A_209 = tpu.vector_load %arg19[%swap3A, %swap3A_208] {strides = array<i32>} : memref<128x16xf32, #tpu.memory_space<vmem>>, vector<1x16xf32>,
        %swap3A_210 = vector.shape_cast %swap3A_209 : vector<1x16xf32> to vector<16xf32>
        %swap3A_211 = vector.shape_cast %exp3A : vector<16xf32> to vector<1x16xf32>
        tpu.vector_store %arg19[%swap3A, %swap3A_208], %swap3A_211 {strides = array<i32>} : memref<128x16xf32, #tpu.memory_space<vmem>>, vector<1x16xf32>,
      }
      %scan3A_168 = arith.constant 128 : i32
      %dma_wait3A_169 = arith.constant 0 : i32
      %dma_wait3A_170 = arith.constant 0 : i32
      %dma_wait3A_171 = tpu.memref_slice %arg6[%dma_wait3A_169, %dma_wait3A_170] : memref<10112x128xf32, #tpu.memory_space<hbm>> -> memref<10112x128xf32, #tpu.memory_space<hbm>>
      tpu.wait_indirect_dma semaphore(%arg24 : memref<!tpu.dma_semaphore, #tpu.memory_space<semaphore_mem>>) src(%dma_wait3A_171 : memref<10112x128xf32, #tpu.memory_space<hbm>>) dst(%arg16 : memref<128x128xf32, #tpu.memory_space<vmem>>)
      %scan3A_172 = arith.constant 0 : i32
      %scan3A_173 = arith.constant 0 : i32
      %scan3A_174 = arith.constant 128 : i32
      %scan3A_175 = arith.addi %scan3A_173, %scan3A_174 : i32
      %scan3A_176 = arith.constant 2 : i32
      scf.for %scan3A_194 = %scan3A_173 to %scan3A_175 step %scan3A_176  : i32 {
        %get3A = arith.index_cast %scan3A_194 : i32 to index
        %get3A_195 = arith.constant 0 : index
        %get3A_196 = tpu.vector_load %arg19[%get3A, %get3A_195] {strides = array<i32>} : memref<128x16xf32, #tpu.memory_space<vmem>>, vector<1x16xf32>,
        %get3A_197 = vector.shape_cast %get3A_196 : vector<1x16xf32> to vector<16xf32>
        %get3A_198 = arith.index_cast %scan3A_194 : i32 to index
        %get3A_199 = arith.constant 0 : index
        %get3A_200 = tpu.vector_load %arg16[%get3A_198, %get3A_199] {strides = array<i32>} : memref<128x128xf32, #tpu.memory_space<vmem>>, vector<1x16xf32>,
        %get3A_201 = vector.shape_cast %get3A_200 : vector<1x16xf32> to vector<16xf32>
        %slice3A = vector.extract_strided_slice %get3A_197 {offsets = [0], sizes = [1], strides = [1]} : vector<16xf32> to vector<1xf32>
        %squeeze3A = vector.extract %slice3A[0] : f32 from vector<1xf32>
        %mul3A_202 = vector.broadcast %squeeze3A : f32 to vector<16xf32>
        %mul3A_203 = arith.mulf %get3A_201, %mul3A_202 : vector<16xf32>
        %swap3A = arith.index_cast %scan3A_194 : i32 to index
        %swap3A_204 = arith.constant 0 : index
        %swap3A_205 = tpu.vector_load %arg16[%swap3A, %swap3A_204] {strides = array<i32>} : memref<128x128xf32, #tpu.memory_space<vmem>>, vector<1x16xf32>,
        %swap3A_206 = vector.shape_cast %swap3A_205 : vector<1x16xf32> to vector<16xf32>
        %swap3A_207 = vector.shape_cast %mul3A_203 : vector<16xf32> to vector<1x16xf32>
        tpu.vector_store %arg16[%swap3A, %swap3A_204], %swap3A_207 {strides = array<i32>} : memref<128x128xf32, #tpu.memory_space<vmem>>, vector<1x16xf32>,
        %get3A_208 = arith.index_cast %scan3A_194 : i32 to index
        %get3A_209 = arith.constant 16 : index
        %get3A_210 = tpu.vector_load %arg16[%get3A_208, %get3A_209] {strides = array<i32>} : memref<128x128xf32, #tpu.memory_space<vmem>>, vector<1x16xf32>,
        %get3A_211 = vector.shape_cast %get3A_210 : vector<1x16xf32> to vector<16xf32>
        %slice3A_212 = vector.extract_strided_slice %get3A_197 {offsets = [1], sizes = [1], strides = [1]} : vector<16xf32> to vector<1xf32>
        %squeeze3A_213 = vector.extract %slice3A_212[0] : f32 from vector<1xf32>
        %mul3A_214 = vector.broadcast %squeeze3A_213 : f32 to vector<16xf32>
        %mul3A_215 = arith.mulf %get3A_211, %mul3A_214 : vector<16xf32>
        %swap3A_216 = arith.index_cast %scan3A_194 : i32 to index
        %swap3A_217 = arith.constant 16 : index
        %swap3A_218 = tpu.vector_load %arg16[%swap3A_216, %swap3A_217] {strides = array<i32>} : memref<128x128xf32, #tpu.memory_space<vmem>>, vector<1x16xf32>,
        %swap3A_219 = vector.shape_cast %swap3A_218 : vector<1x16xf32> to vector<16xf32>
        %swap3A_220 = vector.shape_cast %mul3A_215 : vector<16xf32> to vector<1x16xf32>
        tpu.vector_store %arg16[%swap3A_216, %swap3A_217], %swap3A_220 {strides = array<i32>} : memref<128x128xf32, #tpu.memory_space<vmem>>, vector<1x16xf32>,
        %get3A_221 = arith.index_cast %scan3A_194 : i32 to index
        %get3A_222 = arith.constant 32 : index
        %get3A_223 = tpu.vector_load %arg16[%get3A_221, %get3A_222] {strides = array<i32>} : memref<128x128xf32, #tpu.memory_space<vmem>>, vector<1x16xf32>,
        %get3A_224 = vector.shape_cast %get3A_223 : vector<1x16xf32> to vector<16xf32>
        %slice3A_225 = vector.extract_strided_slice %get3A_197 {offsets = [2], sizes = [1], strides = [1]} : vector<16xf32> to vector<1xf32>
        %squeeze3A_226 = vector.extract %slice3A_225[0] : f32 from vector<1xf32>
        %mul3A_227 = vector.broadcast %squeeze3A_226 : f32 to vector<16xf32>
        %mul3A_228 = arith.mulf %get3A_224, %mul3A_227 : vector<16xf32>
        %swap3A_229 = arith.index_cast %scan3A_194 : i32 to index
        %swap3A_230 = arith.constant 32 : index
        %swap3A_231 = tpu.vector_load %arg16[%swap3A_229, %swap3A_230] {strides = array<i32>} : memref<128x128xf32, #tpu.memory_space<vmem>>, vector<1x16xf32>,
        %swap3A_232 = vector.shape_cast %swap3A_231 : vector<1x16xf32> to vector<16xf32>
        %swap3A_233 = vector.shape_cast %mul3A_228 : vector<16xf32> to vector<1x16xf32>
        tpu.vector_store %arg16[%swap3A_229, %swap3A_230], %swap3A_233 {strides = array<i32>} : memref<128x128xf32, #tpu.memory_space<vmem>>, vector<1x16xf32>,
        %get3A_234 = arith.index_cast %scan3A_194 : i32 to index
        %get3A_235 = arith.constant 48 : index
        %get3A_236 = tpu.vector_load %arg16[%get3A_234, %get3A_235] {strides = array<i32>} : memref<128x128xf32, #tpu.memory_space<vmem>>, vector<1x16xf32>,
        %get3A_237 = vector.shape_cast %get3A_236 : vector<1x16xf32> to vector<16xf32>
        %slice3A_238 = vector.extract_strided_slice %get3A_197 {offsets = [3], sizes = [1], strides = [1]} : vector<16xf32> to vector<1xf32>
        %squeeze3A_239 = vector.extract %slice3A_238[0] : f32 from vector<1xf32>
        %mul3A_240 = vector.broadcast %squeeze3A_239 : f32 to vector<16xf32>
        %mul3A_241 = arith.mulf %get3A_237, %mul3A_240 : vector<16xf32>
        %swap3A_242 = arith.index_cast %scan3A_194 : i32 to index
        %swap3A_243 = arith.constant 48 : index
        %swap3A_244 = tpu.vector_load %arg16[%swap3A_242, %swap3A_243] {strides = array<i32>} : memref<128x128xf32, #tpu.memory_space<vmem>>, vector<1x16xf32>,
        %swap3A_245 = vector.shape_cast %swap3A_244 : vector<1x16xf32> to vector<16xf32>
        %swap3A_246 = vector.shape_cast %mul3A_241 : vector<16xf32> to vector<1x16xf32>
        tpu.vector_store %arg16[%swap3A_242, %swap3A_243], %swap3A_246 {strides = array<i32>} : memref<128x128xf32, #tpu.memory_space<vmem>>, vector<1x16xf32>,
        %get3A_247 = arith.index_cast %scan3A_194 : i32 to index
        %get3A_248 = arith.constant 64 : index
        %get3A_249 = tpu.vector_load %arg16[%get3A_247, %get3A_248] {strides = array<i32>} : memref<128x128xf32, #tpu.memory_space<vmem>>, vector<1x16xf32>,
        %get3A_250 = vector.shape_cast %get3A_249 : vector<1x16xf32> to vector<16xf32>
        %slice3A_251 = vector.extract_strided_slice %get3A_197 {offsets = [4], sizes = [1], strides = [1]} : vector<16xf32> to vector<1xf32>
        %squeeze3A_252 = vector.extract %slice3A_251[0] : f32 from vector<1xf32>
        %mul3A_253 = vector.broadcast %squeeze3A_252 : f32 to vector<16xf32>
        %mul3A_254 = arith.mulf %get3A_250, %mul3A_253 : vector<16xf32>
        %swap3A_255 = arith.index_cast %scan3A_194 : i32 to index
        %swap3A_256 = arith.constant 64 : index
        %swap3A_257 = tpu.vector_load %arg16[%swap3A_255, %swap3A_256] {strides = array<i32>} : memref<128x128xf32, #tpu.memory_space<vmem>>, vector<1x16xf32>,
        %swap3A_258 = vector.shape_cast %swap3A_257 : vector<1x16xf32> to vector<16xf32>
        %swap3A_259 = vector.shape_cast %mul3A_254 : vector<16xf32> to vector<1x16xf32>
        tpu.vector_store %arg16[%swap3A_255, %swap3A_256], %swap3A_259 {strides = array<i32>} : memref<128x128xf32, #tpu.memory_space<vmem>>, vector<1x16xf32>,
        %get3A_260 = arith.index_cast %scan3A_194 : i32 to index
        %get3A_261 = arith.constant 80 : index
        %get3A_262 = tpu.vector_load %arg16[%get3A_260, %get3A_261] {strides = array<i32>} : memref<128x128xf32, #tpu.memory_space<vmem>>, vector<1x16xf32>,
        %get3A_263 = vector.shape_cast %get3A_262 : vector<1x16xf32> to vector<16xf32>
        %slice3A_264 = vector.extract_strided_slice %get3A_197 {offsets = [5], sizes = [1], strides = [1]} : vector<16xf32> to vector<1xf32>
        %squeeze3A_265 = vector.extract %slice3A_264[0] : f32 from vector<1xf32>
        %mul3A_266 = vector.broadcast %squeeze3A_265 : f32 to vector<16xf32>
        %mul3A_267 = arith.mulf %get3A_263, %mul3A_266 : vector<16xf32>
        %swap3A_268 = arith.index_cast %scan3A_194 : i32 to index
        %swap3A_269 = arith.constant 80 : index
        %swap3A_270 = tpu.vector_load %arg16[%swap3A_268, %swap3A_269] {strides = array<i32>} : memref<128x128xf32, #tpu.memory_space<vmem>>, vector<1x16xf32>,
        %swap3A_271 = vector.shape_cast %swap3A_270 : vector<1x16xf32> to vector<16xf32>
        %swap3A_272 = vector.shape_cast %mul3A_267 : vector<16xf32> to vector<1x16xf32>
        tpu.vector_store %arg16[%swap3A_268, %swap3A_269], %swap3A_272 {strides = array<i32>} : memref<128x128xf32, #tpu.memory_space<vmem>>, vector<1x16xf32>,
        %get3A_273 = arith.index_cast %scan3A_194 : i32 to index
        %get3A_274 = arith.constant 96 : index
        %get3A_275 = tpu.vector_load %arg16[%get3A_273, %get3A_274] {strides = array<i32>} : memref<128x128xf32, #tpu.memory_space<vmem>>, vector<1x16xf32>,
        %get3A_276 = vector.shape_cast %get3A_275 : vector<1x16xf32> to vector<16xf32>
        %slice3A_277 = vector.extract_strided_slice %get3A_197 {offsets = [6], sizes = [1], strides = [1]} : vector<16xf32> to vector<1xf32>
        %squeeze3A_278 = vector.extract %slice3A_277[0] : f32 from vector<1xf32>
        %mul3A_279 = vector.broadcast %squeeze3A_278 : f32 to vector<16xf32>
        %mul3A_280 = arith.mulf %get3A_276, %mul3A_279 : vector<16xf32>
        %swap3A_281 = arith.index_cast %scan3A_194 : i32 to index
        %swap3A_282 = arith.constant 96 : index
        %swap3A_283 = tpu.vector_load %arg16[%swap3A_281, %swap3A_282] {strides = array<i32>} : memref<128x128xf32, #tpu.memory_space<vmem>>, vector<1x16xf32>,
        %swap3A_284 = vector.shape_cast %swap3A_283 : vector<1x16xf32> to vector<16xf32>
        %swap3A_285 = vector.shape_cast %mul3A_280 : vector<16xf32> to vector<1x16xf32>
        tpu.vector_store %arg16[%swap3A_281, %swap3A_282], %swap3A_285 {strides = array<i32>} : memref<128x128xf32, #tpu.memory_space<vmem>>, vector<1x16xf32>,
        %get3A_286 = arith.index_cast %scan3A_194 : i32 to index
        %get3A_287 = arith.constant 112 : index
        %get3A_288 = tpu.vector_load %arg16[%get3A_286, %get3A_287] {strides = array<i32>} : memref<128x128xf32, #tpu.memory_space<vmem>>, vector<1x16xf32>,
        %get3A_289 = vector.shape_cast %get3A_288 : vector<1x16xf32> to vector<16xf32>
        %slice3A_290 = vector.extract_strided_slice %get3A_197 {offsets = [7], sizes = [1], strides = [1]} : vector<16xf32> to vector<1xf32>
        %squeeze3A_291 = vector.extract %slice3A_290[0] : f32 from vector<1xf32>
        %mul3A_292 = vector.broadcast %squeeze3A_291 : f32 to vector<16xf32>
        %mul3A_293 = arith.mulf %get3A_289, %mul3A_292 : vector<16xf32>
        %swap3A_294 = arith.index_cast %scan3A_194 : i32 to index
        %swap3A_295 = arith.constant 112 : index
        %swap3A_296 = tpu.vector_load %arg16[%swap3A_294, %swap3A_295] {strides = array<i32>} : memref<128x128xf32, #tpu.memory_space<vmem>>, vector<1x16xf32>,
        %swap3A_297 = vector.shape_cast %swap3A_296 : vector<1x16xf32> to vector<16xf32>
        %swap3A_298 = vector.shape_cast %mul3A_293 : vector<16xf32> to vector<1x16xf32>
        tpu.vector_store %arg16[%swap3A_294, %swap3A_295], %swap3A_298 {strides = array<i32>} : memref<128x128xf32, #tpu.memory_space<vmem>>, vector<1x16xf32>,
        %scan3A_299 = arith.constant 1 : i32
        %scan3A_300 = arith.addi %scan3A_194, %scan3A_299 : i32
        %get3A_301 = arith.index_cast %scan3A_300 : i32 to index
        %get3A_302 = arith.constant 0 : index
        %get3A_303 = tpu.vector_load %arg19[%get3A_301, %get3A_302] {strides = array<i32>} : memref<128x16xf32, #tpu.memory_space<vmem>>, vector<1x16xf32>,
        %get3A_304 = vector.shape_cast %get3A_303 : vector<1x16xf32> to vector<16xf32>
        %get3A_305 = arith.index_cast %scan3A_300 : i32 to index
        %get3A_306 = arith.constant 0 : index
        %get3A_307 = tpu.vector_load %arg16[%get3A_305, %get3A_306] {strides = array<i32>} : memref<128x128xf32, #tpu.memory_space<vmem>>, vector<1x16xf32>,
        %get3A_308 = vector.shape_cast %get3A_307 : vector<1x16xf32> to vector<16xf32>
        %slice3A_309 = vector.extract_strided_slice %get3A_304 {offsets = [0], sizes = [1], strides = [1]} : vector<16xf32> to vector<1xf32>
        %squeeze3A_310 = vector.extract %slice3A_309[0] : f32 from vector<1xf32>
        %mul3A_311 = vector.broadcast %squeeze3A_310 : f32 to vector<16xf32>
        %mul3A_312 = arith.mulf %get3A_308, %mul3A_311 : vector<16xf32>
        %swap3A_313 = arith.index_cast %scan3A_300 : i32 to index
        %swap3A_314 = arith.constant 0 : index
        %swap3A_315 = tpu.vector_load %arg16[%swap3A_313, %swap3A_314] {strides = array<i32>} : memref<128x128xf32, #tpu.memory_space<vmem>>, vector<1x16xf32>,
        %swap3A_316 = vector.shape_cast %swap3A_315 : vector<1x16xf32> to vector<16xf32>
        %swap3A_317 = vector.shape_cast %mul3A_312 : vector<16xf32> to vector<1x16xf32>
        tpu.vector_store %arg16[%swap3A_313, %swap3A_314], %swap3A_317 {strides = array<i32>} : memref<128x128xf32, #tpu.memory_space<vmem>>, vector<1x16xf32>,
        %get3A_318 = arith.index_cast %scan3A_300 : i32 to index
        %get3A_319 = arith.constant 16 : index
        %get3A_320 = tpu.vector_load %arg16[%get3A_318, %get3A_319] {strides = array<i32>} : memref<128x128xf32, #tpu.memory_space<vmem>>, vector<1x16xf32>,
        %get3A_321 = vector.shape_cast %get3A_320 : vector<1x16xf32> to vector<16xf32>
        %slice3A_322 = vector.extract_strided_slice %get3A_304 {offsets = [1], sizes = [1], strides = [1]} : vector<16xf32> to vector<1xf32>
        %squeeze3A_323 = vector.extract %slice3A_322[0] : f32 from vector<1xf32>
        %mul3A_324 = vector.broadcast %squeeze3A_323 : f32 to vector<16xf32>
        %mul3A_325 = arith.mulf %get3A_321, %mul3A_324 : vector<16xf32>
        %swap3A_326 = arith.index_cast %scan3A_300 : i32 to index
        %swap3A_327 = arith.constant 16 : index
        %swap3A_328 = tpu.vector_load %arg16[%swap3A_326, %swap3A_327] {strides = array<i32>} : memref<128x128xf32, #tpu.memory_space<vmem>>, vector<1x16xf32>,
        %swap3A_329 = vector.shape_cast %swap3A_328 : vector<1x16xf32> to vector<16xf32>
        %swap3A_330 = vector.shape_cast %mul3A_325 : vector<16xf32> to vector<1x16xf32>
        tpu.vector_store %arg16[%swap3A_326, %swap3A_327], %swap3A_330 {strides = array<i32>} : memref<128x128xf32, #tpu.memory_space<vmem>>, vector<1x16xf32>,
        %get3A_331 = arith.index_cast %scan3A_300 : i32 to index
        %get3A_332 = arith.constant 32 : index
        %get3A_333 = tpu.vector_load %arg16[%get3A_331, %get3A_332] {strides = array<i32>} : memref<128x128xf32, #tpu.memory_space<vmem>>, vector<1x16xf32>,
        %get3A_334 = vector.shape_cast %get3A_333 : vector<1x16xf32> to vector<16xf32>
        %slice3A_335 = vector.extract_strided_slice %get3A_304 {offsets = [2], sizes = [1], strides = [1]} : vector<16xf32> to vector<1xf32>
        %squeeze3A_336 = vector.extract %slice3A_335[0] : f32 from vector<1xf32>
        %mul3A_337 = vector.broadcast %squeeze3A_336 : f32 to vector<16xf32>
        %mul3A_338 = arith.mulf %get3A_334, %mul3A_337 : vector<16xf32>
        %swap3A_339 = arith.index_cast %scan3A_300 : i32 to index
        %swap3A_340 = arith.constant 32 : index
        %swap3A_341 = tpu.vector_load %arg16[%swap3A_339, %swap3A_340] {strides = array<i32>} : memref<128x128xf32, #tpu.memory_space<vmem>>, vector<1x16xf32>,
        %swap3A_342 = vector.shape_cast %swap3A_341 : vector<1x16xf32> to vector<16xf32>
        %swap3A_343 = vector.shape_cast %mul3A_338 : vector<16xf32> to vector<1x16xf32>
        tpu.vector_store %arg16[%swap3A_339, %swap3A_340], %swap3A_343 {strides = array<i32>} : memref<128x128xf32, #tpu.memory_space<vmem>>, vector<1x16xf32>,
        %get3A_344 = arith.index_cast %scan3A_300 : i32 to index
        %get3A_345 = arith.constant 48 : index
        %get3A_346 = tpu.vector_load %arg16[%get3A_344, %get3A_345] {strides = array<i32>} : memref<128x128xf32, #tpu.memory_space<vmem>>, vector<1x16xf32>,
        %get3A_347 = vector.shape_cast %get3A_346 : vector<1x16xf32> to vector<16xf32>
        %slice3A_348 = vector.extract_strided_slice %get3A_304 {offsets = [3], sizes = [1], strides = [1]} : vector<16xf32> to vector<1xf32>
        %squeeze3A_349 = vector.extract %slice3A_348[0] : f32 from vector<1xf32>
        %mul3A_350 = vector.broadcast %squeeze3A_349 : f32 to vector<16xf32>
        %mul3A_351 = arith.mulf %get3A_347, %mul3A_350 : vector<16xf32>
        %swap3A_352 = arith.index_cast %scan3A_300 : i32 to index
        %swap3A_353 = arith.constant 48 : index
        %swap3A_354 = tpu.vector_load %arg16[%swap3A_352, %swap3A_353] {strides = array<i32>} : memref<128x128xf32, #tpu.memory_space<vmem>>, vector<1x16xf32>,
        %swap3A_355 = vector.shape_cast %swap3A_354 : vector<1x16xf32> to vector<16xf32>
        %swap3A_356 = vector.shape_cast %mul3A_351 : vector<16xf32> to vector<1x16xf32>
        tpu.vector_store %arg16[%swap3A_352, %swap3A_353], %swap3A_356 {strides = array<i32>} : memref<128x128xf32, #tpu.memory_space<vmem>>, vector<1x16xf32>,
        %get3A_357 = arith.index_cast %scan3A_300 : i32 to index
        %get3A_358 = arith.constant 64 : index
        %get3A_359 = tpu.vector_load %arg16[%get3A_357, %get3A_358] {strides = array<i32>} : memref<128x128xf32, #tpu.memory_space<vmem>>, vector<1x16xf32>,
        %get3A_360 = vector.shape_cast %get3A_359 : vector<1x16xf32> to vector<16xf32>
        %slice3A_361 = vector.extract_strided_slice %get3A_304 {offsets = [4], sizes = [1], strides = [1]} : vector<16xf32> to vector<1xf32>
        %squeeze3A_362 = vector.extract %slice3A_361[0] : f32 from vector<1xf32>
        %mul3A_363 = vector.broadcast %squeeze3A_362 : f32 to vector<16xf32>
        %mul3A_364 = arith.mulf %get3A_360, %mul3A_363 : vector<16xf32>
        %swap3A_365 = arith.index_cast %scan3A_300 : i32 to index
        %swap3A_366 = arith.constant 64 : index
        %swap3A_367 = tpu.vector_load %arg16[%swap3A_365, %swap3A_366] {strides = array<i32>} : memref<128x128xf32, #tpu.memory_space<vmem>>, vector<1x16xf32>,
        %swap3A_368 = vector.shape_cast %swap3A_367 : vector<1x16xf32> to vector<16xf32>
        %swap3A_369 = vector.shape_cast %mul3A_364 : vector<16xf32> to vector<1x16xf32>
        tpu.vector_store %arg16[%swap3A_365, %swap3A_366], %swap3A_369 {strides = array<i32>} : memref<128x128xf32, #tpu.memory_space<vmem>>, vector<1x16xf32>,
        %get3A_370 = arith.index_cast %scan3A_300 : i32 to index
        %get3A_371 = arith.constant 80 : index
        %get3A_372 = tpu.vector_load %arg16[%get3A_370, %get3A_371] {strides = array<i32>} : memref<128x128xf32, #tpu.memory_space<vmem>>, vector<1x16xf32>,
        %get3A_373 = vector.shape_cast %get3A_372 : vector<1x16xf32> to vector<16xf32>
        %slice3A_374 = vector.extract_strided_slice %get3A_304 {offsets = [5], sizes = [1], strides = [1]} : vector<16xf32> to vector<1xf32>
        %squeeze3A_375 = vector.extract %slice3A_374[0] : f32 from vector<1xf32>
        %mul3A_376 = vector.broadcast %squeeze3A_375 : f32 to vector<16xf32>
        %mul3A_377 = arith.mulf %get3A_373, %mul3A_376 : vector<16xf32>
        %swap3A_378 = arith.index_cast %scan3A_300 : i32 to index
        %swap3A_379 = arith.constant 80 : index
        %swap3A_380 = tpu.vector_load %arg16[%swap3A_378, %swap3A_379] {strides = array<i32>} : memref<128x128xf32, #tpu.memory_space<vmem>>, vector<1x16xf32>,
        %swap3A_381 = vector.shape_cast %swap3A_380 : vector<1x16xf32> to vector<16xf32>
        %swap3A_382 = vector.shape_cast %mul3A_377 : vector<16xf32> to vector<1x16xf32>
        tpu.vector_store %arg16[%swap3A_378, %swap3A_379], %swap3A_382 {strides = array<i32>} : memref<128x128xf32, #tpu.memory_space<vmem>>, vector<1x16xf32>,
        %get3A_383 = arith.index_cast %scan3A_300 : i32 to index
        %get3A_384 = arith.constant 96 : index
        %get3A_385 = tpu.vector_load %arg16[%get3A_383, %get3A_384] {strides = array<i32>} : memref<128x128xf32, #tpu.memory_space<vmem>>, vector<1x16xf32>,
        %get3A_386 = vector.shape_cast %get3A_385 : vector<1x16xf32> to vector<16xf32>
        %slice3A_387 = vector.extract_strided_slice %get3A_304 {offsets = [6], sizes = [1], strides = [1]} : vector<16xf32> to vector<1xf32>
        %squeeze3A_388 = vector.extract %slice3A_387[0] : f32 from vector<1xf32>
        %mul3A_389 = vector.broadcast %squeeze3A_388 : f32 to vector<16xf32>
        %mul3A_390 = arith.mulf %get3A_386, %mul3A_389 : vector<16xf32>
        %swap3A_391 = arith.index_cast %scan3A_300 : i32 to index
        %swap3A_392 = arith.constant 96 : index
        %swap3A_393 = tpu.vector_load %arg16[%swap3A_391, %swap3A_392] {strides = array<i32>} : memref<128x128xf32, #tpu.memory_space<vmem>>, vector<1x16xf32>,
        %swap3A_394 = vector.shape_cast %swap3A_393 : vector<1x16xf32> to vector<16xf32>
        %swap3A_395 = vector.shape_cast %mul3A_390 : vector<16xf32> to vector<1x16xf32>
        tpu.vector_store %arg16[%swap3A_391, %swap3A_392], %swap3A_395 {strides = array<i32>} : memref<128x128xf32, #tpu.memory_space<vmem>>, vector<1x16xf32>,
        %get3A_396 = arith.index_cast %scan3A_300 : i32 to index
        %get3A_397 = arith.constant 112 : index
        %get3A_398 = tpu.vector_load %arg16[%get3A_396, %get3A_397] {strides = array<i32>} : memref<128x128xf32, #tpu.memory_space<vmem>>, vector<1x16xf32>,
        %get3A_399 = vector.shape_cast %get3A_398 : vector<1x16xf32> to vector<16xf32>
        %slice3A_400 = vector.extract_strided_slice %get3A_304 {offsets = [7], sizes = [1], strides = [1]} : vector<16xf32> to vector<1xf32>
        %squeeze3A_401 = vector.extract %slice3A_400[0] : f32 from vector<1xf32>
        %mul3A_402 = vector.broadcast %squeeze3A_401 : f32 to vector<16xf32>
        %mul3A_403 = arith.mulf %get3A_399, %mul3A_402 : vector<16xf32>
        %swap3A_404 = arith.index_cast %scan3A_300 : i32 to index
        %swap3A_405 = arith.constant 112 : index
        %swap3A_406 = tpu.vector_load %arg16[%swap3A_404, %swap3A_405] {strides = array<i32>} : memref<128x128xf32, #tpu.memory_space<vmem>>, vector<1x16xf32>,
        %swap3A_407 = vector.shape_cast %swap3A_406 : vector<1x16xf32> to vector<16xf32>
        %swap3A_408 = vector.shape_cast %mul3A_403 : vector<16xf32> to vector<1x16xf32>
        tpu.vector_store %arg16[%swap3A_404, %swap3A_405], %swap3A_408 {strides = array<i32>} : memref<128x128xf32, #tpu.memory_space<vmem>>, vector<1x16xf32>,
      }
      %scan3A_177 = arith.constant 128 : i32
      %dma_start3A_178 = arith.constant 0 : i32
      %dma_start3A_179 = arith.constant 0 : i32
      %dma_start3A_180 = tpu.memref_slice %arg20[%dma_start3A_178, %dma_start3A_179] : memref<10112x128xf32, #tpu.memory_space<vmem_shared>> -> memref<10112x128xf32, #tpu.memory_space<vmem_shared>>
      tpu.enqueue_indirect_dma source(%arg16 : memref<128x128xf32, #tpu.memory_space<vmem>>) target(%dma_start3A_180 : memref<10112x128xf32, #tpu.memory_space<vmem_shared>>) offsets(%arg14 : memref<128xi32, #tpu.memory_space<vmem>>) semaphore(%arg28 : memref<!tpu.dma_semaphore, #tpu.memory_space<semaphore_mem>>) {add = true}
      %dma_start3A_181 = arith.constant 0 : i32
      %dma_start3A_182 = arith.constant 0 : i32
      %dma_start3A_183 = tpu.memref_slice %arg21[%dma_start3A_181, %dma_start3A_182] : memref<10112x16xf32, #tpu.memory_space<vmem_shared>> -> memref<10112x16xf32, #tpu.memory_space<vmem_shared>>
      tpu.enqueue_indirect_dma source(%arg19 : memref<128x16xf32, #tpu.memory_space<vmem>>) target(%dma_start3A_183 : memref<10112x16xf32, #tpu.memory_space<vmem_shared>>) offsets(%arg14 : memref<128xi32, #tpu.memory_space<vmem>>) semaphore(%arg29 : memref<!tpu.dma_semaphore, #tpu.memory_space<semaphore_mem>>) {add = true}
      %lt3A_184 = arith.constant 78 : i32
      %lt3A_185 = arith.cmpi slt, %add3A_146, %lt3A_184 : i32
      %convert_element_type3A_186 = arith.extui %lt3A_185 : i1 to i32
      %cond3A_187 = arith.constant 0 : i32
      %cond3A_188 = arith.cmpi ne, %convert_element_type3A_186, %cond3A_187 : i32
      scf.if %cond3A_188 {
        %add3A_194 = arith.constant 2 : i32
        %add3A_195 = arith.addi %add3A_146, %add3A_194 : i32
        %mul3A_196 = arith.constant 80 : i32
        %mul3A_197 = arith.muli %add3A, %mul3A_196 : i32
        %add3A_198 = arith.addi %mul3A_197, %add3A_195 : i32
        %dma_start3A_199 = arith.constant 0 : i32
        %dma_start3A_200 = tpu.memref_slice %arg2[%add3A_198, %dma_start3A_199] : memref<2560x128xi32, #tpu.memory_space<hbm>> -> memref<1x128xi32, #tpu.memory_space<hbm>>
        %dma_start3A_201 = tpu.memref_squeeze %dma_start3A_200 : memref<1x128xi32, #tpu.memory_space<hbm>> -> memref<128xi32, #tpu.memory_space<hbm>>
        %dma_start3A_202 = arith.constant 0 : i32
        %dma_start3A_203 = tpu.memref_slice %arg2[%add3A_198, %dma_start3A_202] : memref<2560x128xi32, #tpu.memory_space<hbm>> -> memref<1x128xi32, #tpu.memory_space<hbm>>
        %dma_start3A_204 = tpu.memref_squeeze %dma_start3A_203 : memref<1x128xi32, #tpu.memory_space<hbm>> -> memref<128xi32, #tpu.memory_space<hbm>>
        tpu.enqueue_dma source(%dma_start3A_204 : memref<128xi32, #tpu.memory_space<hbm>>) target(%arg13 : memref<128xi32, #tpu.memory_space<vmem>>) target_semaphore(%arg22 : memref<!tpu.dma_semaphore, #tpu.memory_space<semaphore_mem>>)
        %mul3A_205 = arith.constant 80 : i32
        %mul3A_206 = arith.muli %add3A, %mul3A_205 : i32
        %add3A_207 = arith.addi %mul3A_206, %add3A_195 : i32
        %dma_start3A_208 = arith.constant 0 : i32
        %dma_start3A_209 = tpu.memref_slice %arg3[%add3A_207, %dma_start3A_208] : memref<2560x128xi32, #tpu.memory_space<hbm>> -> memref<1x128xi32, #tpu.memory_space<hbm>>
        %dma_start3A_210 = tpu.memref_squeeze %dma_start3A_209 : memref<1x128xi32, #tpu.memory_space<hbm>> -> memref<128xi32, #tpu.memory_space<hbm>>
        %dma_start3A_211 = arith.constant 0 : i32
        %dma_start3A_212 = tpu.memref_slice %arg3[%add3A_207, %dma_start3A_211] : memref<2560x128xi32, #tpu.memory_space<hbm>> -> memref<1x128xi32, #tpu.memory_space<hbm>>
        %dma_start3A_213 = tpu.memref_squeeze %dma_start3A_212 : memref<1x128xi32, #tpu.memory_space<hbm>> -> memref<128xi32, #tpu.memory_space<hbm>>
        tpu.enqueue_dma source(%dma_start3A_213 : memref<128xi32, #tpu.memory_space<hbm>>) target(%arg14 : memref<128xi32, #tpu.memory_space<vmem>>) target_semaphore(%arg22 : memref<!tpu.dma_semaphore, #tpu.memory_space<semaphore_mem>>)
      } else {
      }
      %lt3A_189 = arith.constant 79 : i32
      %lt3A_190 = arith.cmpi slt, %add3A_146, %lt3A_189 : i32
      %convert_element_type3A_191 = arith.extui %lt3A_190 : i1 to i32
      %cond3A_192 = arith.constant 0 : i32
      %cond3A_193 = arith.cmpi ne, %convert_element_type3A_191, %cond3A_192 : i32
      scf.if %cond3A_193 {
        %dma_start3A_194 = arith.constant 0 : i32
        %dma_start3A_195 = arith.constant 0 : i32
        %dma_start3A_196 = tpu.memref_slice %arg4[%dma_start3A_194, %dma_start3A_195] : memref<10112x16xf32, #tpu.memory_space<hbm>> -> memref<10112x16xf32, #tpu.memory_space<hbm>>
        tpu.enqueue_indirect_dma source(%dma_start3A_196 : memref<10112x16xf32, #tpu.memory_space<hbm>>) target(%arg17 : memref<128x16xf32, #tpu.memory_space<vmem>>) offsets(%arg11 : memref<128xi32, #tpu.memory_space<vmem>>) semaphore(%arg25 : memref<!tpu.dma_semaphore, #tpu.memory_space<semaphore_mem>>)
        %dma_start3A_197 = arith.constant 0 : i32
        %dma_start3A_198 = arith.constant 0 : i32
        %dma_start3A_199 = tpu.memref_slice %arg5[%dma_start3A_197, %dma_start3A_198] : memref<10112x16xf32, #tpu.memory_space<hbm>> -> memref<10112x16xf32, #tpu.memory_space<hbm>>
        tpu.enqueue_indirect_dma source(%dma_start3A_199 : memref<10112x16xf32, #tpu.memory_space<hbm>>) target(%arg18 : memref<128x16xf32, #tpu.memory_space<vmem>>) offsets(%arg12 : memref<128xi32, #tpu.memory_space<vmem>>) semaphore(%arg25 : memref<!tpu.dma_semaphore, #tpu.memory_space<semaphore_mem>>)
      } else {
      }
    }
    %scan3A_84 = arith.constant 40 : i32
    %dma_wait3A_85 = arith.constant 0 : i32
    %dma_wait3A_86 = arith.constant 0 : i32
    %dma_wait3A_87 = tpu.memref_slice %arg20[%dma_wait3A_85, %dma_wait3A_86] : memref<10112x128xf32, #tpu.memory_space<vmem_shared>> -> memref<10112x128xf32, #tpu.memory_space<vmem_shared>>
    tpu.wait_indirect_dma semaphore(%arg27 : memref<!tpu.dma_semaphore, #tpu.memory_space<semaphore_mem>>) src(%arg15 : memref<128x128xf32, #tpu.memory_space<vmem>>) dst(%dma_wait3A_87 : memref<10112x128xf32, #tpu.memory_space<vmem_shared>>)
    %dma_wait3A_88 = arith.constant 0 : i32
    %dma_wait3A_89 = arith.constant 0 : i32
    %dma_wait3A_90 = tpu.memref_slice %arg20[%dma_wait3A_88, %dma_wait3A_89] : memref<10112x128xf32, #tpu.memory_space<vmem_shared>> -> memref<10112x128xf32, #tpu.memory_space<vmem_shared>>
    tpu.wait_indirect_dma semaphore(%arg28 : memref<!tpu.dma_semaphore, #tpu.memory_space<semaphore_mem>>) src(%arg16 : memref<128x128xf32, #tpu.memory_space<vmem>>) dst(%dma_wait3A_90 : memref<10112x128xf32, #tpu.memory_space<vmem_shared>>)
    %dma_wait3A_91 = arith.constant 0 : i32
    %dma_wait3A_92 = arith.constant 0 : i32
    %dma_wait3A_93 = tpu.memref_slice %arg21[%dma_wait3A_91, %dma_wait3A_92] : memref<10112x16xf32, #tpu.memory_space<vmem_shared>> -> memref<10112x16xf32, #tpu.memory_space<vmem_shared>>
    tpu.wait_indirect_dma semaphore(%arg29 : memref<!tpu.dma_semaphore, #tpu.memory_space<semaphore_mem>>) src(%arg19 : memref<128x16xf32, #tpu.memory_space<vmem>>) dst(%dma_wait3A_93 : memref<10112x16xf32, #tpu.memory_space<vmem_shared>>)
    %barrier3A_94 = arith.constant 0 : index
    tpu.barrier barrier_id(%barrier3A_94)
    "tpu.region"() ({
      %run_scoped3A = tpu.sem_alloc : memref<!tpu.dma_semaphore, #tpu.memory_space<semaphore_mem>>
      %dma_start3A_95 = arith.constant 0 : i32
      %dma_start3A_96 = tpu.memref_slice %arg9[%arg0, %mul3A_2, %dma_start3A_95] : memref<2x10112x128xf32, #tpu.memory_space<hbm>> -> memref<1x632x128xf32, #tpu.memory_space<hbm>>
      %dma_start3A_97 = tpu.memref_squeeze %dma_start3A_96 : memref<1x632x128xf32, #tpu.memory_space<hbm>> -> memref<632x128xf32, #tpu.memory_space<hbm>>
      %dma_start3A_98 = arith.constant 0 : i32
      %dma_start3A_99 = tpu.memref_slice %arg20[%mul3A_2, %dma_start3A_98] : memref<10112x128xf32, #tpu.memory_space<vmem_shared>> -> memref<632x128xf32, #tpu.memory_space<vmem_shared>>
      tpu.enqueue_dma source(%dma_start3A_99 : memref<632x128xf32, #tpu.memory_space<vmem_shared>>) target(%dma_start3A_97 : memref<632x128xf32, #tpu.memory_space<hbm>>) target_semaphore(%run_scoped3A : memref<!tpu.dma_semaphore, #tpu.memory_space<semaphore_mem>>)
      %dma_wait3A_100 = arith.constant 0 : i32
      %dma_wait3A_101 = tpu.memref_slice %arg9[%arg0, %mul3A_2, %dma_wait3A_100] : memref<2x10112x128xf32, #tpu.memory_space<hbm>> -> memref<1x632x128xf32, #tpu.memory_space<hbm>>
      %dma_wait3A_102 = tpu.memref_squeeze %dma_wait3A_101 : memref<1x632x128xf32, #tpu.memory_space<hbm>> -> memref<632x128xf32, #tpu.memory_space<hbm>>
      %dma_wait3A_103 = arith.constant 0 : i32
      %dma_wait3A_104 = tpu.memref_slice %arg20[%mul3A_2, %dma_wait3A_103] : memref<10112x128xf32, #tpu.memory_space<vmem_shared>> -> memref<632x128xf32, #tpu.memory_space<vmem_shared>>
      tpu.wait_dma2 semaphore(%run_scoped3A : memref<!tpu.dma_semaphore, #tpu.memory_space<semaphore_mem>>) src(%dma_wait3A_104 : memref<632x128xf32, #tpu.memory_space<vmem_shared>>) dst(%dma_wait3A_102 : memref<632x128xf32, #tpu.memory_space<hbm>>)
      tpu.yield
    }) : () -> ()
    "tpu.region"() ({
      %run_scoped3A = tpu.sem_alloc : memref<!tpu.dma_semaphore, #tpu.memory_space<semaphore_mem>>
      %dma_start3A_95 = arith.constant 0 : i32
      %dma_start3A_96 = tpu.memref_slice %arg10[%arg0, %mul3A_2, %dma_start3A_95] : memref<2x10112x16xf32, #tpu.memory_space<hbm>> -> memref<1x632x16xf32, #tpu.memory_space<hbm>>
      %dma_start3A_97 = tpu.memref_squeeze %dma_start3A_96 : memref<1x632x16xf32, #tpu.memory_space<hbm>> -> memref<632x16xf32, #tpu.memory_space<hbm>>
      %dma_start3A_98 = arith.constant 0 : i32
      %dma_start3A_99 = tpu.memref_slice %arg21[%mul3A_2, %dma_start3A_98] : memref<10112x16xf32, #tpu.memory_space<vmem_shared>> -> memref<632x16xf32, #tpu.memory_space<vmem_shared>>
      tpu.enqueue_dma source(%dma_start3A_99 : memref<632x16xf32, #tpu.memory_space<vmem_shared>>) target(%dma_start3A_97 : memref<632x16xf32, #tpu.memory_space<hbm>>) target_semaphore(%run_scoped3A : memref<!tpu.dma_semaphore, #tpu.memory_space<semaphore_mem>>)
      %dma_wait3A_100 = arith.constant 0 : i32
      %dma_wait3A_101 = tpu.memref_slice %arg10[%arg0, %mul3A_2, %dma_wait3A_100] : memref<2x10112x16xf32, #tpu.memory_space<hbm>> -> memref<1x632x16xf32, #tpu.memory_space<hbm>>
      %dma_wait3A_102 = tpu.memref_squeeze %dma_wait3A_101 : memref<1x632x16xf32, #tpu.memory_space<hbm>> -> memref<632x16xf32, #tpu.memory_space<hbm>>
      %dma_wait3A_103 = arith.constant 0 : i32
      %dma_wait3A_104 = tpu.memref_slice %arg21[%mul3A_2, %dma_wait3A_103] : memref<10112x16xf32, #tpu.memory_space<vmem_shared>> -> memref<632x16xf32, #tpu.memory_space<vmem_shared>>
      tpu.wait_dma2 semaphore(%run_scoped3A : memref<!tpu.dma_semaphore, #tpu.memory_space<semaphore_mem>>) src(%dma_wait3A_104 : memref<632x16xf32, #tpu.memory_space<vmem_shared>>) dst(%dma_wait3A_102 : memref<632x16xf32, #tpu.memory_space<hbm>>)
      tpu.yield
    }) : () -> ()
    return
  }
}

module attributes {stable_mosaic.version = 14 : i64} {
  func.func @_proj_body(%arg0: i32, %arg1: memref<1264x128xf32, #tpu.memory_space<vmem>>, %arg2: memref<128x128xf32, #tpu.memory_space<vmem>>, %arg3: memref<128x16xf32, #tpu.memory_space<vmem>>, %arg4: memref<128x16xf32, #tpu.memory_space<vmem>>, %arg5: memref<1264x128xf32, #tpu.memory_space<vmem>>, %arg6: memref<1264x16xf32, #tpu.memory_space<vmem>>, %arg7: memref<1264x16xf32, #tpu.memory_space<vmem>>) attributes {dimension_semantics = [#tpu.dimension_semantics<arbitrary>], iteration_bounds = array<i64: 8>, scalar_prefetch = 0 : i64, scratch_operands = 0 : i64, tpu.core_type = #tpu.core_type<tc>, window_params = [{transform_indices = @transform_0, window_bounds = array<i64: 1264, 128>}, {pipeline_mode = #tpu.pipeline_mode<synchronous>, transform_indices = @transform_1, window_bounds = array<i64: 128, 128>}, {pipeline_mode = #tpu.pipeline_mode<synchronous>, transform_indices = @transform_2, window_bounds = array<i64: 128, 16>}, {pipeline_mode = #tpu.pipeline_mode<synchronous>, transform_indices = @transform_3, window_bounds = array<i64: 128, 16>}, {transform_indices = @transform_4, window_bounds = array<i64: 1264, 128>}, {transform_indices = @transform_5, window_bounds = array<i64: 1264, 16>}, {transform_indices = @transform_6, window_bounds = array<i64: 1264, 16>}]} {
    %get3A = arith.constant 0 : index
    %get3A_0 = arith.constant 0 : index
    %get3A_1 = vector.load %arg1[%get3A, %get3A_0] : memref<1264x128xf32, #tpu.memory_space<vmem>>, vector<1264x128xf32>
    %get3A_2 = arith.constant 0 : index
    %get3A_3 = arith.constant 0 : index
    %get3A_4 = vector.load %arg2[%get3A_2, %get3A_3] : memref<128x128xf32, #tpu.memory_space<vmem>>, vector<128x128xf32>
    %dot_general3A = arith.constant dense<0.000000e+00> : vector<1264x128xf32>
    %dot_general3A_5 = tpu.matmul %get3A_1, %get3A_4, %dot_general3A {dimension_numbers = #tpu.dot_dimension_numbers<[1], [0], [0], [1], [0, 0, 1, 1], [], []>, precision = #tpu.contract_precision<fp32>, transpose_lhs_hint = false} : vector<1264x128xf32>, vector<128x128xf32>, vector<1264x128xf32> -> vector<1264x128xf32>
    %swap3A = arith.constant 0 : index
    %swap3A_6 = arith.constant 0 : index
    %swap3A_7 = vector.load %arg5[%swap3A, %swap3A_6] : memref<1264x128xf32, #tpu.memory_space<vmem>>, vector<1264x128xf32>
    tpu.vector_store %arg5[%swap3A, %swap3A_6], %dot_general3A_5 {strides = array<i32>} : memref<1264x128xf32, #tpu.memory_space<vmem>>, vector<1264x128xf32>,
    %get3A_8 = arith.constant 0 : index
    %get3A_9 = arith.constant 0 : index
    %get3A_10 = vector.load %arg3[%get3A_8, %get3A_9] : memref<128x16xf32, #tpu.memory_space<vmem>>, vector<128x16xf32>
    %dot_general3A_11 = arith.constant dense<0.000000e+00> : vector<1264x16xf32>
    %dot_general3A_12 = tpu.matmul %dot_general3A_5, %get3A_10, %dot_general3A_11 {dimension_numbers = #tpu.dot_dimension_numbers<[1], [0], [0], [1], [0, 0, 1, 1], [], []>, precision = #tpu.contract_precision<fp32>, transpose_lhs_hint = false} : vector<1264x128xf32>, vector<128x16xf32>, vector<1264x16xf32> -> vector<1264x16xf32>
    %swap3A_13 = arith.constant 0 : index
    %swap3A_14 = arith.constant 0 : index
    %swap3A_15 = vector.load %arg6[%swap3A_13, %swap3A_14] : memref<1264x16xf32, #tpu.memory_space<vmem>>, vector<1264x16xf32>
    tpu.vector_store %arg6[%swap3A_13, %swap3A_14], %dot_general3A_12 {strides = array<i32>} : memref<1264x16xf32, #tpu.memory_space<vmem>>, vector<1264x16xf32>,
    %get3A_16 = arith.constant 0 : index
    %get3A_17 = arith.constant 0 : index
    %get3A_18 = vector.load %arg4[%get3A_16, %get3A_17] : memref<128x16xf32, #tpu.memory_space<vmem>>, vector<128x16xf32>
    %dot_general3A_19 = arith.constant dense<0.000000e+00> : vector<1264x16xf32>
    %dot_general3A_20 = tpu.matmul %dot_general3A_5, %get3A_18, %dot_general3A_19 {dimension_numbers = #tpu.dot_dimension_numbers<[1], [0], [0], [1], [0, 0, 1, 1], [], []>, precision = #tpu.contract_precision<fp32>, transpose_lhs_hint = false} : vector<1264x128xf32>, vector<128x16xf32>, vector<1264x16xf32> -> vector<1264x16xf32>
    %swap3A_21 = arith.constant 0 : index
    %swap3A_22 = arith.constant 0 : index
    %swap3A_23 = vector.load %arg7[%swap3A_21, %swap3A_22] : memref<1264x16xf32, #tpu.memory_space<vmem>>, vector<1264x16xf32>
    tpu.vector_store %arg7[%swap3A_21, %swap3A_22], %dot_general3A_20 {strides = array<i32>} : memref<1264x16xf32, #tpu.memory_space<vmem>>, vector<1264x16xf32>,
    return
  }
  func.func @transform_0(%arg0: i32) -> (i32, i32) {
    %c0_i32 = arith.constant 0 : i32
    %c0_i32_0 = arith.constant 0 : i32
    return %arg0, %c0_i32 : i32, i32
  }
  func.func @transform_1(%arg0: i32) -> (i32, i32) {
    %c0_i32 = arith.constant 0 : i32
    %c0_i32_0 = arith.constant 0 : i32
    %c0_i32_1 = arith.constant 0 : i32
    return %c0_i32, %c0_i32_0 : i32, i32
  }
  func.func @transform_2(%arg0: i32) -> (i32, i32) {
    %c0_i32 = arith.constant 0 : i32
    %c0_i32_0 = arith.constant 0 : i32
    %c0_i32_1 = arith.constant 0 : i32
    return %c0_i32, %c0_i32_0 : i32, i32
  }
  func.func @transform_3(%arg0: i32) -> (i32, i32) {
    %c0_i32 = arith.constant 0 : i32
    %c0_i32_0 = arith.constant 0 : i32
    %c0_i32_1 = arith.constant 0 : i32
    return %c0_i32, %c0_i32_0 : i32, i32
  }
  func.func @transform_4(%arg0: i32) -> (i32, i32) {
    %c0_i32 = arith.constant 0 : i32
    %c0_i32_0 = arith.constant 0 : i32
    return %arg0, %c0_i32 : i32, i32
  }
  func.func @transform_5(%arg0: i32) -> (i32, i32) {
    %c0_i32 = arith.constant 0 : i32
    %c0_i32_0 = arith.constant 0 : i32
    return %arg0, %c0_i32 : i32, i32
  }
  func.func @transform_6(%arg0: i32) -> (i32, i32) {
    %c0_i32 = arith.constant 0 : i32
    %c0_i32_0 = arith.constant 0 : i32
    return %arg0, %c0_i32 : i32, i32
  }
}

module attributes {stable_mosaic.version = 14 : i64} {
  func.func @_mid_body(%arg0: i32, %arg1: memref<2x1264x128xf32, #tpu.memory_space<vmem>>, %arg2: memref<2x1264x16xf32, #tpu.memory_space<vmem>>, %arg3: memref<16x128xf32, #tpu.memory_space<vmem>>, %arg4: memref<1x128xf32, #tpu.memory_space<vmem>>, %arg5: memref<1x128xf32, #tpu.memory_space<vmem>>, %arg6: memref<1x128xf32, #tpu.memory_space<vmem>>, %arg7: memref<128x128xf32, #tpu.memory_space<vmem>>, %arg8: memref<128x16xf32, #tpu.memory_space<vmem>>, %arg9: memref<128x16xf32, #tpu.memory_space<vmem>>, %arg10: memref<1264x128xf32, #tpu.memory_space<vmem>>, %arg11: memref<1264x16xf32, #tpu.memory_space<vmem>>, %arg12: memref<1264x16xf32, #tpu.memory_space<vmem>>) attributes {dimension_semantics = [#tpu.dimension_semantics<arbitrary>], iteration_bounds = array<i64: 8>, scalar_prefetch = 0 : i64, scratch_operands = 0 : i64, tpu.core_type = #tpu.core_type<tc>, window_params = [{transform_indices = @transform_0, window_bounds = array<i64: 2, 1264, 128>}, {transform_indices = @transform_1, window_bounds = array<i64: 2, 1264, 16>}, {pipeline_mode = #tpu.pipeline_mode<synchronous>, transform_indices = @transform_2, window_bounds = array<i64: 16, 128>}, {pipeline_mode = #tpu.pipeline_mode<synchronous>, transform_indices = @transform_3, window_bounds = array<i64: 1, 128>}, {pipeline_mode = #tpu.pipeline_mode<synchronous>, transform_indices = @transform_4, window_bounds = array<i64: 1, 128>}, {pipeline_mode = #tpu.pipeline_mode<synchronous>, transform_indices = @transform_5, window_bounds = array<i64: 1, 128>}, {pipeline_mode = #tpu.pipeline_mode<synchronous>, transform_indices = @transform_6, window_bounds = array<i64: 128, 128>}, {pipeline_mode = #tpu.pipeline_mode<synchronous>, transform_indices = @transform_7, window_bounds = array<i64: 128, 16>}, {pipeline_mode = #tpu.pipeline_mode<synchronous>, transform_indices = @transform_8, window_bounds = array<i64: 128, 16>}, {transform_indices = @transform_9, window_bounds = array<i64: 1264, 128>}, {transform_indices = @transform_10, window_bounds = array<i64: 1264, 16>}, {transform_indices = @transform_11, window_bounds = array<i64: 1264, 16>}]} {
    %get3A = arith.constant 0 : index
    %get3A_0 = arith.constant 0 : index
    %get3A_1 = arith.constant 0 : index
    %get3A_2 = vector.load %arg1[%get3A, %get3A_0, %get3A_1] : memref<2x1264x128xf32, #tpu.memory_space<vmem>>, vector<1x1264x128xf32>
    %get3A_3 = vector.shape_cast %get3A_2 : vector<1x1264x128xf32> to vector<1264x128xf32>
    %get3A_4 = arith.constant 1 : index
    %get3A_5 = arith.constant 0 : index
    %get3A_6 = arith.constant 0 : index
    %get3A_7 = vector.load %arg1[%get3A_4, %get3A_5, %get3A_6] : memref<2x1264x128xf32, #tpu.memory_space<vmem>>, vector<1x1264x128xf32>
    %get3A_8 = vector.shape_cast %get3A_7 : vector<1x1264x128xf32> to vector<1264x128xf32>
    %add3A = arith.addf %get3A_3, %get3A_8 : vector<1264x128xf32>
    %get3A_9 = arith.constant 0 : index
    %get3A_10 = arith.constant 0 : index
    %get3A_11 = arith.constant 0 : index
    %get3A_12 = vector.load %arg2[%get3A_9, %get3A_10, %get3A_11] : memref<2x1264x16xf32, #tpu.memory_space<vmem>>, vector<1x1264x16xf32>
    %get3A_13 = vector.shape_cast %get3A_12 : vector<1x1264x16xf32> to vector<1264x16xf32>
    %get3A_14 = arith.constant 1 : index
    %get3A_15 = arith.constant 0 : index
    %get3A_16 = arith.constant 0 : index
    %get3A_17 = vector.load %arg2[%get3A_14, %get3A_15, %get3A_16] : memref<2x1264x16xf32, #tpu.memory_space<vmem>>, vector<1x1264x16xf32>
    %get3A_18 = vector.shape_cast %get3A_17 : vector<1x1264x16xf32> to vector<1264x16xf32>
    %add3A_19 = arith.addf %get3A_13, %get3A_18 : vector<1264x16xf32>
    %get3A_20 = arith.constant 0 : index
    %get3A_21 = arith.constant 0 : index
    %get3A_22 = vector.load %arg3[%get3A_20, %get3A_21] : memref<16x128xf32, #tpu.memory_space<vmem>>, vector<16x128xf32>
    %dot_general3A = arith.constant dense<0.000000e+00> : vector<1264x128xf32>
    %dot_general3A_23 = tpu.matmul %add3A_19, %get3A_22, %dot_general3A {dimension_numbers = #tpu.dot_dimension_numbers<[1], [0], [0], [1], [0, 0, 1, 1], [], []>, precision = #tpu.contract_precision<fp32>, transpose_lhs_hint = false} : vector<1264x16xf32>, vector<16x128xf32>, vector<1264x128xf32> -> vector<1264x128xf32>
    %add3A_24 = arith.constant 1.000000e-16 : f32
    %add3A_25 = vector.broadcast %add3A_24 : f32 to vector<1264x128xf32>
    %add3A_26 = arith.addf %dot_general3A_23, %add3A_25 : vector<1264x128xf32>
    %div3A = arith.divf %add3A, %add3A_26 : vector<1264x128xf32>
    %get3A_27 = arith.constant 0 : index
    %get3A_28 = arith.constant 0 : index
    %get3A_29 = vector.load %arg4[%get3A_27, %get3A_28] : memref<1x128xf32, #tpu.memory_space<vmem>>, vector<1x128xf32>
    %add3A_30 = vector.broadcast %get3A_29 : vector<1x128xf32> to vector<1264x128xf32>
    %add3A_31 = arith.addf %div3A, %add3A_30 : vector<1264x128xf32>
    %get3A_32 = arith.constant 0 : index
    %get3A_33 = arith.constant 0 : index
    %get3A_34 = vector.load %arg5[%get3A_32, %get3A_33] : memref<1x128xf32, #tpu.memory_space<vmem>>, vector<1x128xf32>
    %mul3A = vector.broadcast %get3A_34 : vector<1x128xf32> to vector<1264x128xf32>
    %mul3A_35 = arith.mulf %add3A_31, %mul3A : vector<1264x128xf32>
    %get3A_36 = arith.constant 0 : index
    %get3A_37 = arith.constant 0 : index
    %get3A_38 = vector.load %arg6[%get3A_36, %get3A_37] : memref<1x128xf32, #tpu.memory_space<vmem>>, vector<1x128xf32>
    %add3A_39 = vector.broadcast %get3A_38 : vector<1x128xf32> to vector<1264x128xf32>
    %add3A_40 = arith.addf %mul3A_35, %add3A_39 : vector<1264x128xf32>
    %gt3A = arith.constant 0.000000e+00 : f32
    %gt3A_41 = vector.broadcast %gt3A : f32 to vector<1264x128xf32>
    %gt3A_42 = arith.cmpf ogt, %add3A_40, %gt3A_41 : vector<1264x128xf32>
    %exp3A = math.exp %add3A_40 : vector<1264x128xf32>
    %sub3A = arith.constant 1.000000e+00 : f32
    %sub3A_43 = vector.broadcast %sub3A : f32 to vector<1264x128xf32>
    %sub3A_44 = arith.subf %exp3A, %sub3A_43 : vector<1264x128xf32>
    %select_n3A = arith.select %gt3A_42, %add3A_40, %sub3A_44 : vector<1264x128xi1>, vector<1264x128xf32>
    %get3A_45 = arith.constant 0 : index
    %get3A_46 = arith.constant 0 : index
    %get3A_47 = vector.load %arg7[%get3A_45, %get3A_46] : memref<128x128xf32, #tpu.memory_space<vmem>>, vector<128x128xf32>
    %dot_general3A_48 = arith.constant dense<0.000000e+00> : vector<1264x128xf32>
    %dot_general3A_49 = tpu.matmul %select_n3A, %get3A_47, %dot_general3A_48 {dimension_numbers = #tpu.dot_dimension_numbers<[1], [0], [0], [1], [0, 0, 1, 1], [], []>, precision = #tpu.contract_precision<fp32>, transpose_lhs_hint = false} : vector<1264x128xf32>, vector<128x128xf32>, vector<1264x128xf32> -> vector<1264x128xf32>
    %swap3A = arith.constant 0 : index
    %swap3A_50 = arith.constant 0 : index
    %swap3A_51 = vector.load %arg10[%swap3A, %swap3A_50] : memref<1264x128xf32, #tpu.memory_space<vmem>>, vector<1264x128xf32>
    tpu.vector_store %arg10[%swap3A, %swap3A_50], %dot_general3A_49 {strides = array<i32>} : memref<1264x128xf32, #tpu.memory_space<vmem>>, vector<1264x128xf32>,
    %get3A_52 = arith.constant 0 : index
    %get3A_53 = arith.constant 0 : index
    %get3A_54 = vector.load %arg8[%get3A_52, %get3A_53] : memref<128x16xf32, #tpu.memory_space<vmem>>, vector<128x16xf32>
    %dot_general3A_55 = arith.constant dense<0.000000e+00> : vector<1264x16xf32>
    %dot_general3A_56 = tpu.matmul %dot_general3A_49, %get3A_54, %dot_general3A_55 {dimension_numbers = #tpu.dot_dimension_numbers<[1], [0], [0], [1], [0, 0, 1, 1], [], []>, precision = #tpu.contract_precision<fp32>, transpose_lhs_hint = false} : vector<1264x128xf32>, vector<128x16xf32>, vector<1264x16xf32> -> vector<1264x16xf32>
    %swap3A_57 = arith.constant 0 : index
    %swap3A_58 = arith.constant 0 : index
    %swap3A_59 = vector.load %arg11[%swap3A_57, %swap3A_58] : memref<1264x16xf32, #tpu.memory_space<vmem>>, vector<1264x16xf32>
    tpu.vector_store %arg11[%swap3A_57, %swap3A_58], %dot_general3A_56 {strides = array<i32>} : memref<1264x16xf32, #tpu.memory_space<vmem>>, vector<1264x16xf32>,
    %get3A_60 = arith.constant 0 : index
    %get3A_61 = arith.constant 0 : index
    %get3A_62 = vector.load %arg9[%get3A_60, %get3A_61] : memref<128x16xf32, #tpu.memory_space<vmem>>, vector<128x16xf32>
    %dot_general3A_63 = arith.constant dense<0.000000e+00> : vector<1264x16xf32>
    %dot_general3A_64 = tpu.matmul %dot_general3A_49, %get3A_62, %dot_general3A_63 {dimension_numbers = #tpu.dot_dimension_numbers<[1], [0], [0], [1], [0, 0, 1, 1], [], []>, precision = #tpu.contract_precision<fp32>, transpose_lhs_hint = false} : vector<1264x128xf32>, vector<128x16xf32>, vector<1264x16xf32> -> vector<1264x16xf32>
    %swap3A_65 = arith.constant 0 : index
    %swap3A_66 = arith.constant 0 : index
    %swap3A_67 = vector.load %arg12[%swap3A_65, %swap3A_66] : memref<1264x16xf32, #tpu.memory_space<vmem>>, vector<1264x16xf32>
    tpu.vector_store %arg12[%swap3A_65, %swap3A_66], %dot_general3A_64 {strides = array<i32>} : memref<1264x16xf32, #tpu.memory_space<vmem>>, vector<1264x16xf32>,
    return
  }
  func.func @transform_0(%arg0: i32) -> (i32, i32, i32) {
    %c0_i32 = arith.constant 0 : i32
    %c0_i32_0 = arith.constant 0 : i32
    %c0_i32_1 = arith.constant 0 : i32
    return %c0_i32, %arg0, %c0_i32_0 : i32, i32, i32
  }
  func.func @transform_1(%arg0: i32) -> (i32, i32, i32) {
    %c0_i32 = arith.constant 0 : i32
    %c0_i32_0 = arith.constant 0 : i32
    %c0_i32_1 = arith.constant 0 : i32
    return %c0_i32, %arg0, %c0_i32_0 : i32, i32, i32
  }
  func.func @transform_2(%arg0: i32) -> (i32, i32) {
    %c0_i32 = arith.constant 0 : i32
    %c0_i32_0 = arith.constant 0 : i32
    %c0_i32_1 = arith.constant 0 : i32
    return %c0_i32, %c0_i32_0 : i32, i32
  }
  func.func @transform_3(%arg0: i32) -> (i32, i32) {
    %c0_i32 = arith.constant 0 : i32
    %c0_i32_0 = arith.constant 0 : i32
    %c0_i32_1 = arith.constant 0 : i32
    return %c0_i32, %c0_i32_0 : i32, i32
  }
  func.func @transform_4(%arg0: i32) -> (i32, i32) {
    %c0_i32 = arith.constant 0 : i32
    %c0_i32_0 = arith.constant 0 : i32
    %c0_i32_1 = arith.constant 0 : i32
    return %c0_i32, %c0_i32_0 : i32, i32
  }
  func.func @transform_5(%arg0: i32) -> (i32, i32) {
    %c0_i32 = arith.constant 0 : i32
    %c0_i32_0 = arith.constant 0 : i32
    %c0_i32_1 = arith.constant 0 : i32
    return %c0_i32, %c0_i32_0 : i32, i32
  }
  func.func @transform_6(%arg0: i32) -> (i32, i32) {
    %c0_i32 = arith.constant 0 : i32
    %c0_i32_0 = arith.constant 0 : i32
    %c0_i32_1 = arith.constant 0 : i32
    return %c0_i32, %c0_i32_0 : i32, i32
  }
  func.func @transform_7(%arg0: i32) -> (i32, i32) {
    %c0_i32 = arith.constant 0 : i32
    %c0_i32_0 = arith.constant 0 : i32
    %c0_i32_1 = arith.constant 0 : i32
    return %c0_i32, %c0_i32_0 : i32, i32
  }
  func.func @transform_8(%arg0: i32) -> (i32, i32) {
    %c0_i32 = arith.constant 0 : i32
    %c0_i32_0 = arith.constant 0 : i32
    %c0_i32_1 = arith.constant 0 : i32
    return %c0_i32, %c0_i32_0 : i32, i32
  }
  func.func @transform_9(%arg0: i32) -> (i32, i32) {
    %c0_i32 = arith.constant 0 : i32
    %c0_i32_0 = arith.constant 0 : i32
    return %arg0, %c0_i32 : i32, i32
  }
  func.func @transform_10(%arg0: i32) -> (i32, i32) {
    %c0_i32 = arith.constant 0 : i32
    %c0_i32_0 = arith.constant 0 : i32
    return %arg0, %c0_i32 : i32, i32
  }
  func.func @transform_11(%arg0: i32) -> (i32, i32) {
    %c0_i32 = arith.constant 0 : i32
    %c0_i32_0 = arith.constant 0 : i32
    return %arg0, %c0_i32 : i32, i32
  }
}

module attributes {stable_mosaic.version = 14 : i64} {
  func.func @_fin_body(%arg0: i32, %arg1: memref<2x1264x128xf32, #tpu.memory_space<vmem>>, %arg2: memref<2x1264x16xf32, #tpu.memory_space<vmem>>, %arg3: memref<16x128xf32, #tpu.memory_space<vmem>>, %arg4: memref<1x128xf32, #tpu.memory_space<vmem>>, %arg5: memref<1264x128xf32, #tpu.memory_space<vmem>>) attributes {dimension_semantics = [#tpu.dimension_semantics<arbitrary>], iteration_bounds = array<i64: 8>, scalar_prefetch = 0 : i64, scratch_operands = 0 : i64, tpu.core_type = #tpu.core_type<tc>, window_params = [{transform_indices = @transform_0, window_bounds = array<i64: 2, 1264, 128>}, {transform_indices = @transform_1, window_bounds = array<i64: 2, 1264, 16>}, {pipeline_mode = #tpu.pipeline_mode<synchronous>, transform_indices = @transform_2, window_bounds = array<i64: 16, 128>}, {pipeline_mode = #tpu.pipeline_mode<synchronous>, transform_indices = @transform_3, window_bounds = array<i64: 1, 128>}, {transform_indices = @transform_4, window_bounds = array<i64: 1264, 128>}]} {
    %get3A = arith.constant 0 : index
    %get3A_0 = arith.constant 0 : index
    %get3A_1 = arith.constant 0 : index
    %get3A_2 = vector.load %arg1[%get3A, %get3A_0, %get3A_1] : memref<2x1264x128xf32, #tpu.memory_space<vmem>>, vector<1x1264x128xf32>
    %get3A_3 = vector.shape_cast %get3A_2 : vector<1x1264x128xf32> to vector<1264x128xf32>
    %get3A_4 = arith.constant 1 : index
    %get3A_5 = arith.constant 0 : index
    %get3A_6 = arith.constant 0 : index
    %get3A_7 = vector.load %arg1[%get3A_4, %get3A_5, %get3A_6] : memref<2x1264x128xf32, #tpu.memory_space<vmem>>, vector<1x1264x128xf32>
    %get3A_8 = vector.shape_cast %get3A_7 : vector<1x1264x128xf32> to vector<1264x128xf32>
    %add3A = arith.addf %get3A_3, %get3A_8 : vector<1264x128xf32>
    %get3A_9 = arith.constant 0 : index
    %get3A_10 = arith.constant 0 : index
    %get3A_11 = arith.constant 0 : index
    %get3A_12 = vector.load %arg2[%get3A_9, %get3A_10, %get3A_11] : memref<2x1264x16xf32, #tpu.memory_space<vmem>>, vector<1x1264x16xf32>
    %get3A_13 = vector.shape_cast %get3A_12 : vector<1x1264x16xf32> to vector<1264x16xf32>
    %get3A_14 = arith.constant 1 : index
    %get3A_15 = arith.constant 0 : index
    %get3A_16 = arith.constant 0 : index
    %get3A_17 = vector.load %arg2[%get3A_14, %get3A_15, %get3A_16] : memref<2x1264x16xf32, #tpu.memory_space<vmem>>, vector<1x1264x16xf32>
    %get3A_18 = vector.shape_cast %get3A_17 : vector<1x1264x16xf32> to vector<1264x16xf32>
    %add3A_19 = arith.addf %get3A_13, %get3A_18 : vector<1264x16xf32>
    %get3A_20 = arith.constant 0 : index
    %get3A_21 = arith.constant 0 : index
    %get3A_22 = vector.load %arg3[%get3A_20, %get3A_21] : memref<16x128xf32, #tpu.memory_space<vmem>>, vector<16x128xf32>
    %dot_general3A = arith.constant dense<0.000000e+00> : vector<1264x128xf32>
    %dot_general3A_23 = tpu.matmul %add3A_19, %get3A_22, %dot_general3A {dimension_numbers = #tpu.dot_dimension_numbers<[1], [0], [0], [1], [0, 0, 1, 1], [], []>, precision = #tpu.contract_precision<fp32>, transpose_lhs_hint = false} : vector<1264x16xf32>, vector<16x128xf32>, vector<1264x128xf32> -> vector<1264x128xf32>
    %add3A_24 = arith.constant 1.000000e-16 : f32
    %add3A_25 = vector.broadcast %add3A_24 : f32 to vector<1264x128xf32>
    %add3A_26 = arith.addf %dot_general3A_23, %add3A_25 : vector<1264x128xf32>
    %div3A = arith.divf %add3A, %add3A_26 : vector<1264x128xf32>
    %get3A_27 = arith.constant 0 : index
    %get3A_28 = arith.constant 0 : index
    %get3A_29 = vector.load %arg4[%get3A_27, %get3A_28] : memref<1x128xf32, #tpu.memory_space<vmem>>, vector<1x128xf32>
    %add3A_30 = vector.broadcast %get3A_29 : vector<1x128xf32> to vector<1264x128xf32>
    %add3A_31 = arith.addf %div3A, %add3A_30 : vector<1264x128xf32>
    %swap3A = arith.constant 0 : index
    %swap3A_32 = arith.constant 0 : index
    %swap3A_33 = vector.load %arg5[%swap3A, %swap3A_32] : memref<1264x128xf32, #tpu.memory_space<vmem>>, vector<1264x128xf32>
    tpu.vector_store %arg5[%swap3A, %swap3A_32], %add3A_31 {strides = array<i32>} : memref<1264x128xf32, #tpu.memory_space<vmem>>, vector<1264x128xf32>,
    return
  }
  func.func @transform_0(%arg0: i32) -> (i32, i32, i32) {
    %c0_i32 = arith.constant 0 : i32
    %c0_i32_0 = arith.constant 0 : i32
    %c0_i32_1 = arith.constant 0 : i32
    return %c0_i32, %arg0, %c0_i32_0 : i32, i32, i32
  }
  func.func @transform_1(%arg0: i32) -> (i32, i32, i32) {
    %c0_i32 = arith.constant 0 : i32
    %c0_i32_0 = arith.constant 0 : i32
    %c0_i32_1 = arith.constant 0 : i32
    return %c0_i32, %arg0, %c0_i32_0 : i32, i32, i32
  }
  func.func @transform_2(%arg0: i32) -> (i32, i32) {
    %c0_i32 = arith.constant 0 : i32
    %c0_i32_0 = arith.constant 0 : i32
    %c0_i32_1 = arith.constant 0 : i32
    return %c0_i32, %c0_i32_0 : i32, i32
  }
  func.func @transform_3(%arg0: i32) -> (i32, i32) {
    %c0_i32 = arith.constant 0 : i32
    %c0_i32_0 = arith.constant 0 : i32
    %c0_i32_1 = arith.constant 0 : i32
    return %c0_i32, %c0_i32_0 : i32, i32
  }
  func.func @transform_4(%arg0: i32) -> (i32, i32) {
    %c0_i32 = arith.constant 0 : i32
    %c0_i32_0 = arith.constant 0 : i32
    return %arg0, %c0_i32 : i32, i32
  }
}

</mosaic_0001>

<sc_bundles>
// kernel: kernel.10.cloned.1.call-start
scs
__scs_entry_jumppad:
0x0: {  	(pc) =	sbr.rel $0x88, $3  }
0x1: {  	(tag) =	ssettag $0x0;
	lr =	simm.s32 $0x1  }
0x2: {  	[smem:$0x3F95] =	sst lr;
	_ =	strace $0xD0000000  }
0x3: {  	_ = 	snop  }
0x4: {  	_ = 	snop  }
0x5: {  	_ = 	snop  }
0x6: {  	_ = 	snop  }
0x7: {  	_ = 	snop  }
__scs_overlays_trampoline_lowered:
0x8: {  	[smem:$0x3FA4] =	sst s0  }
0x9: {  	[smem:$0x3FA5] =	sst s1  }
0xa: {  	[smem:$0x3FA6] =	sst s2  }
0xb: {  	[smem:$0x3FA7] =	sst s3  }
0xc: {  	[smem:$0x3FA8] =	sst s4  }
0xd: {  	[smem:$0x3FA9] =	sst s5  }
0xe: {  	[smem:$0x3FAA] =	sst s6  }
0xf: {  	[smem:$0x3FAB] =	sst s7  }
0x10: {  	[smem:$0x3FAC] =	sst s8  }
0x11: {  	[smem:$0x3FAD] =	sst s9;
	s0 =	simm.s32 @!p0 $0x0  }
0x12: {  	s1 =	sld [smem:$0x3F93];
	s0 =	simm.s32 @p0 $0x1  }
0x13: {  	[smem:$0x3FAE] =	sst s0;
	s0 =	simm.s32 @!p1 $0x0  }
0x14: {  	s2 =	sld [smem:$0x3F92];
	s0 =	simm.s32 @p1 $0x1  }
0x15: {  	[smem:$0x3FAF] =	sst s0;
	s0 =	simm.s32 @!p2 $0x0  }
0x16: {  	s3 =	sld [smem:$0x3FDB];
	s0 =	simm.s32 @p2 $0x1  }
0x17: {  	s4 =	simm.s32 $0x1BF5;
	[smem:$0x3FB1] =	sst s0  }
0x18: {  	s0 =	sld [smem:$0x3F94];
	_ =	swait.ge [sflag:s4], $0x0  }
0x19: {  	s7 =	sld [smem:$0x3F95]  }
0x1a: {  	s8 =	sadd.s32 $0xFFFFE003, lr  }
0x1b: {  	s9 =	sadd.s32 $0xFFFFFEF7, lr;
	s5 =	simm.s32 $0xFFFFFFFF;
	p2 =	slt.u32 s8, $0xFFFFF086  }
0x1c: {  	p1 =	slt.u32 s9, $0xF7A;
	s5 =	simm.s32 @!p2 $0x0  }
0x1d: {  	s5 =	simm.s32 @p1 $0x1;
	p0 =	seq.s32 s7, s2  }
0x1e: {  	s7 =	smul.u32 @!p0 $0xF7A, s2;
	p2 =	seq.s32 @!p0 s5, $0x0  }
0x1f: {  	s9 =	smul.u32 $0xF7A, s1;
	s8 =	simm.s32 @!p0 $0x1BF5;
	p2 =	por !p2, p0  }
0x20: {  	[sflag:s8] =	ssyncset.s32 @!p0 $0xFFFFF086;
	s6 =	sadd.s32 @!p0 s3, s7;
	s7 =	simm.s32 @!p0 $0x108  }
0x21: {  	s3 =	sadd.s32 s3, s9;
	s6 =	sadd.s32 @!p0 $0x88, s6;
	s7 =	simm.s32 @p2 $0x1082  }
0x22: {  	[simem:s7], [sflag:s8] =	dma.local @!p0 [hbm:s6], $0xF7A  }
0x23: {  	s9 =	sor.u32 $0xD0000000, s2;
	s6 =	simm.s32 $0x108;
	_ =	swait.ge @!p0 [sflag:s8], $0x0  }
0x24: {  	s3 =	sadd.s32 $0x88, s3;
	s6 =	simm.s32 @!p1 $0x1082;
	[sflag:s4] =	ssyncset.s32 $0xFFFFF086  }
0x25: {  	[simem:s6], [sflag:s4] =	dma.local [hbm:s3], $0xF7A  }
0x26: {  	[smem:$0x3F95] =	sst s1;
	(tag) =	ssettag s2;
	_ =	strace s9  }
0x27: {  	s1 =	sld [smem:$0x3FA5]  }
0x28: {  	s2 =	sld [smem:$0x3FA6]  }
0x29: {  	s4 =	sld [smem:$0x3FA8]  }
0x2a: {  	p0 =	seq.s32 s5, $0x0;
	s5 =	sld [smem:$0x3FA9]  }
0x2b: {  	s6 =	sld [smem:$0x3FAA]  }
0x2c: {  	s7 =	sld [smem:$0x3FAB]  }
0x2d: {  	s3 =	simm.s32 $0x108;
	s8 =	sld [smem:$0x3FAC]  }
0x2e: {  	s3 =	simm.s32 @!p0 $0x1082;
	s9 =	sld [smem:$0x3FAD]  }
0x2f: {  	lr =	sadd.s32 s0, s3;
	s0 =	sld [smem:$0x3FA4]  }
0x30: {  	s3 =	sld [smem:$0x3FA7]  }
0x31: {  	[smem:$0x3FB0] =	sst s10  }
0x32: {  	s10 =	sld [smem:$0x3FAE];
	_ =	sdelay $0x3  }
0x33: {  	p0 =	seq.s32 s10, $0x1;
	s10 =	sld [smem:$0x3FB0];
	_ =	sdelay $0x3  }
0x34: {  	[smem:$0x3FB0] =	sst s10  }
0x35: {  	s10 =	sld [smem:$0x3FAF];
	_ =	sdelay $0x3  }
0x36: {  	p1 =	seq.s32 s10, $0x1;
	s10 =	sld [smem:$0x3FB0];
	_ =	sdelay $0x3  }
0x37: {  	[smem:$0x3FB0] =	sst s10  }
0x38: {  	s10 =	sld [smem:$0x3FB1]  }
0x39: {  	_ = 	snop;
	(pc) =	sbr.ind lr, $3  }
0x3a: {  	_ = 	snop  }
0x3b: {  	_ = 	snop  }
0x3c: {  	p2 =	seq.s32 s10, $0x1;
	s10 =	sld [smem:$0x3FB0]  }
0x3d: {  	_ =	shalt  }
0x3e: {  	_ =	shalt  }
0x3f: {  	_ =	shalt  }
0x40: {  	_ =	shalt  }
0x41: {  	_ =	shalt  }
0x42: {  	_ =	shalt  }
0x43: {  	_ =	shalt  }
0x44: {  	_ =	shalt  }
0x45: {  	_ =	shalt  }
0x46: {  	_ =	shalt  }
0x47: {  	_ =	shalt  }
0x48: {  	_ =	shalt  }
0x49: {  	_ =	shalt  }
0x4a: {  	_ =	shalt  }
0x4b: {  	_ =	shalt  }
0x4c: {  	_ =	shalt  }
0x4d: {  	_ =	shalt  }
0x4e: {  	_ =	shalt  }
0x4f: {  	_ =	shalt  }
0x50: {  	_ =	shalt  }
0x51: {  	_ =	shalt  }
0x52: {  	_ =	shalt  }
0x53: {  	_ =	shalt  }
0x54: {  	_ =	shalt  }
0x55: {  	_ =	shalt  }
0x56: {  	_ =	shalt  }
0x57: {  	_ =	shalt  }
0x58: {  	_ =	shalt  }
0x59: {  	_ =	shalt  }
0x5a: {  	_ =	shalt  }
0x5b: {  	_ =	shalt  }
0x5c: {  	_ =	shalt  }
0x5d: {  	_ =	shalt  }
0x5e: {  	_ =	shalt  }
0x5f: {  	_ =	shalt  }
0x60: {  	_ =	shalt  }
0x61: {  	_ =	shalt  }
0x62: {  	_ =	shalt  }
0x63: {  	_ =	shalt  }
0x64: {  	_ =	shalt  }
0x65: {  	_ =	shalt  }
0x66: {  	_ =	shalt  }
0x67: {  	_ =	shalt  }
0x68: {  	_ =	shalt  }
0x69: {  	_ =	shalt  }
0x6a: {  	_ =	shalt  }
0x6b: {  	_ =	shalt  }
0x6c: {  	_ =	shalt  }
0x6d: {  	_ =	shalt  }
0x6e: {  	_ =	shalt  }
0x6f: {  	_ =	shalt  }
0x70: {  	_ =	shalt  }
0x71: {  	_ =	shalt  }
0x72: {  	_ =	shalt  }
0x73: {  	_ =	shalt  }
0x74: {  	_ =	shalt  }
0x75: {  	_ =	shalt  }
0x76: {  	_ =	shalt  }
0x77: {  	_ =	shalt  }
0x78: {  	_ =	shalt  }
0x79: {  	_ =	shalt  }
0x7a: {  	_ =	shalt  }
0x7b: {  	_ =	shalt  }
0x7c: {  	_ =	shalt  }
0x7d: {  	_ =	shalt  }
0x7e: {  	_ =	shalt  }
0x7f: {  	_ =	shalt  }
0x80: {  	_ =	shalt  }
0x81: {  	_ =	shalt  }
0x82: {  	_ =	shalt  }
0x83: {  	_ =	shalt  }
0x84: {  	_ =	shalt  }
0x85: {  	_ =	shalt  }
0x86: {  	_ =	shalt  }
0x87: {  	_ =	shalt  }
.Lfunc_end0:
.L_simem_size_0:
called_computation.1_lowered:
.L_overlay_start_0:
0x88: {  	s2 =	sld [smem:$0x3FD9]  }
0x89: {  	s3 =	sld [smem:$0x3FFE];
	_ =	sdelay $0x1  }
0x8a: {  	s1 =	srdreg.scid  }
0x8b: {  	s0 =	sand.u32 $0x1, s1  }
0x8c: {  	s17 =	sshll.u32 s0, $0xA;
	s2 =	sadd.s32 s3, s2  }
0x8d: {  	s2 =	sadd.s32 s2, s17  }
0x8e: {  	[smem:$0x3FBC] =	sst s2  }
0x8f: {  	_ = 	snop  }
0x90: {  	s2 =	sld [smem:$0x3FD0];
	(tm) =	ssettm $0x1  }
0x91: {  	s18 =	sld [smem:$0x3FFB];
	_ =	sdelay $0x3  }
0x92: {  	_ =	strace s18  }
0x93: {  	s3 =	sld [smem:$0x3FFC];
	_ =	sdelay $0x3  }
0x94: {  	_ =	strace s3  }
0x95: {  	s3 =	sld [smem:$0x3FFD];
	_ =	sdelay $0x3  }
0x96: {  	_ =	strace s3  }
0x97: {  	_ =	strace $0x8FFFFFFF  }
0x98: {  	s19 =	sld [smem:$0x3FDB];
	_ =	sdelay $0x1  }
0x99: {  	s4 =	simm.s32 $_scs_section_size  }
0x9a: {  	s5 =	simm.s32 $_size__tile_overlayer_lowered;
	s6 =	simm.s32 $_tile_overlayer_lowered  }
0x9b: {  	s22 =	simm.s32 $0x1BFF;
	s21 =	sshll.u32 s6, $0x1;
	s3 =	sadd.s32 s4, s19  }
0x9c: {  	s7 =	simm.s32 $0x0;
	s20 =	sshll.u32 s5, $0x1;
	s5 =	sadd.s32 s21, s3  }
0x9d: {  	[timem:s7], [sflag:s22] =	dma.local [hbm:s5], s20  }
0x9e: {  	_ =	swait.ge [sflag:s22], s20  }
0x9f: {  	s4 =	ssub.s32 $0x0, s20;
	[sflag:s22] =	ssyncset.done $0x0  }
0xa0: {  	[sflag:s22] =	ssyncadd.s32 s4;
	_ =	sdelay $0x1  }
0xa1: {  	s23 =	simm.s32 $0x1B8B  }
0xa2: {  	_ =	swait.ge [sflag:s23], $0x1  }
0xa3: {  	[sflag:s23] =	ssyncset.done $0x0  }
0xa4: {  	s25 =	simm.s32 $0x1B8E;
	s24 =	sld [smem:$0x3FFE];
	[sflag:s23] =	ssyncadd.s32 $0xFFFFFFFF  }
0xa5: {  	s26 =	simm.s32 $execute0_lowered;
	[smem:$0x3FD2] =	sst s25  }
0xa6: {  	s5 =	sshll.u32 s26, $0x1;
	_ =	strace $0x80000049;
	[dreg:$0x1] =	wrdreg $0xFFFFFFFF  }
0xa7: {  	s28 =	simm.s32 $_size_execute0_lowered;
	s3 =	sadd.s32 s3, s5;
	[dreg:$0x0] =	wrdreg $0x0  }
0xa8: {  	s5 =	sshll.u32 s28, $0x1;
	[dreg:$0x2] =	wrdreg s3  }
0xa9: {  	[dreg:$0x3] =	wrdreg s5  }
0xaa: {  	[dreg:$0x4] =	wrdreg $0xC0  }
0xab: {  	_ =	task [dreg:s7], $0x5FFFF  }
0xac: {  	[dreg:$0x1] =	wrdreg $0xFFFFFFFF  }
0xad: {  	[dreg:$0x0] =	wrdreg $0x60  }
0xae: {  	[dreg:$0x2] =	wrdreg s24  }
0xaf: {  	[dreg:$0x3] =	wrdreg s2  }
0xb0: {  	[dreg:$0x4] =	wrdreg $0x9A000  }
0xb1: {  	[dreg:$0x5] =	wrdreg $0x1D6000  }
0xb2: {  	[dreg:$0x6] =	wrdreg $0x9  }
0xb3: {  	_ =	task.clear_ibuf [dreg:s7], $0x7FFFF;
	_ =	strace $0x90000049  }
0xb4: {  	s29 =	simm.s32 $0x9;
	_ =	strace $0x8000004B  }
0xb5: {  	_ =	swait.ge [sflag:s29], $0x1  }
0xb6: {  	[sflag:s29] =	ssyncadd.s32 $0xFFFFFFFF  }
0xb7: {  	_ =	strace $0x9000004B  }
0xb8: {  	_ =	sfence  }
0xb9: {  	s30 =	sld [smem:$0x0];
	_ =	sdelay $0x2  }
0xba: {  	s31 =	sshll.u32 s1, $0xD;
	s1 =	sshrl.u32 s1, $0x2  }
0xbb: {  	s3 =	sand.u32 $0x4000, s31;
	s1 =	sadd.s32 s1, s30  }
0xbc: {  	s0 =	sor.u32 s3, s0;
	s1 =	sshll.u32 s1, $0x11  }
0xbd: {  	s0 =	sor.u32 s1, s0  }
0xbe: {  	s0 =	sadd.s32 $0x8F2B, s0  }
0xbf: {  	[sflag:s0] =	ssyncadd.remote.s32 $0x1  }
0xc0: {  	_ =	sfence.sel $0xFFFF  }
0xc1: {  	[dreg:$0x0] =	wrdreg $0xFFFFFFFF;
	(pc) =	sbr.abs _section_cstart, $3  }
0xc2: {  	[dreg:$0x1] =	wrdreg $0xFFFFFFFF  }
0xc3: {  	_ =	task.clear_ibuf [dreg:s7], $0x2FFFF;
	_ =	strace $0x9FFFFFFF  }
0xc4: {  	(tm) =	ssettm $0x7FFFFFFF  }
0xc5: {  	_ =	shalt  }
tec
execute0_lowered:
.L_overlay_start_1:
0x0: {  	(tag) =	ssettag $0x1  }
0x1: {  	s0 =	rddreg [dreg:$0x0]  }
0x2: {  	s1 =	rddreg [dreg:$0x1]  }
0x3: {  	s2 =	rddreg [dreg:$0x2]  }
0x4: {  	s4 =	rddreg [dreg:$0x3]  }
0x5: {  	s5 =	simm.s32 $0x0;
	s19 =	stileid.u32;
	s6 =	srdreg.scid  }
0x6: {  	s28 =	simm.s32 $0x200;
	s29 =	simm.s32 $0x8200;
	s30 =	simm.s32 $0x8A00  }
0x7: {  	s31 =	simm.s32 $0x100;
	[smem:$0x7FF] =	sst s5;
	s3 =	smul.u32 $0x13C00, s19  }
0x8: {  	s10 =	smul.u32 $0x2780, s19;
	s11 =	sand.u32 $0x1, s6;
	s6 =	sadd.s32 $0x34200, s0  }
0x9: {  	s7 =	sadd.s32 $0x2F200, s0;
	s8 =	sadd.s32 $0x2A200, s0;
	s9 =	sadd.s32 $0x2A00, s0  }
0xa: {  	s18 =	sshll.u32 s19, $0x1;
	s25 =	sshll.u32 s19, $0x6;
	s12 =	smul.u32 $0x13C000, s11  }
0xb: {  	_ =	strace $0x8000004A;
	s15 =	smul.u32 $0x27800, s11;
	s16 =	ssub.s32 $0x2, s11  }
0xc: {  	s11 =	sor.u32 s11, s18;
	[dreg:$0x6] =	wrdreg s25;
	s13 =	sshrl.u32 s3, $0x3  }
0xd: {  	s14 =	sshrl.u32 s10, $0x3;
	s17 =	sshrl.u32 s16, $0x1;
	s26 =	smul.u32 $0x500, s11  }
0xe: {  	s19 =	smul.u32 $0x50, s11;
	s11 =	simm.s32 $0x0;
	s12 =	sadd.s32 s3, s12  }
0xf: {  	s13 =	sadd.s32 s13, s0;
	s14 =	sadd.s32 s14, s0;
	s15 =	sadd.s32 s10, s15  }
0x10: {  	s3 =	sadd.s32 s3, s2;
	s10 =	sadd.s32 s10, s4;
	s12 =	sshrl.u32 s12, $0x3  }
0x11: {  	s15 =	sshrl.u32 s15, $0x3;
	[dreg:$0x5] =	wrdreg s3;
	s13 =	sadd.s32 $0x3E200, s13  }
0x12: {  	[dreg:$0x9] =	wrdreg s10;
	s18 =	sadd.s32 $0x65A00, s14;
	s21 =	sor.u32 $0x10, s26  }
0x13: {  	s22 =	sadd.s32 s6, s26;
	s3 =	sadd.s32 s1, s26;
	[dreg:$0x7] =	wrdreg s13  }
0x14: {  	s20 =	sor.u32 $0x2, s19;
	s10 =	simm.s32 $0x4;
	[dreg:$0xa] =	wrdreg s18  }
0x15: {  	s12 =	sadd.s32 s12, s0;
	s0 =	sadd.s32 s15, s0;
	[dreg:$0xb] =	wrdreg s22  }
0x16: {  	s15 =	ssub.s32 s16, s17;
	s17 =	sor.u32 $0x1C05, s25;
	[dreg:$0xc] =	wrdreg s3  }
0x17: {  	s14 =	simm.s32 $0x9200;
	s23 =	sadd.s32 s6, s21;
	[dreg:$0x8] =	wrdreg s17  }
0x18: {  	s24 =	sadd.s32 s1, s21;
	s21 =	sor.u32 $0x3, s19;
	[dreg:$0xd] =	wrdreg s23  }
.Ltmp0:
0x19: {  	[dreg:$0xe] =	wrdreg s24;
	s25 =	sadd.s32 $0x74800, s12;
	(pc) =	sbr.rel .LBB2_1-.Ltmp0, $4  }
0x1a: {  	s16 =	simm.s32 $0x3;
	s0 =	sadd.s32 $0x6AA00, s0;
	[dreg:$0xf] =	wrdreg s25  }
0x1b: {  	s26 =	smax.u32 s15, $0x1;
	s12 =	simm.s32 $0x2;
	[dreg:$0x10] =	wrdreg s0  }
0x1c: {  	s15 =	simm.s32 $0x8;
	s17 =	simm.s32 $0x4200;
	[dreg:$0x11] =	wrdreg s26  }
0x1d: {  	s25 =	simm.s32 $0x80;
	s26 =	simm.s32 $0x1;
	s0 =	simm.s32 $0x180  }
.LBB2_12:
0x1e: {  	s3 =	simm.s32 $0x6  }
0x1f: {  	_ =	swait.ge [sflag:s3], $0x4000  }
0x20: {  	[sflag:s3] =	ssyncset.done $0x0  }
0x21: {  	s13 =	simm.s32 $0x7;
	[sflag:s3] =	ssyncadd.s32 $0xFFFFC000  }
0x22: {  	_ =	swait.ge [sflag:s13], $0x4000  }
0x23: {  	[sflag:s13] =	ssyncset.done $0x0  }
0x24: {  	[sflag:s13] =	ssyncadd.s32 $0xFFFFC000  }
0x25: {  	_ =	swait.ge [sflag:s15], $0x800  }
0x26: {  	[sflag:s15] =	ssyncset.done $0x0  }
0x27: {  	[sflag:s15] =	ssyncadd.s32 $0xFFFFF800  }
0x28: {  	[bflag:$0x0] =	sbarrier.arrive $0xFFFF  }
0x29: {  	s18 =	rddreg [dreg:$0x6]  }
0x2a: {  	s11 =	rddreg [dreg:$0xf]  }
0x2b: {  	s19 =	simm.s32 $0x9;
	s13 =	rddreg [dreg:$0x14];
	s3 =	sor.u32 $0x1C09, s18  }
0x2c: {  	[hbm:s11], [sflag:s3] =	dma.local [spmem:s13], $0x2780  }
0x2d: {  	_ =	swait.ge [sflag:s19], $0x2780  }
0x2e: {  	[sflag:s19] =	ssyncset.done $0x0;
	s22 =	rddreg [dreg:$0x10]  }
0x2f: {  	s18 =	rddreg [dreg:$0x13];
	[sflag:s19] =	ssyncadd.s32 $0xFFFFD880  }
0x30: {  	[hbm:s22], [sflag:s3] =	dma.local [spmem:s18], $0x4F0  }
0x31: {  	_ =	swait.ge [sflag:s19], $0x4F0  }
0x32: {  	s23 =	rddreg [dreg:$0x12]  }
0x33: {  	s24 =	rddreg [dreg:$0x11];
	s11 =	sadd.s32 $0x1, s23  }
0x34: {  	p0 =	sne.s32 s11, s24  }
.Ltmp1:
0x35: {  	_ = 	snop;
	(pc) =	sbr.rel @!p0 .LBB2_13-.Ltmp1, $3  }
0x36: {  	_ =	sdelay $0x1  }
0x37: {  	[sflag:s19] =	ssyncset.done $0x0  }
0x38: {  	[sflag:s19] =	ssyncadd.s32 $0xFFFFFB10  }
.LBB2_1:
0x39: {  	[dreg:$0x12] =	wrdreg s11  }
0x3a: {  	s3 =	rddreg [dreg:$0x5]  }
0x3b: {  	s23 =	rddreg [dreg:$0x7]  }
0x3c: {  	s24 =	rddreg [dreg:$0x8];
	s13 =	sshrl.u32 s3, $0x3  }
0x3d: {  	[dreg:$0x14] =	wrdreg s13  }
0x3e: {  	[spmem:s13], [sflag:s24] =	dma.local [hbm:s23], $0x2780  }
0x3f: {  	s3 =	rddreg [dreg:$0x9]  }
0x40: {  	s18 =	rddreg [dreg:$0xa];
	s3 =	sshrl.u32 s3, $0x3  }
0x41: {  	[dreg:$0x13] =	wrdreg s3  }
0x42: {  	[spmem:s3], [sflag:s24] =	dma.local [hbm:s18], $0x4F0  }
0x43: {  	s3 =	rddreg [dreg:$0xb]  }
0x44: {  	[tilespmem:s5], [sflag:$0x1] =	stream.linear.gather [hbm4b:s3+s5], $0x80, $0x38;
	[tilespmem:$0x1FD80] =	vst v63  }
0x45: {  	s19 =	rddreg [dreg:$0xc]  }
0x46: {  	[tilespmem:s25], [sflag:$0x1] =	stream.linear.gather [hbm4b:s19+s5], $0x80, $0x38;
	[tilespmem:$0x1FD80] =	vst v63  }
0x47: {  	_ =	swait.ge [sflag:s26], $0x80  }
0x48: {  	[sflag:s26] =	ssyncset.done $0x0  }
0x49: {  	[sflag:s26] =	ssyncadd.s32 $0xFFFFFF80  }
0x4a: {  	_ =	swait.ge [sflag:s26], $0x80  }
0x4b: {  	[sflag:s26] =	ssyncset.done $0x0  }
0x4c: {  	[sflag:s26] =	ssyncadd.s32 $0xFFFFFF80  }
0x4d: {  	[tilespmem:s28], [sflag:$0x2] =	stream.indirect.gather [hbm4b:s9+s25], $0x80, s5, s25, $0xb8;
	[tilespmem:$0x1FD80] =	vst v63  }
0x4e: {  	_ = 	snop  }
0x4f: {  	[tilespmem:s29], [sflag:$0x4] =	stream.indirect.gather [hbm4b:s7+s25], $0x10, s5, s25, $0xb8;
	[tilespmem:$0x1FD80] =	vst v63  }
0x50: {  	_ = 	snop  }
0x51: {  	[tilespmem:s30], [sflag:$0x4] =	stream.indirect.gather [hbm4b:s8+s25], $0x10, s25, s25, $0xb8;
	[tilespmem:$0x1FD80] =	vst v63  }
0x52: {  	s22 =	rddreg [dreg:$0xd]  }
0x53: {  	[tilespmem:s31], [sflag:$0x1] =	stream.linear.gather [hbm4b:s22+s5], $0x80, $0x38;
	[tilespmem:$0x1FD80] =	vst v63  }
0x54: {  	s24 =	simm.s32 $0x5;
	s23 =	rddreg [dreg:$0xe]  }
0x55: {  	[tilespmem:s0], [sflag:$0x1] =	stream.linear.gather [hbm4b:s23+s5], $0x80, $0x38;
	[tilespmem:$0x1FD80] =	vst v63  }
0x56: {  	_ =	swait.ge [sflag:s24], $0x2780  }
0x57: {  	[sflag:s24] =	ssyncset.done $0x0  }
0x58: {  	[sflag:s24] =	ssyncadd.s32 $0xFFFFD880  }
0x59: {  	_ =	swait.ge [sflag:s24], $0x4F0  }
0x5a: {  	[sflag:s24] =	ssyncset.done $0x0  }
0x5b: {  	[sflag:s24] =	ssyncadd.s32 $0xFFFFFB10  }
0x5c: {  	s18 =	simm.s32 $0x0;
	[bflag:$0x0] =	sbarrier.arrive $0xFFFF  }
.LBB2_2:
0x5d: {  	_ =	swait.ge [sflag:s26], $0x80  }
0x5e: {  	[sflag:s26] =	ssyncset.done $0x0  }
0x5f: {  	[sflag:s26] =	ssyncadd.s32 $0xFFFFFF80  }
0x60: {  	p0 =	seq.s32 s18, $0x0;
	_ =	swait.ge [sflag:s26], $0x80  }
0x61: {  	s3 =	simm.s32 @p0 $0x80;
	[sflag:s26] =	ssyncset.done $0x0  }
0x62: {  	s11 =	simm.s32 @p0 $0x100;
	s13 =	simm.s32 @p0 $0x4200;
	[sflag:s26] =	ssyncadd.s32 $0xFFFFFF80  }
0x63: {  	[tilespmem:s13], [sflag:$0x3] =	stream.indirect.gather @p0 [hbm4b:s9+s3], $0x80, s11, s3, $0xb8;
	[tilespmem:$0x1FD80] =	vst v63  }
0x64: {  	s3 =	simm.s32 @!p0 $0x7  }
0x65: {  	_ =	swait.ge @!p0 [sflag:s3], $0x4000  }
0x66: {  	s11 =	simm.s32 @!p0 $0x100;
	[sflag:s3] =	ssyncset.done @!p0 $0x0  }
0x67: {  	s13 =	simm.s32 @!p0 $0x4200;
	[sflag:s3] =	ssyncadd.s32 @!p0 $0xFFFFC000;
	s3 =	simm.s32 @!p0 $0x80  }
0x68: {  	[tilespmem:s13], [sflag:$0x3] =	stream.indirect.gather @!p0 [hbm4b:s9+s3], $0x80, s11, s3, $0xb8;
	[tilespmem:$0x1FD80] =	vst v63  }
0x69: {  	s3 =	simm.s32 @!p0 $0x4  }
0x6a: {  	_ =	swait.ge @!p0 [sflag:s3], $0x800  }
0x6b: {  	[sflag:s3] =	ssyncset.done @!p0 $0x0  }
0x6c: {  	[sflag:s3] =	ssyncadd.s32 @!p0 $0xFFFFF800  }
0x6d: {  	_ =	swait.ge [sflag:s10], $0x800  }
0x6e: {  	s3 =	simm.s32 @!p0 $0x8;
	[sflag:s10] =	ssyncset.done $0x0  }
0x6f: {  	s3 =	simm.s32 @p0 $0x4;
	[sflag:s10] =	ssyncadd.s32 $0xFFFFF800  }
0x70: {  	_ =	swait.ge [sflag:s3], $0x800  }
0x71: {  	[sflag:s3] =	ssyncset.done $0x0  }
0x72: {  	[sflag:s3] =	ssyncadd.s32 $0xFFFFF800;
	s3 =	simm.s32 $0x0  }
0x73: {  	v0 =	vld [tilespmem:s3+$0x8200]  }
0x74: {  	v1 =	vld [tilespmem:s3+$0x8A00];
	_ =	sdelay $0x4  }
0x75: {  	v0 =	vadd.f32 v1, v0;
	_ =	sdelay $0x1  }
0x76: {  	s11 =	simm.s32 $0x10;
	v1 =	vmul.f32 $2.000000030e-01, v0  }
0x77: {  	v2 =	vld [tilespmem:s11+$0x8200];
	vm0 =	vgt.f32 v0, $0.0e+00  }
0x78: {  	v3 =	vld [tilespmem:s11+$0x8A00];
	v0 =	vsel vm0, v0, v1  }
0x79: {  	s13 =	simm.s32 $0x20;
	v0 =	vmul.f32 $1.442695020e+00, v0  }
0x7a: {  	v1 =	vld [tilespmem:s13+$0x8200]  }
0x7b: {  	(erf) = vpow2.f32 v0;
	v0 =	vld [tilespmem:s13+$0x8A00];
	_ =	sdelay $0x1  }
0x7c: {  	v2 =	vadd.f32 v3, v2;
	_ =	sdelay $0x1  }
0x7d: {  	v3 =	vmul.f32 $2.000000030e-01, v2  }
0x7e: {  	vm14 =	vgt.f32 v2, $0.0e+00;
	v4 =	vadd.f32 v0, v1  }
0x7f: {  	v0 =	vsel vm14, v2, v3  }
0x80: {  	s22 =	simm.s32 $0x30;
	v1 =	vmul.f32 $1.442695020e+00, v0;
	v2 =	vmul.f32 $2.000000030e-01, v4  }
0x81: {  	v0 =	vld [tilespmem:s22+$0x8200]  }
0x82: {  	(erf) = vpow2.f32 v1;
	v1 =	vld [tilespmem:s22+$0x8A00]  }
0x83: {  	vm15 =	vgt.f32 v4, $0.0e+00  }
0x84: {  	s19 =	sshll.u32 s18, $0x1;
	s24 =	simm.s32 $0x100;
	v3 =	vsel vm15, v4, v2;
	v2 =	vpop (erf)  }
.LBB2_3:
0x85: {  	s23 =	sshra.s32 s24, $0x2  }
0x86: {  	v3 =	vmul.f32 $1.442695020e+00, v3;
	[tilespmem:s3+$0x9200] =	vst v2;
	s3 =	smov.u32 s11;
	s11 =	smov.u32 s13;
	p0 =	sne.s32 s24, $0x1FC0  }
.Ltmp2:
0x87: {  	s24 =	sadd.s32 $0x40, s24;
	v2 =	vadd.f32 v1, v0;
	v0 =	vld [tilespmem:s23+$0x8200];
	(pc) =	sbr.rel @p0 .LBB2_3-.Ltmp2, $4  }
0x88: {  	s13 =	smov.u32 s22;
	s22 =	smov.u32 s23;
	v1 =	vld [tilespmem:s23+$0x8A00];
	(erf) = vpow2.f32 v3  }
0x89: {  	v3 =	vmul.f32 $2.000000030e-01, v2  }
0x8a: {  	vm0 =	vgt.f32 v2, $0.0e+00  }
0x8b: {  	v3 =	vsel vm0, v2, v3;
	v2 =	vpop (erf)  }
0x8c: {  	_ = 	snop  }
0x8d: {  	v0 =	vadd.f32 v1, v0;
	_ =	sdelay $0x1  }
0x8e: {  	v1 =	vmul.f32 $2.000000030e-01, v0  }
0x8f: {  	vm0 =	vgt.f32 v0, $0.0e+00  }
0x90: {  	v3 =	vmul.f32 $1.442695020e+00, v3;
	v0 =	vsel vm0, v0, v1  }
0x91: {  	v0 =	vmul.f32 $1.442695020e+00, v0  }
0x92: {  	(erf) = vpow2.f32 v3  }
0x93: {  	(erf) = vpow2.f32 v0;
	_ =	sdelay $0x6  }
0x94: {  	[tilespmem:s3+$0x9200] =	vst v2;
	v0 =	vpop (erf)  }
0x95: {  	[tilespmem:s11+$0x9200] =	vst v0;
	v0 =	vpop (erf)  }
0x96: {  	[tilespmem:s13+$0x9200] =	vst v0;
	v0 =	vpop (erf)  }
0x97: {  	[tilespmem:s22+$0x9200] =	vst v0  }
0x98: {  	_ =	swait.ge [sflag:s12], $0x4000  }
0x99: {  	[sflag:s12] =	ssyncset.done $0x0  }
0x9a: {  	s3 =	simm.s32 $0x9210;
	[sflag:s12] =	ssyncadd.s32 $0xFFFFC000  }
0x9b: {  	v1 =	vld [tilespmem:s3+$0xFFFFFFF0]  }
0x9c: {  	s13 =	simm.s32 $0x280  }
0x9d: {  	v3 =	vld [tilespmem:s13+$0xFFFFFFC0]  }
0x9e: {  	v4 =	vld [tilespmem:s13+$0xFFFFFF90]  }
0x9f: {  	v7 =	vld [tilespmem:s13+$0xFFFFFFB0]  }
0xa0: {  	v0 =	vld [tilespmem:s13+$0xFFFFFFE0];
	v5 =	vbroadcast v1, $0x4  }
0xa1: {  	v6 =	vld [tilespmem:s13+$0xFFFFFFA0];
	v2 =	vbroadcast v1, $0x0  }
0xa2: {  	v9 =	vbroadcast v1, $0x1;
	v10 =	vmul.f32 v3, v5;
	v3 =	vld [tilespmem:s13+$0xFFFFFF80]  }
0xa3: {  	v8 =	vbroadcast v1, $0x2;
	v12 =	vbroadcast v1, $0x3;
	v5 =	vld [tilespmem:s13+$0xFFFFFFF0]  }
0xa4: {  	v11 =	vmul.f32 v4, v9;
	v4 =	vbroadcast v1, $0x5  }
0xa5: {  	s24 =	simm.s32 $0x0;
	s11 =	simm.s32 $0x280;
	s22 =	simm.s32 $0x9210;
	v9 =	vmul.f32 v7, v12;
	v7 =	vld [tilespmem:s13+$0xFFFFFFD0];
	[tilespmem:s13+$0xFFFFFFC0] =	vst v10;
	v10 =	vbroadcast v1, $0x6  }
.LBB2_5:
0xa6: {  	s24 =	sadd.s32 $0x2, s24;
	[tilespmem:s13+$0xFFFFFF90] =	vst v11;
	v6 =	vmul.f32 v6, v8;
	v1 =	vbroadcast v1, $0x7;
	s3 =	sadd.s32 $0x20, s3;
	s11 =	sadd.s32 $0x100, s11  }
0xa7: {  	p0 =	slt.u32 s24, $0x7E;
	v2 =	vmul.f32 v2, v3;
	[tilespmem:s13+$0xFFFFFFB0] =	vst v9;
	v0 =	vmul.f32 v0, v10  }
0xa8: {  	[tilespmem:s13+$0xFFFFFFA0] =	vst v6;
	v1 =	vmul.f32 v5, v1  }
0xa9: {  	[tilespmem:s13+$0xFFFFFFE0] =	vst v0  }
0xaa: {  	v0 =	vmul.f32 v7, v4;
	[tilespmem:s13+$0xFFFFFFF0] =	vst v1  }
0xab: {  	[tilespmem:s13+$0xFFFFFF80] =	vst v2  }
0xac: {  	[tilespmem:s13+$0xFFFFFFD0] =	vst v0;
	v0 =	vld [tilespmem:s13+$0x10]  }
0xad: {  	v1 =	vld [tilespmem:s22+$0x0];
	s22 =	smov.u32 s3  }
0xae: {  	v2 =	vld [tilespmem:s13+$0x70]  }
0xaf: {  	v3 =	vld [tilespmem:s13+$0x0]  }
0xb0: {  	v4 =	vld [tilespmem:s13+$0x20]  }
0xb1: {  	v5 =	vld [tilespmem:s13+$0x40]  }
0xb2: {  	v6 =	vbroadcast v1, $0x0;
	v7 =	vld [tilespmem:s13+$0x30];
	v8 =	vbroadcast v1, $0x7  }
0xb3: {  	v9 =	vbroadcast v1, $0x2;
	v11 =	vbroadcast v1, $0x6;
	v10 =	vld [tilespmem:s13+$0x60]  }
0xb4: {  	v3 =	vmul.f32 v6, v3;
	v6 =	vbroadcast v1, $0x4;
	v12 =	vld [tilespmem:s13+$0x50]  }
0xb5: {  	v4 =	vmul.f32 v4, v9;
	v9 =	vbroadcast v1, $0x3  }
0xb6: {  	[tilespmem:s13+$0x0] =	vst v3;
	v3 =	vbroadcast v1, $0x1;
	v5 =	vmul.f32 v5, v6  }
0xb7: {  	v1 =	vbroadcast v1, $0x5;
	[tilespmem:s13+$0x20] =	vst v4;
	v4 =	vmul.f32 v7, v9  }
0xb8: {  	v2 =	vmul.f32 v2, v8;
	[tilespmem:s13+$0x40] =	vst v5;
	v5 =	vmul.f32 v10, v11  }
0xb9: {  	v0 =	vmul.f32 v0, v3;
	[tilespmem:s13+$0x30] =	vst v4;
	v1 =	vmul.f32 v12, v1  }
0xba: {  	[tilespmem:s13+$0x70] =	vst v2  }
0xbb: {  	[tilespmem:s13+$0x10] =	vst v0  }
0xbc: {  	[tilespmem:s13+$0x60] =	vst v5  }
0xbd: {  	[tilespmem:s13+$0x50] =	vst v1;
	s13 =	smov.u32 s11  }
0xbe: {  	v1 =	vld [tilespmem:s3+$0xFFFFFFF0]  }
0xbf: {  	v0 =	vld [tilespmem:s11+$0xFFFFFFE0]  }
0xc0: {  	v4 =	vld [tilespmem:s11+$0xFFFFFFC0]  }
0xc1: {  	v7 =	vld [tilespmem:s11+$0xFFFFFF90]  }
0xc2: {  	v9 =	vld [tilespmem:s11+$0xFFFFFFB0]  }
.Ltmp3:
0xc3: {  	v2 =	vbroadcast v1, $0x0;
	v6 =	vld [tilespmem:s11+$0xFFFFFFA0];
	v5 =	vbroadcast v1, $0x4;
	(pc) =	sbr.rel @p0 .LBB2_5-.Ltmp3, $4  }
0xc4: {  	v10 =	vbroadcast v1, $0x1;
	v8 =	vbroadcast v1, $0x2;
	v3 =	vld [tilespmem:s11+$0xFFFFFF80]  }
0xc5: {  	v12 =	vbroadcast v1, $0x3;
	v13 =	vmul.f32 v4, v5;
	v5 =	vld [tilespmem:s11+$0xFFFFFFF0]  }
0xc6: {  	v4 =	vbroadcast v1, $0x5;
	v11 =	vmul.f32 v7, v10  }
0xc7: {  	v10 =	vbroadcast v1, $0x6;
	v9 =	vmul.f32 v9, v12;
	[tilespmem:s11+$0xFFFFFFC0] =	vst v13;
	v7 =	vld [tilespmem:s11+$0xFFFFFFD0]  }
0xc8: {  	[tilespmem:s13+$0xFFFFFF90] =	vst v11;
	v6 =	vmul.f32 v6, v8  }
0xc9: {  	v1 =	vbroadcast v1, $0x7;
	[tilespmem:s13+$0xFFFFFFB0] =	vst v9;
	v0 =	vmul.f32 v0, v10  }
0xca: {  	v2 =	vmul.f32 v2, v3;
	[tilespmem:s13+$0xFFFFFFA0] =	vst v6  }
0xcb: {  	v1 =	vmul.f32 v5, v1;
	[tilespmem:s13+$0xFFFFFFE0] =	vst v0  }
0xcc: {  	[tilespmem:s13+$0xFFFFFF80] =	vst v2;
	v0 =	vmul.f32 v7, v4  }
0xcd: {  	[tilespmem:s13+$0xFFFFFFF0] =	vst v1  }
0xce: {  	[tilespmem:s13+$0xFFFFFFD0] =	vst v0  }
0xcf: {  	v0 =	vld [tilespmem:s22+$0x0];
	_ =	sdelay $0x1  }
0xd0: {  	v1 =	vld [tilespmem:s13+$0x0]  }
0xd1: {  	v2 =	vld [tilespmem:s13+$0x20]  }
0xd2: {  	v3 =	vld [tilespmem:s13+$0x40]  }
0xd3: {  	v5 =	vld [tilespmem:s13+$0x30];
	v4 =	vbroadcast v0, $0x0  }
0xd4: {  	v57 =	vld [tilespmem:s13+$0x70];
	v58 =	vbroadcast v0, $0x2  }
0xd5: {  	v59 =	vld [tilespmem:s13+$0x10];
	v1 =	vmul.f32 v4, v1;
	v4 =	vbroadcast v0, $0x4  }
0xd6: {  	v60 =	vld [tilespmem:s13+$0x60];
	v61 =	vbroadcast v0, $0x3;
	v2 =	vmul.f32 v2, v58  }
0xd7: {  	v63 =	vld [tilespmem:s13+$0x50];
	v62 =	vbroadcast v0, $0x7;
	[tilespmem:s13+$0x0] =	vst v1;
	v1 =	vmul.f32 v3, v4  }
0xd8: {  	v3 =	vbroadcast v0, $0x1;
	[tilespmem:s13+$0x20] =	vst v2;
	v2 =	vmul.f32 v5, v61  }
0xd9: {  	v4 =	vbroadcast v0, $0x6;
	[tilespmem:s13+$0x40] =	vst v1;
	v1 =	vmul.f32 v57, v62  }
0xda: {  	v0 =	vbroadcast v0, $0x5;
	v3 =	vmul.f32 v59, v3;
	[tilespmem:s13+$0x30] =	vst v2  }
0xdb: {  	v2 =	vmul.f32 v60, v4;
	[tilespmem:s13+$0x70] =	vst v1  }
0xdc: {  	p0 =	sne.s32 s18, $0x27;
	v0 =	vmul.f32 v63, v0;
	[tilespmem:s13+$0x10] =	vst v3  }
0xdd: {  	s3 =	sadd.s32 @p0 s19, s20;
	[tilespmem:s13+$0x60] =	vst v2  }
0xde: {  	s3 =	sshll.u32 @p0 s3, $0x4;
	[tilespmem:s13+$0x50] =	vst v0  }
0xdf: {  	[spmem:s2] =	stream.indirect.scatter.add.f32 [tilespmem:s28], [sflag:$0x6], $0x80, s25, s25, $0xb8;
	[tilespmem:$0x1FD80] =	vst v63  }
0xe0: {  	s3 =	sand.u32 @p0 $0x1FFFFFE0, s3  }
0xe1: {  	[spmem:s4] =	stream.indirect.scatter.add.f32 [tilespmem:s14], [sflag:$0x8], $0x10, s25, s25, $0xb8;
	[tilespmem:$0x1FD80] =	vst v63  }
0xe2: {  	s11 =	sadd.s32 @p0 s6, s3;
	s13 =	simm.s32 @p0 $0x0  }
0xe3: {  	[tilespmem:s13], [sflag:$0x1] =	stream.linear.gather @p0 [hbm4b:s11+s13], $0x80, $0x38;
	[tilespmem:$0x1FD80] =	vst v63  }
0xe4: {  	s3 =	sadd.s32 @p0 s1, s3;
	s11 =	simm.s32 @p0 $0x80  }
0xe5: {  	[tilespmem:s11], [sflag:$0x1] =	stream.linear.gather @p0 [hbm4b:s3+s13], $0x80, $0x38;
	[tilespmem:$0x1FD80] =	vst v63  }
0xe6: {  	s22 =	simm.s32 @p0 $0x8200;
	s3 =	simm.s32 @p0 $0x100  }
0xe7: {  	[tilespmem:s22], [sflag:$0x4] =	stream.indirect.gather @p0 [hbm4b:s7+s11], $0x10, s3, s11, $0xb8;
	[tilespmem:$0x1FD80] =	vst v63  }
0xe8: {  	s3 =	simm.s32 @p0 $0x180;
	s22 =	simm.s32 @p0 $0x8A00  }
0xe9: {  	[tilespmem:s22], [sflag:$0x4] =	stream.indirect.gather @p0 [hbm4b:s8+s11], $0x10, s3, s11, $0xb8;
	[tilespmem:$0x1FD80] =	vst v63  }
0xea: {  	s3 =	simm.s32 @p0 $0x1  }
0xeb: {  	_ =	swait.ge @p0 [sflag:s3], $0x80  }
0xec: {  	[sflag:s3] =	ssyncset.done @p0 $0x0  }
0xed: {  	[sflag:s3] =	ssyncadd.s32 @p0 $0xFFFFFF80  }
0xee: {  	_ =	swait.ge @p0 [sflag:s3], $0x80  }
0xef: {  	[sflag:s3] =	ssyncset.done @p0 $0x0  }
0xf0: {  	[sflag:s3] =	ssyncadd.s32 @p0 $0xFFFFFF80;
	s3 =	simm.s32 @p0 $0x6  }
0xf1: {  	_ =	swait.ge @p0 [sflag:s3], $0x4000  }
0xf2: {  	[sflag:s3] =	ssyncset.done @p0 $0x0  }
0xf3: {  	[sflag:s3] =	ssyncadd.s32 @p0 $0xFFFFC000;
	s3 =	simm.s32 @p0 $0x200  }
0xf4: {  	[tilespmem:s3], [sflag:$0x2] =	stream.indirect.gather @p0 [hbm4b:s9+s11], $0x80, s13, s11, $0xb8;
	[tilespmem:$0x1FD80] =	vst v63  }
0xf5: {  	s3 =	simm.s32 @!p0 $0x80;
	s11 =	simm.s32 @!p0 $0x100;
	s13 =	simm.s32 @!p0 $0x8200  }
0xf6: {  	[tilespmem:s13], [sflag:$0x4] =	stream.indirect.gather @!p0 [hbm4b:s7+s3], $0x10, s11, s3, $0xb8;
	[tilespmem:$0x1FD80] =	vst v63  }
0xf7: {  	s11 =	simm.s32 @!p0 $0x180;
	s13 =	simm.s32 @!p0 $0x8A00  }
0xf8: {  	[tilespmem:s13], [sflag:$0x4] =	stream.indirect.gather @!p0 [hbm4b:s8+s3], $0x10, s11, s3, $0xb8;
	[tilespmem:$0x1FD80] =	vst v63  }
0xf9: {  	_ =	swait.ge [sflag:s10], $0x800  }
0xfa: {  	[sflag:s10] =	ssyncset.done $0x0  }
0xfb: {  	[sflag:s10] =	ssyncadd.s32 $0xFFFFF800  }
0xfc: {  	_ =	swait.ge [sflag:s10], $0x800  }
0xfd: {  	[sflag:s10] =	ssyncset.done $0x0  }
0xfe: {  	[sflag:s10] =	ssyncadd.s32 $0xFFFFF800  }
0xff: {  	_ =	swait.ge [sflag:s15], $0x800  }
0x100: {  	[sflag:s15] =	ssyncset.done $0x0  }
0x101: {  	s3 =	simm.s32 $0x0;
	[sflag:s15] =	ssyncadd.s32 $0xFFFFF800  }
0x102: {  	v0 =	vld [tilespmem:s3+$0x8200]  }
0x103: {  	v1 =	vld [tilespmem:s3+$0x8A00];
	_ =	sdelay $0x4  }
0x104: {  	s11 =	simm.s32 $0x10;
	v0 =	vadd.f32 v1, v0  }
0x105: {  	v2 =	vld [tilespmem:s11+$0x8200]  }
0x106: {  	v3 =	vld [tilespmem:s11+$0x8A00];
	v1 =	vmul.f32 $2.000000030e-01, v0  }
0x107: {  	vm0 =	vgt.f32 v0, $0.0e+00  }
0x108: {  	v0 =	vsel vm0, v0, v1  }
0x109: {  	s13 =	simm.s32 $0x20;
	v0 =	vmul.f32 $1.442695020e+00, v0  }
0x10a: {  	v4 =	vld [tilespmem:s13+$0x8A00]  }
0x10b: {  	v1 =	vld [tilespmem:s13+$0x8200];
	(erf) = vpow2.f32 v0;
	v0 =	vadd.f32 v3, v2;
	_ =	sdelay $0x1  }
0x10c: {  	v2 =	vmul.f32 $2.000000030e-01, v0  }
0x10d: {  	vm14 =	vgt.f32 v0, $0.0e+00  }
0x10e: {  	v0 =	vsel vm14, v0, v2  }
0x10f: {  	s22 =	simm.s32 $0x30;
	v3 =	vadd.f32 v4, v1;
	v2 =	vmul.f32 $1.442695020e+00, v0  }
0x110: {  	v1 =	vld [tilespmem:s22+$0x8A00]  }
0x111: {  	v4 =	vmul.f32 $2.000000030e-01, v3;
	v0 =	vld [tilespmem:s22+$0x8200];
	(erf) = vpow2.f32 v2  }
0x112: {  	vm15 =	vgt.f32 v3, $0.0e+00  }
0x113: {  	s24 =	simm.s32 $0x100;
	v3 =	vsel vm15, v3, v4;
	v2 =	vpop (erf)  }
.LBB2_7:
0x114: {  	s23 =	sshra.s32 s24, $0x2  }
0x115: {  	v3 =	vmul.f32 $1.442695020e+00, v3;
	[tilespmem:s3+$0x9200] =	vst v2;
	s3 =	smov.u32 s11;
	s11 =	smov.u32 s13;
	p0 =	sne.s32 s24, $0x1FC0  }
.Ltmp4:
0x116: {  	s24 =	sadd.s32 $0x40, s24;
	v2 =	vadd.f32 v1, v0;
	v0 =	vld [tilespmem:s23+$0x8200];
	(pc) =	sbr.rel @p0 .LBB2_7-.Ltmp4, $4  }
0x117: {  	s13 =	smov.u32 s22;
	s22 =	smov.u32 s23;
	v1 =	vld [tilespmem:s23+$0x8A00];
	(erf) = vpow2.f32 v3  }
0x118: {  	v3 =	vmul.f32 $2.000000030e-01, v2  }
0x119: {  	vm0 =	vgt.f32 v2, $0.0e+00  }
0x11a: {  	v3 =	vsel vm0, v2, v3;
	v2 =	vpop (erf)  }
0x11b: {  	_ = 	snop  }
0x11c: {  	v0 =	vadd.f32 v1, v0;
	_ =	sdelay $0x1  }
0x11d: {  	v1 =	vmul.f32 $2.000000030e-01, v0  }
0x11e: {  	vm0 =	vgt.f32 v0, $0.0e+00  }
0x11f: {  	v3 =	vmul.f32 $1.442695020e+00, v3;
	v0 =	vsel vm0, v0, v1  }
0x120: {  	v0 =	vmul.f32 $1.442695020e+00, v0  }
0x121: {  	(erf) = vpow2.f32 v3  }
0x122: {  	(erf) = vpow2.f32 v0;
	_ =	sdelay $0x6  }
0x123: {  	[tilespmem:s3+$0x9200] =	vst v2;
	v0 =	vpop (erf)  }
0x124: {  	[tilespmem:s11+$0x9200] =	vst v0;
	v0 =	vpop (erf)  }
0x125: {  	[tilespmem:s13+$0x9200] =	vst v0;
	v0 =	vpop (erf)  }
0x126: {  	[tilespmem:s22+$0x9200] =	vst v0  }
0x127: {  	_ =	swait.ge [sflag:s16], $0x4000  }
0x128: {  	[sflag:s16] =	ssyncset.done $0x0  }
0x129: {  	s3 =	simm.s32 $0x9210;
	[sflag:s16] =	ssyncadd.s32 $0xFFFFC000  }
0x12a: {  	v1 =	vld [tilespmem:s3+$0xFFFFFFF0]  }
0x12b: {  	s13 =	simm.s32 $0x4280  }
0x12c: {  	v3 =	vld [tilespmem:s13+$0xFFFFFFC0]  }
0x12d: {  	v4 =	vld [tilespmem:s13+$0xFFFFFF90]  }
0x12e: {  	v7 =	vld [tilespmem:s13+$0xFFFFFFB0]  }
0x12f: {  	v0 =	vld [tilespmem:s13+$0xFFFFFFE0];
	v5 =	vbroadcast v1, $0x4  }
0x130: {  	v6 =	vld [tilespmem:s13+$0xFFFFFFA0];
	v2 =	vbroadcast v1, $0x0  }
0x131: {  	v9 =	vbroadcast v1, $0x1;
	v10 =	vmul.f32 v3, v5;
	v3 =	vld [tilespmem:s13+$0xFFFFFF80]  }
0x132: {  	v8 =	vbroadcast v1, $0x2;
	v12 =	vbroadcast v1, $0x3;
	v5 =	vld [tilespmem:s13+$0xFFFFFFF0]  }
0x133: {  	v11 =	vmul.f32 v4, v9;
	v4 =	vbroadcast v1, $0x5  }
0x134: {  	s24 =	simm.s32 $0x0;
	s11 =	simm.s32 $0x4280;
	s22 =	simm.s32 $0x9210;
	v9 =	vmul.f32 v7, v12;
	v7 =	vld [tilespmem:s13+$0xFFFFFFD0];
	[tilespmem:s13+$0xFFFFFFC0] =	vst v10;
	v10 =	vbroadcast v1, $0x6  }
.LBB2_9:
0x135: {  	s24 =	sadd.s32 $0x2, s24;
	[tilespmem:s13+$0xFFFFFF90] =	vst v11;
	v6 =	vmul.f32 v6, v8;
	v1 =	vbroadcast v1, $0x7;
	s3 =	sadd.s32 $0x20, s3;
	s11 =	sadd.s32 $0x100, s11  }
0x136: {  	p0 =	slt.u32 s24, $0x7E;
	v2 =	vmul.f32 v2, v3;
	[tilespmem:s13+$0xFFFFFFB0] =	vst v9;
	v0 =	vmul.f32 v0, v10  }
0x137: {  	[tilespmem:s13+$0xFFFFFFA0] =	vst v6;
	v1 =	vmul.f32 v5, v1  }
0x138: {  	[tilespmem:s13+$0xFFFFFFE0] =	vst v0  }
0x139: {  	v0 =	vmul.f32 v7, v4;
	[tilespmem:s13+$0xFFFFFFF0] =	vst v1  }
0x13a: {  	[tilespmem:s13+$0xFFFFFF80] =	vst v2  }
0x13b: {  	[tilespmem:s13+$0xFFFFFFD0] =	vst v0;
	v0 =	vld [tilespmem:s13+$0x10]  }
0x13c: {  	v1 =	vld [tilespmem:s22+$0x0];
	s22 =	smov.u32 s3  }
0x13d: {  	v2 =	vld [tilespmem:s13+$0x70]  }
0x13e: {  	v3 =	vld [tilespmem:s13+$0x0]  }
0x13f: {  	v4 =	vld [tilespmem:s13+$0x20]  }
0x140: {  	v5 =	vld [tilespmem:s13+$0x40]  }
0x141: {  	v6 =	vbroadcast v1, $0x0;
	v7 =	vld [tilespmem:s13+$0x30];
	v8 =	vbroadcast v1, $0x7  }
0x142: {  	v9 =	vbroadcast v1, $0x2;
	v11 =	vbroadcast v1, $0x6;
	v10 =	vld [tilespmem:s13+$0x60]  }
0x143: {  	v3 =	vmul.f32 v6, v3;
	v6 =	vbroadcast v1, $0x4;
	v12 =	vld [tilespmem:s13+$0x50]  }
0x144: {  	v4 =	vmul.f32 v4, v9;
	v9 =	vbroadcast v1, $0x3  }
0x145: {  	[tilespmem:s13+$0x0] =	vst v3;
	v3 =	vbroadcast v1, $0x1;
	v5 =	vmul.f32 v5, v6  }
0x146: {  	v1 =	vbroadcast v1, $0x5;
	[tilespmem:s13+$0x20] =	vst v4;
	v4 =	vmul.f32 v7, v9  }
0x147: {  	v2 =	vmul.f32 v2, v8;
	[tilespmem:s13+$0x40] =	vst v5;
	v5 =	vmul.f32 v10, v11  }
0x148: {  	v0 =	vmul.f32 v0, v3;
	[tilespmem:s13+$0x30] =	vst v4;
	v1 =	vmul.f32 v12, v1  }
0x149: {  	[tilespmem:s13+$0x70] =	vst v2  }
0x14a: {  	[tilespmem:s13+$0x10] =	vst v0  }
0x14b: {  	[tilespmem:s13+$0x60] =	vst v5  }
0x14c: {  	[tilespmem:s13+$0x50] =	vst v1;
	s13 =	smov.u32 s11  }
0x14d: {  	v1 =	vld [tilespmem:s3+$0xFFFFFFF0]  }
0x14e: {  	v0 =	vld [tilespmem:s11+$0xFFFFFFE0]  }
0x14f: {  	v4 =	vld [tilespmem:s11+$0xFFFFFFC0]  }
0x150: {  	v7 =	vld [tilespmem:s11+$0xFFFFFF90]  }
0x151: {  	v9 =	vld [tilespmem:s11+$0xFFFFFFB0]  }
.Ltmp5:
0x152: {  	v2 =	vbroadcast v1, $0x0;
	v6 =	vld [tilespmem:s11+$0xFFFFFFA0];
	v5 =	vbroadcast v1, $0x4;
	(pc) =	sbr.rel @p0 .LBB2_9-.Ltmp5, $4  }
0x153: {  	v10 =	vbroadcast v1, $0x1;
	v8 =	vbroadcast v1, $0x2;
	v3 =	vld [tilespmem:s11+$0xFFFFFF80]  }
0x154: {  	v12 =	vbroadcast v1, $0x3;
	v13 =	vmul.f32 v4, v5;
	v5 =	vld [tilespmem:s11+$0xFFFFFFF0]  }
0x155: {  	v4 =	vbroadcast v1, $0x5;
	v11 =	vmul.f32 v7, v10  }
0x156: {  	v10 =	vbroadcast v1, $0x6;
	v9 =	vmul.f32 v9, v12;
	[tilespmem:s11+$0xFFFFFFC0] =	vst v13;
	v7 =	vld [tilespmem:s11+$0xFFFFFFD0]  }
0x157: {  	[tilespmem:s13+$0xFFFFFF90] =	vst v11;
	v6 =	vmul.f32 v6, v8  }
0x158: {  	v1 =	vbroadcast v1, $0x7;
	[tilespmem:s13+$0xFFFFFFB0] =	vst v9;
	v0 =	vmul.f32 v0, v10  }
0x159: {  	v2 =	vmul.f32 v2, v3;
	[tilespmem:s13+$0xFFFFFFA0] =	vst v6  }
0x15a: {  	v1 =	vmul.f32 v5, v1;
	[tilespmem:s13+$0xFFFFFFE0] =	vst v0  }
0x15b: {  	[tilespmem:s13+$0xFFFFFF80] =	vst v2;
	v44 =	vmul.f32 v7, v4  }
0x15c: {  	[tilespmem:s13+$0xFFFFFFF0] =	vst v1  }
0x15d: {  	[tilespmem:s13+$0xFFFFFFD0] =	vst v44  }
0x15e: {  	v0 =	vld [tilespmem:s22+$0x0];
	_ =	sdelay $0x1  }
0x15f: {  	v45 =	vld [tilespmem:s13+$0x0]  }
0x160: {  	v46 =	vld [tilespmem:s13+$0x20]  }
0x161: {  	v47 =	vld [tilespmem:s13+$0x40]  }
0x162: {  	v49 =	vld [tilespmem:s13+$0x30];
	v48 =	vbroadcast v0, $0x0  }
0x163: {  	v50 =	vld [tilespmem:s13+$0x70];
	v51 =	vbroadcast v0, $0x2  }
0x164: {  	v52 =	vld [tilespmem:s13+$0x10];
	v53 =	vbroadcast v0, $0x4;
	v1 =	vmul.f32 v48, v45  }
0x165: {  	v54 =	vld [tilespmem:s13+$0x60];
	v55 =	vbroadcast v0, $0x3;
	v2 =	vmul.f32 v46, v51  }
0x166: {  	v57 =	vld [tilespmem:s13+$0x50];
	v56 =	vbroadcast v0, $0x7;
	v58 =	vmul.f32 v47, v53;
	[tilespmem:s13+$0x0] =	vst v1  }
0x167: {  	v59 =	vbroadcast v0, $0x1;
	v60 =	vmul.f32 v49, v55;
	[tilespmem:s13+$0x20] =	vst v2  }
0x168: {  	v61 =	vbroadcast v0, $0x6;
	v62 =	vmul.f32 v50, v56;
	[tilespmem:s13+$0x40] =	vst v58  }
0x169: {  	v0 =	vbroadcast v0, $0x5;
	v3 =	vmul.f32 v52, v59;
	[tilespmem:s13+$0x30] =	vst v60  }
0x16a: {  	v63 =	vmul.f32 v54, v61;
	[tilespmem:s13+$0x70] =	vst v62  }
0x16b: {  	p0 =	seq.s32 s18, $0x27;
	v0 =	vmul.f32 v57, v0;
	[tilespmem:s13+$0x10] =	vst v3  }
.Ltmp6:
0x16c: {  	[tilespmem:s13+$0x60] =	vst v63;
	(pc) =	sbr.rel @p0 .LBB2_12-.Ltmp6, $4  }
0x16d: {  	[tilespmem:s13+$0x50] =	vst v0  }
0x16e: {  	[spmem:s2] =	stream.indirect.scatter.add.f32 [tilespmem:s17], [sflag:$0x7], $0x80, s0, s25, $0xb8;
	[tilespmem:$0x1FD80] =	vst v63  }
0x16f: {  	_ = 	snop  }
0x170: {  	[spmem:s4] =	stream.indirect.scatter.add.f32 [tilespmem:s14], [sflag:$0x8], $0x10, s0, s25, $0xb8;
	[tilespmem:$0x1FD80] =	vst v63  }
0x171: {  	s3 =	sadd.s32 s19, s21  }
0x172: {  	s3 =	sshll.u32 s3, $0x4  }
0x173: {  	s3 =	sand.u32 $0x1FFFFFF0, s3  }
0x174: {  	s11 =	sadd.s32 s6, s3  }
0x175: {  	[tilespmem:s31], [sflag:$0x1] =	stream.linear.gather [hbm4b:s11+s5], $0x80, $0x38;
	[tilespmem:$0x1FD80] =	vst v63  }
0x176: {  	s3 =	sadd.s32 s1, s3  }
0x177: {  	[tilespmem:s0], [sflag:$0x1] =	stream.linear.gather [hbm4b:s3+s5], $0x80, $0x38;
	[tilespmem:$0x1FD80] =	vst v63  }
.Ltmp7:
0x178: {  	_ = 	snop;
	(pc) =	sbr.rel .LBB2_2-.Ltmp7, $4  }
0x179: {  	_ = 	snop  }
0x17a: {  	[tilespmem:s29], [sflag:$0x4] =	stream.indirect.gather [hbm4b:s7+s25], $0x10, s5, s25, $0xb8;
	[tilespmem:$0x1FD80] =	vst v63  }
0x17b: {  	s18 =	sadd.s32 $0x1, s18  }
0x17c: {  	[tilespmem:s30], [sflag:$0x4] =	stream.indirect.gather [hbm4b:s8+s25], $0x10, s25, s25, $0xb8;
	[tilespmem:$0x1FD80] =	vst v63  }
.LBB2_13:
0x17d: {  	_ =	sfence.sel $0x180000  }
0x17e: {  	[bflag:$0x0] =	sbarrier.arrive $0xFFFF  }
0x17f: {  	_ =	strace $0x9000004A  }
0x180: {  	s0 =	stileid.u32;
	[bflag:$0x2] =	sbarrier.arrive $0xFFFF  }
0x181: {  	p0 =	sne.s32 s0, $0x0;
	s0 =	rddreg [dreg:$0x4]  }
0x182: {  	s0 =	sadd.s32 @!p0 $0x100000, s0  }
0x183: {  	[sflag:s0] =	ssyncadd.tile.s32 @!p0 $0x1;
	_ =	shalt  }
.Lfunc_end2:
_tile_overlayer_lowered:
.L_overlay_start_2:
0x184: {  	(tag) =	ssettag $0x2  }
0x185: {  	s0 =	rddreg [dreg:$0x0];
	s2 =	stileid.u32  }
0x186: {  	s1 =	rddreg [dreg:$0x1];
	p0 =	sne.s32 s2, $0x0  }
0x187: {  	s3 =	rddreg [dreg:$0x2];
	[bflag:$0x3] =	sbarrier.arrive $0xFFFF;
	s2 =	simm.s32 @!p0 $0x1C09  }
0x188: {  	[timem:s3], [sflag:s2] =	dma.local @!p0 [hbm:s0], s1  }
0x189: {  	s0 =	simm.s32 @!p0 $0x9  }
0x18a: {  	_ =	swait.ge @!p0 [sflag:s0], s1  }
0x18b: {  	s1 =	ssub.s32 @!p0 $0x0, s1;
	[sflag:s0] =	ssyncset.done @!p0 $0x0  }
0x18c: {  	[sflag:s0] =	ssyncadd.s32 @!p0 s1  }
0x18d: {  	[bflag:$0x3] =	sbarrier.arrive $0xFFFF  }
0x18e: {  	_ =	shalt  }

// kernel: kernel.7.cloned.1.call-start
scs
__scs_entry_jumppad:
0x0: {  	(pc) =	sbr.rel $0x88, $3  }
0x1: {  	(tag) =	ssettag $0x0;
	lr =	simm.s32 $0x1  }
0x2: {  	[smem:$0x3F95] =	sst lr;
	_ =	strace $0xD0000000  }
0x3: {  	_ = 	snop  }
0x4: {  	_ = 	snop  }
0x5: {  	_ = 	snop  }
0x6: {  	_ = 	snop  }
0x7: {  	_ = 	snop  }
__scs_overlays_trampoline_lowered:
0x8: {  	[smem:$0x3FA4] =	sst s0  }
0x9: {  	[smem:$0x3FA5] =	sst s1  }
0xa: {  	[smem:$0x3FA6] =	sst s2  }
0xb: {  	[smem:$0x3FA7] =	sst s3  }
0xc: {  	[smem:$0x3FA8] =	sst s4  }
0xd: {  	[smem:$0x3FA9] =	sst s5  }
0xe: {  	[smem:$0x3FAA] =	sst s6  }
0xf: {  	[smem:$0x3FAB] =	sst s7  }
0x10: {  	[smem:$0x3FAC] =	sst s8  }
0x11: {  	[smem:$0x3FAD] =	sst s9;
	s0 =	simm.s32 @!p0 $0x0  }
0x12: {  	s1 =	sld [smem:$0x3F93];
	s0 =	simm.s32 @p0 $0x1  }
0x13: {  	[smem:$0x3FAE] =	sst s0;
	s0 =	simm.s32 @!p1 $0x0  }
0x14: {  	s2 =	sld [smem:$0x3F92];
	s0 =	simm.s32 @p1 $0x1  }
0x15: {  	[smem:$0x3FAF] =	sst s0;
	s0 =	simm.s32 @!p2 $0x0  }
0x16: {  	s3 =	sld [smem:$0x3FDB];
	s0 =	simm.s32 @p2 $0x1  }
0x17: {  	s4 =	simm.s32 $0x1BF5;
	[smem:$0x3FB1] =	sst s0  }
0x18: {  	s0 =	sld [smem:$0x3F94];
	_ =	swait.ge [sflag:s4], $0x0  }
0x19: {  	s7 =	sld [smem:$0x3F95]  }
0x1a: {  	s8 =	sadd.s32 $0xFFFFE003, lr  }
0x1b: {  	s9 =	sadd.s32 $0xFFFFFEF7, lr;
	s5 =	simm.s32 $0xFFFFFFFF;
	p2 =	slt.u32 s8, $0xFFFFF086  }
0x1c: {  	p1 =	slt.u32 s9, $0xF7A;
	s5 =	simm.s32 @!p2 $0x0  }
0x1d: {  	s5 =	simm.s32 @p1 $0x1;
	p0 =	seq.s32 s7, s2  }
0x1e: {  	s7 =	smul.u32 @!p0 $0xF7A, s2;
	p2 =	seq.s32 @!p0 s5, $0x0  }
0x1f: {  	s9 =	smul.u32 $0xF7A, s1;
	s8 =	simm.s32 @!p0 $0x1BF5;
	p2 =	por !p2, p0  }
0x20: {  	[sflag:s8] =	ssyncset.s32 @!p0 $0xFFFFF086;
	s6 =	sadd.s32 @!p0 s3, s7;
	s7 =	simm.s32 @!p0 $0x108  }
0x21: {  	s3 =	sadd.s32 s3, s9;
	s6 =	sadd.s32 @!p0 $0x88, s6;
	s7 =	simm.s32 @p2 $0x1082  }
0x22: {  	[simem:s7], [sflag:s8] =	dma.local @!p0 [hbm:s6], $0xF7A  }
0x23: {  	s9 =	sor.u32 $0xD0000000, s2;
	s6 =	simm.s32 $0x108;
	_ =	swait.ge @!p0 [sflag:s8], $0x0  }
0x24: {  	s3 =	sadd.s32 $0x88, s3;
	s6 =	simm.s32 @!p1 $0x1082;
	[sflag:s4] =	ssyncset.s32 $0xFFFFF086  }
0x25: {  	[simem:s6], [sflag:s4] =	dma.local [hbm:s3], $0xF7A  }
0x26: {  	[smem:$0x3F95] =	sst s1;
	(tag) =	ssettag s2;
	_ =	strace s9  }
0x27: {  	s1 =	sld [smem:$0x3FA5]  }
0x28: {  	s2 =	sld [smem:$0x3FA6]  }
0x29: {  	s4 =	sld [smem:$0x3FA8]  }
0x2a: {  	p0 =	seq.s32 s5, $0x0;
	s5 =	sld [smem:$0x3FA9]  }
0x2b: {  	s6 =	sld [smem:$0x3FAA]  }
0x2c: {  	s7 =	sld [smem:$0x3FAB]  }
0x2d: {  	s3 =	simm.s32 $0x108;
	s8 =	sld [smem:$0x3FAC]  }
0x2e: {  	s3 =	simm.s32 @!p0 $0x1082;
	s9 =	sld [smem:$0x3FAD]  }
0x2f: {  	lr =	sadd.s32 s0, s3;
	s0 =	sld [smem:$0x3FA4]  }
0x30: {  	s3 =	sld [smem:$0x3FA7]  }
0x31: {  	[smem:$0x3FB0] =	sst s10  }
0x32: {  	s10 =	sld [smem:$0x3FAE];
	_ =	sdelay $0x3  }
0x33: {  	p0 =	seq.s32 s10, $0x1;
	s10 =	sld [smem:$0x3FB0];
	_ =	sdelay $0x3  }
0x34: {  	[smem:$0x3FB0] =	sst s10  }
0x35: {  	s10 =	sld [smem:$0x3FAF];
	_ =	sdelay $0x3  }
0x36: {  	p1 =	seq.s32 s10, $0x1;
	s10 =	sld [smem:$0x3FB0];
	_ =	sdelay $0x3  }
0x37: {  	[smem:$0x3FB0] =	sst s10  }
0x38: {  	s10 =	sld [smem:$0x3FB1]  }
0x39: {  	_ = 	snop;
	(pc) =	sbr.ind lr, $3  }
0x3a: {  	_ = 	snop  }
0x3b: {  	_ = 	snop  }
0x3c: {  	p2 =	seq.s32 s10, $0x1;
	s10 =	sld [smem:$0x3FB0]  }
0x3d: {  	_ =	shalt  }
0x3e: {  	_ =	shalt  }
0x3f: {  	_ =	shalt  }
0x40: {  	_ =	shalt  }
0x41: {  	_ =	shalt  }
0x42: {  	_ =	shalt  }
0x43: {  	_ =	shalt  }
0x44: {  	_ =	shalt  }
0x45: {  	_ =	shalt  }
0x46: {  	_ =	shalt  }
0x47: {  	_ =	shalt  }
0x48: {  	_ =	shalt  }
0x49: {  	_ =	shalt  }
0x4a: {  	_ =	shalt  }
0x4b: {  	_ =	shalt  }
0x4c: {  	_ =	shalt  }
0x4d: {  	_ =	shalt  }
0x4e: {  	_ =	shalt  }
0x4f: {  	_ =	shalt  }
0x50: {  	_ =	shalt  }
0x51: {  	_ =	shalt  }
0x52: {  	_ =	shalt  }
0x53: {  	_ =	shalt  }
0x54: {  	_ =	shalt  }
0x55: {  	_ =	shalt  }
0x56: {  	_ =	shalt  }
0x57: {  	_ =	shalt  }
0x58: {  	_ =	shalt  }
0x59: {  	_ =	shalt  }
0x5a: {  	_ =	shalt  }
0x5b: {  	_ =	shalt  }
0x5c: {  	_ =	shalt  }
0x5d: {  	_ =	shalt  }
0x5e: {  	_ =	shalt  }
0x5f: {  	_ =	shalt  }
0x60: {  	_ =	shalt  }
0x61: {  	_ =	shalt  }
0x62: {  	_ =	shalt  }
0x63: {  	_ =	shalt  }
0x64: {  	_ =	shalt  }
0x65: {  	_ =	shalt  }
0x66: {  	_ =	shalt  }
0x67: {  	_ =	shalt  }
0x68: {  	_ =	shalt  }
0x69: {  	_ =	shalt  }
0x6a: {  	_ =	shalt  }
0x6b: {  	_ =	shalt  }
0x6c: {  	_ =	shalt  }
0x6d: {  	_ =	shalt  }
0x6e: {  	_ =	shalt  }
0x6f: {  	_ =	shalt  }
0x70: {  	_ =	shalt  }
0x71: {  	_ =	shalt  }
0x72: {  	_ =	shalt  }
0x73: {  	_ =	shalt  }
0x74: {  	_ =	shalt  }
0x75: {  	_ =	shalt  }
0x76: {  	_ =	shalt  }
0x77: {  	_ =	shalt  }
0x78: {  	_ =	shalt  }
0x79: {  	_ =	shalt  }
0x7a: {  	_ =	shalt  }
0x7b: {  	_ =	shalt  }
0x7c: {  	_ =	shalt  }
0x7d: {  	_ =	shalt  }
0x7e: {  	_ =	shalt  }
0x7f: {  	_ =	shalt  }
0x80: {  	_ =	shalt  }
0x81: {  	_ =	shalt  }
0x82: {  	_ =	shalt  }
0x83: {  	_ =	shalt  }
0x84: {  	_ =	shalt  }
0x85: {  	_ =	shalt  }
0x86: {  	_ =	shalt  }
0x87: {  	_ =	shalt  }
.Lfunc_end0:
.L_simem_size_0:
called_computation_lowered:
.L_overlay_start_0:
0x88: {  	s2 =	sld [smem:$0x3FD9]  }
0x89: {  	s3 =	sld [smem:$0x3FFE];
	_ =	sdelay $0x1  }
0x8a: {  	s1 =	srdreg.scid  }
0x8b: {  	s0 =	sand.u32 $0x1, s1  }
0x8c: {  	s17 =	sshll.u32 s0, $0xA;
	s2 =	sadd.s32 s3, s2  }
0x8d: {  	s2 =	sadd.s32 s2, s17  }
0x8e: {  	[smem:$0x3FBC] =	sst s2  }
0x8f: {  	_ = 	snop  }
0x90: {  	s2 =	sld [smem:$0x3FD0];
	(tm) =	ssettm $0x1  }
0x91: {  	s18 =	sld [smem:$0x3FFB];
	_ =	sdelay $0x3  }
0x92: {  	_ =	strace s18  }
0x93: {  	s3 =	sld [smem:$0x3FFC];
	_ =	sdelay $0x3  }
0x94: {  	_ =	strace s3  }
0x95: {  	s3 =	sld [smem:$0x3FFD];
	_ =	sdelay $0x3  }
0x96: {  	_ =	strace s3  }
0x97: {  	_ =	strace $0x8FFFFFFF  }
0x98: {  	s19 =	sld [smem:$0x3FDB];
	_ =	sdelay $0x1  }
0x99: {  	s4 =	simm.s32 $_scs_section_size  }
0x9a: {  	s5 =	simm.s32 $_size__tile_overlayer_lowered;
	s6 =	simm.s32 $_tile_overlayer_lowered  }
0x9b: {  	s22 =	simm.s32 $0x1BFF;
	s21 =	sshll.u32 s6, $0x1;
	s3 =	sadd.s32 s4, s19  }
0x9c: {  	s7 =	simm.s32 $0x0;
	s20 =	sshll.u32 s5, $0x1;
	s5 =	sadd.s32 s21, s3  }
0x9d: {  	[timem:s7], [sflag:s22] =	dma.local [hbm:s5], s20  }
0x9e: {  	_ =	swait.ge [sflag:s22], s20  }
0x9f: {  	s4 =	ssub.s32 $0x0, s20;
	[sflag:s22] =	ssyncset.done $0x0  }
0xa0: {  	[sflag:s22] =	ssyncadd.s32 s4;
	_ =	sdelay $0x1  }
0xa1: {  	s23 =	simm.s32 $0x1B8B  }
0xa2: {  	_ =	swait.ge [sflag:s23], $0x1  }
0xa3: {  	[sflag:s23] =	ssyncset.done $0x0  }
0xa4: {  	s25 =	simm.s32 $0x1B8E;
	s24 =	sld [smem:$0x3FFE];
	[sflag:s23] =	ssyncadd.s32 $0xFFFFFFFF  }
0xa5: {  	s26 =	simm.s32 $execute0_lowered;
	[smem:$0x3FD2] =	sst s25  }
0xa6: {  	s5 =	sshll.u32 s26, $0x1;
	_ =	strace $0x80000046;
	[dreg:$0x1] =	wrdreg $0xFFFFFFFF  }
0xa7: {  	s28 =	simm.s32 $_size_execute0_lowered;
	s3 =	sadd.s32 s3, s5;
	[dreg:$0x0] =	wrdreg $0x0  }
0xa8: {  	s5 =	sshll.u32 s28, $0x1;
	[dreg:$0x2] =	wrdreg s3  }
0xa9: {  	[dreg:$0x3] =	wrdreg s5  }
0xaa: {  	[dreg:$0x4] =	wrdreg $0xC0  }
0xab: {  	_ =	task [dreg:s7], $0x5FFFF  }
0xac: {  	[dreg:$0x1] =	wrdreg $0xFFFFFFFF  }
0xad: {  	[dreg:$0x0] =	wrdreg $0x60  }
0xae: {  	[dreg:$0x2] =	wrdreg s24  }
0xaf: {  	[dreg:$0x3] =	wrdreg s2  }
0xb0: {  	[dreg:$0x4] =	wrdreg $0x9A000  }
0xb1: {  	[dreg:$0x5] =	wrdreg $0x1D6000  }
0xb2: {  	[dreg:$0x6] =	wrdreg $0x9  }
0xb3: {  	_ =	task.clear_ibuf [dreg:s7], $0x7FFFF;
	_ =	strace $0x90000046  }
0xb4: {  	s29 =	simm.s32 $0x9;
	_ =	strace $0x80000048  }
0xb5: {  	_ =	swait.ge [sflag:s29], $0x1  }
0xb6: {  	[sflag:s29] =	ssyncadd.s32 $0xFFFFFFFF  }
0xb7: {  	_ =	strace $0x90000048  }
0xb8: {  	_ =	sfence  }
0xb9: {  	s30 =	sld [smem:$0x0];
	_ =	sdelay $0x2  }
0xba: {  	s31 =	sshll.u32 s1, $0xD;
	s1 =	sshrl.u32 s1, $0x2  }
0xbb: {  	s3 =	sand.u32 $0x4000, s31;
	s1 =	sadd.s32 s1, s30  }
0xbc: {  	s0 =	sor.u32 s3, s0;
	s1 =	sshll.u32 s1, $0x11  }
0xbd: {  	s0 =	sor.u32 s1, s0  }
0xbe: {  	s0 =	sadd.s32 $0x8F2B, s0  }
0xbf: {  	[sflag:s0] =	ssyncadd.remote.s32 $0x1  }
0xc0: {  	_ =	sfence.sel $0xFFFF  }
0xc1: {  	[dreg:$0x0] =	wrdreg $0xFFFFFFFF;
	(pc) =	sbr.abs _section_cstart, $3  }
0xc2: {  	[dreg:$0x1] =	wrdreg $0xFFFFFFFF  }
0xc3: {  	_ =	task.clear_ibuf [dreg:s7], $0x2FFFF;
	_ =	strace $0x9FFFFFFF  }
0xc4: {  	(tm) =	ssettm $0x7FFFFFFF  }
0xc5: {  	_ =	shalt  }
tec
execute0_lowered:
.L_overlay_start_1:
0x0: {  	(tag) =	ssettag $0x1  }
0x1: {  	s0 =	rddreg [dreg:$0x0]  }
0x2: {  	s1 =	rddreg [dreg:$0x1]  }
0x3: {  	s2 =	rddreg [dreg:$0x2]  }
0x4: {  	s4 =	rddreg [dreg:$0x3]  }
0x5: {  	s5 =	simm.s32 $0x0;
	s19 =	stileid.u32;
	s6 =	srdreg.scid  }
0x6: {  	s28 =	simm.s32 $0x200;
	s29 =	simm.s32 $0x8200;
	s30 =	simm.s32 $0x8A00  }
0x7: {  	s31 =	simm.s32 $0x100;
	[smem:$0x7FF] =	sst s5;
	s3 =	smul.u32 $0x13C00, s19  }
0x8: {  	s10 =	smul.u32 $0x2780, s19;
	s11 =	sand.u32 $0x1, s6;
	s6 =	sadd.s32 $0x34200, s0  }
0x9: {  	s7 =	sadd.s32 $0x2F200, s0;
	s8 =	sadd.s32 $0x2A200, s0;
	s9 =	sadd.s32 $0x2A00, s0  }
0xa: {  	s18 =	sshll.u32 s19, $0x1;
	s25 =	sshll.u32 s19, $0x6;
	s12 =	smul.u32 $0x13C000, s11  }
0xb: {  	_ =	strace $0x80000047;
	s15 =	smul.u32 $0x27800, s11;
	s16 =	ssub.s32 $0x2, s11  }
0xc: {  	s11 =	sor.u32 s11, s18;
	[dreg:$0x6] =	wrdreg s25;
	s13 =	sshrl.u32 s3, $0x3  }
0xd: {  	s14 =	sshrl.u32 s10, $0x3;
	s17 =	sshrl.u32 s16, $0x1;
	s26 =	smul.u32 $0x500, s11  }
0xe: {  	s19 =	smul.u32 $0x50, s11;
	s11 =	simm.s32 $0x0;
	s12 =	sadd.s32 s3, s12  }
0xf: {  	s13 =	sadd.s32 s13, s0;
	s14 =	sadd.s32 s14, s0;
	s15 =	sadd.s32 s10, s15  }
0x10: {  	s3 =	sadd.s32 s3, s2;
	s10 =	sadd.s32 s10, s4;
	s12 =	sshrl.u32 s12, $0x3  }
0x11: {  	s15 =	sshrl.u32 s15, $0x3;
	[dreg:$0x5] =	wrdreg s3;
	s13 =	sadd.s32 $0x3E200, s13  }
0x12: {  	[dreg:$0x9] =	wrdreg s10;
	s18 =	sadd.s32 $0x65A00, s14;
	s21 =	sor.u32 $0x10, s26  }
0x13: {  	s22 =	sadd.s32 s6, s26;
	s3 =	sadd.s32 s1, s26;
	[dreg:$0x7] =	wrdreg s13  }
0x14: {  	s20 =	sor.u32 $0x2, s19;
	s10 =	simm.s32 $0x4;
	[dreg:$0xa] =	wrdreg s18  }
0x15: {  	s12 =	sadd.s32 s12, s0;
	s0 =	sadd.s32 s15, s0;
	[dreg:$0xb] =	wrdreg s22  }
0x16: {  	s15 =	ssub.s32 s16, s17;
	s17 =	sor.u32 $0x1C05, s25;
	[dreg:$0xc] =	wrdreg s3  }
0x17: {  	s14 =	simm.s32 $0x9200;
	s23 =	sadd.s32 s6, s21;
	[dreg:$0x8] =	wrdreg s17  }
0x18: {  	s24 =	sadd.s32 s1, s21;
	s21 =	sor.u32 $0x3, s19;
	[dreg:$0xd] =	wrdreg s23  }
.Ltmp0:
0x19: {  	[dreg:$0xe] =	wrdreg s24;
	s25 =	sadd.s32 $0x74800, s12;
	(pc) =	sbr.rel .LBB2_1-.Ltmp0, $4  }
0x1a: {  	s16 =	simm.s32 $0x3;
	s0 =	sadd.s32 $0x6AA00, s0;
	[dreg:$0xf] =	wrdreg s25  }
0x1b: {  	s26 =	smax.u32 s15, $0x1;
	s12 =	simm.s32 $0x2;
	[dreg:$0x10] =	wrdreg s0  }
0x1c: {  	s15 =	simm.s32 $0x8;
	s17 =	simm.s32 $0x4200;
	[dreg:$0x11] =	wrdreg s26  }
0x1d: {  	s25 =	simm.s32 $0x80;
	s26 =	simm.s32 $0x1;
	s0 =	simm.s32 $0x180  }
.LBB2_12:
0x1e: {  	s3 =	simm.s32 $0x6  }
0x1f: {  	_ =	swait.ge [sflag:s3], $0x4000  }
0x20: {  	[sflag:s3] =	ssyncset.done $0x0  }
0x21: {  	s13 =	simm.s32 $0x7;
	[sflag:s3] =	ssyncadd.s32 $0xFFFFC000  }
0x22: {  	_ =	swait.ge [sflag:s13], $0x4000  }
0x23: {  	[sflag:s13] =	ssyncset.done $0x0  }
0x24: {  	[sflag:s13] =	ssyncadd.s32 $0xFFFFC000  }
0x25: {  	_ =	swait.ge [sflag:s15], $0x800  }
0x26: {  	[sflag:s15] =	ssyncset.done $0x0  }
0x27: {  	[sflag:s15] =	ssyncadd.s32 $0xFFFFF800  }
0x28: {  	[bflag:$0x0] =	sbarrier.arrive $0xFFFF  }
0x29: {  	s18 =	rddreg [dreg:$0x6]  }
0x2a: {  	s11 =	rddreg [dreg:$0xf]  }
0x2b: {  	s19 =	simm.s32 $0x9;
	s13 =	rddreg [dreg:$0x14];
	s3 =	sor.u32 $0x1C09, s18  }
0x2c: {  	[hbm:s11], [sflag:s3] =	dma.local [spmem:s13], $0x2780  }
0x2d: {  	_ =	swait.ge [sflag:s19], $0x2780  }
0x2e: {  	[sflag:s19] =	ssyncset.done $0x0;
	s22 =	rddreg [dreg:$0x10]  }
0x2f: {  	s18 =	rddreg [dreg:$0x13];
	[sflag:s19] =	ssyncadd.s32 $0xFFFFD880  }
0x30: {  	[hbm:s22], [sflag:s3] =	dma.local [spmem:s18], $0x4F0  }
0x31: {  	_ =	swait.ge [sflag:s19], $0x4F0  }
0x32: {  	s23 =	rddreg [dreg:$0x12]  }
0x33: {  	s24 =	rddreg [dreg:$0x11];
	s11 =	sadd.s32 $0x1, s23  }
0x34: {  	p0 =	sne.s32 s11, s24  }
.Ltmp1:
0x35: {  	_ = 	snop;
	(pc) =	sbr.rel @!p0 .LBB2_13-.Ltmp1, $3  }
0x36: {  	_ =	sdelay $0x1  }
0x37: {  	[sflag:s19] =	ssyncset.done $0x0  }
0x38: {  	[sflag:s19] =	ssyncadd.s32 $0xFFFFFB10  }
.LBB2_1:
0x39: {  	[dreg:$0x12] =	wrdreg s11  }
0x3a: {  	s3 =	rddreg [dreg:$0x5]  }
0x3b: {  	s23 =	rddreg [dreg:$0x7]  }
0x3c: {  	s24 =	rddreg [dreg:$0x8];
	s13 =	sshrl.u32 s3, $0x3  }
0x3d: {  	[dreg:$0x14] =	wrdreg s13  }
0x3e: {  	[spmem:s13], [sflag:s24] =	dma.local [hbm:s23], $0x2780  }
0x3f: {  	s3 =	rddreg [dreg:$0x9]  }
0x40: {  	s18 =	rddreg [dreg:$0xa];
	s3 =	sshrl.u32 s3, $0x3  }
0x41: {  	[dreg:$0x13] =	wrdreg s3  }
0x42: {  	[spmem:s3], [sflag:s24] =	dma.local [hbm:s18], $0x4F0  }
0x43: {  	s3 =	rddreg [dreg:$0xb]  }
0x44: {  	[tilespmem:s5], [sflag:$0x1] =	stream.linear.gather [hbm4b:s3+s5], $0x80, $0x38;
	[tilespmem:$0x1FD80] =	vst v63  }
0x45: {  	s19 =	rddreg [dreg:$0xc]  }
0x46: {  	[tilespmem:s25], [sflag:$0x1] =	stream.linear.gather [hbm4b:s19+s5], $0x80, $0x38;
	[tilespmem:$0x1FD80] =	vst v63  }
0x47: {  	_ =	swait.ge [sflag:s26], $0x80  }
0x48: {  	[sflag:s26] =	ssyncset.done $0x0  }
0x49: {  	[sflag:s26] =	ssyncadd.s32 $0xFFFFFF80  }
0x4a: {  	_ =	swait.ge [sflag:s26], $0x80  }
0x4b: {  	[sflag:s26] =	ssyncset.done $0x0  }
0x4c: {  	[sflag:s26] =	ssyncadd.s32 $0xFFFFFF80  }
0x4d: {  	[tilespmem:s28], [sflag:$0x2] =	stream.indirect.gather [hbm4b:s9+s25], $0x80, s5, s25, $0xb8;
	[tilespmem:$0x1FD80] =	vst v63  }
0x4e: {  	_ = 	snop  }
0x4f: {  	[tilespmem:s29], [sflag:$0x4] =	stream.indirect.gather [hbm4b:s7+s25], $0x10, s5, s25, $0xb8;
	[tilespmem:$0x1FD80] =	vst v63  }
0x50: {  	_ = 	snop  }
0x51: {  	[tilespmem:s30], [sflag:$0x4] =	stream.indirect.gather [hbm4b:s8+s25], $0x10, s25, s25, $0xb8;
	[tilespmem:$0x1FD80] =	vst v63  }
0x52: {  	s22 =	rddreg [dreg:$0xd]  }
0x53: {  	[tilespmem:s31], [sflag:$0x1] =	stream.linear.gather [hbm4b:s22+s5], $0x80, $0x38;
	[tilespmem:$0x1FD80] =	vst v63  }
0x54: {  	s24 =	simm.s32 $0x5;
	s23 =	rddreg [dreg:$0xe]  }
0x55: {  	[tilespmem:s0], [sflag:$0x1] =	stream.linear.gather [hbm4b:s23+s5], $0x80, $0x38;
	[tilespmem:$0x1FD80] =	vst v63  }
0x56: {  	_ =	swait.ge [sflag:s24], $0x2780  }
0x57: {  	[sflag:s24] =	ssyncset.done $0x0  }
0x58: {  	[sflag:s24] =	ssyncadd.s32 $0xFFFFD880  }
0x59: {  	_ =	swait.ge [sflag:s24], $0x4F0  }
0x5a: {  	[sflag:s24] =	ssyncset.done $0x0  }
0x5b: {  	[sflag:s24] =	ssyncadd.s32 $0xFFFFFB10  }
0x5c: {  	s18 =	simm.s32 $0x0;
	[bflag:$0x0] =	sbarrier.arrive $0xFFFF  }
.LBB2_2:
0x5d: {  	_ =	swait.ge [sflag:s26], $0x80  }
0x5e: {  	[sflag:s26] =	ssyncset.done $0x0  }
0x5f: {  	[sflag:s26] =	ssyncadd.s32 $0xFFFFFF80  }
0x60: {  	p0 =	seq.s32 s18, $0x0;
	_ =	swait.ge [sflag:s26], $0x80  }
0x61: {  	s3 =	simm.s32 @p0 $0x80;
	[sflag:s26] =	ssyncset.done $0x0  }
0x62: {  	s11 =	simm.s32 @p0 $0x100;
	s13 =	simm.s32 @p0 $0x4200;
	[sflag:s26] =	ssyncadd.s32 $0xFFFFFF80  }
0x63: {  	[tilespmem:s13], [sflag:$0x3] =	stream.indirect.gather @p0 [hbm4b:s9+s3], $0x80, s11, s3, $0xb8;
	[tilespmem:$0x1FD80] =	vst v63  }
0x64: {  	s3 =	simm.s32 @!p0 $0x7  }
0x65: {  	_ =	swait.ge @!p0 [sflag:s3], $0x4000  }
0x66: {  	s11 =	simm.s32 @!p0 $0x100;
	[sflag:s3] =	ssyncset.done @!p0 $0x0  }
0x67: {  	s13 =	simm.s32 @!p0 $0x4200;
	[sflag:s3] =	ssyncadd.s32 @!p0 $0xFFFFC000;
	s3 =	simm.s32 @!p0 $0x80  }
0x68: {  	[tilespmem:s13], [sflag:$0x3] =	stream.indirect.gather @!p0 [hbm4b:s9+s3], $0x80, s11, s3, $0xb8;
	[tilespmem:$0x1FD80] =	vst v63  }
0x69: {  	s3 =	simm.s32 @!p0 $0x4  }
0x6a: {  	_ =	swait.ge @!p0 [sflag:s3], $0x800  }
0x6b: {  	[sflag:s3] =	ssyncset.done @!p0 $0x0  }
0x6c: {  	[sflag:s3] =	ssyncadd.s32 @!p0 $0xFFFFF800  }
0x6d: {  	_ =	swait.ge [sflag:s10], $0x800  }
0x6e: {  	s3 =	simm.s32 @!p0 $0x8;
	[sflag:s10] =	ssyncset.done $0x0  }
0x6f: {  	s3 =	simm.s32 @p0 $0x4;
	[sflag:s10] =	ssyncadd.s32 $0xFFFFF800  }
0x70: {  	_ =	swait.ge [sflag:s3], $0x800  }
0x71: {  	[sflag:s3] =	ssyncset.done $0x0  }
0x72: {  	[sflag:s3] =	ssyncadd.s32 $0xFFFFF800;
	s3 =	simm.s32 $0x0  }
0x73: {  	v0 =	vld [tilespmem:s3+$0x8200]  }
0x74: {  	v1 =	vld [tilespmem:s3+$0x8A00];
	_ =	sdelay $0x4  }
0x75: {  	v0 =	vadd.f32 v1, v0;
	_ =	sdelay $0x1  }
0x76: {  	s11 =	simm.s32 $0x10;
	v1 =	vmul.f32 $2.000000030e-01, v0  }
0x77: {  	v2 =	vld [tilespmem:s11+$0x8200];
	vm0 =	vgt.f32 v0, $0.0e+00  }
0x78: {  	v3 =	vld [tilespmem:s11+$0x8A00];
	v0 =	vsel vm0, v0, v1  }
0x79: {  	s13 =	simm.s32 $0x20;
	v0 =	vmul.f32 $1.442695020e+00, v0  }
0x7a: {  	v1 =	vld [tilespmem:s13+$0x8200]  }
0x7b: {  	(erf) = vpow2.f32 v0;
	v0 =	vld [tilespmem:s13+$0x8A00];
	_ =	sdelay $0x1  }
0x7c: {  	v2 =	vadd.f32 v3, v2;
	_ =	sdelay $0x1  }
0x7d: {  	v3 =	vmul.f32 $2.000000030e-01, v2  }
0x7e: {  	vm14 =	vgt.f32 v2, $0.0e+00;
	v4 =	vadd.f32 v0, v1  }
0x7f: {  	v0 =	vsel vm14, v2, v3  }
0x80: {  	s22 =	simm.s32 $0x30;
	v1 =	vmul.f32 $1.442695020e+00, v0;
	v2 =	vmul.f32 $2.000000030e-01, v4  }
0x81: {  	v0 =	vld [tilespmem:s22+$0x8200]  }
0x82: {  	(erf) = vpow2.f32 v1;
	v1 =	vld [tilespmem:s22+$0x8A00]  }
0x83: {  	vm15 =	vgt.f32 v4, $0.0e+00  }
0x84: {  	s19 =	sshll.u32 s18, $0x1;
	s24 =	simm.s32 $0x100;
	v3 =	vsel vm15, v4, v2;
	v2 =	vpop (erf)  }
.LBB2_3:
0x85: {  	s23 =	sshra.s32 s24, $0x2  }
0x86: {  	v3 =	vmul.f32 $1.442695020e+00, v3;
	[tilespmem:s3+$0x9200] =	vst v2;
	s3 =	smov.u32 s11;
	s11 =	smov.u32 s13;
	p0 =	sne.s32 s24, $0x1FC0  }
.Ltmp2:
0x87: {  	s24 =	sadd.s32 $0x40, s24;
	v2 =	vadd.f32 v1, v0;
	v0 =	vld [tilespmem:s23+$0x8200];
	(pc) =	sbr.rel @p0 .LBB2_3-.Ltmp2, $4  }
0x88: {  	s13 =	smov.u32 s22;
	s22 =	smov.u32 s23;
	v1 =	vld [tilespmem:s23+$0x8A00];
	(erf) = vpow2.f32 v3  }
0x89: {  	v3 =	vmul.f32 $2.000000030e-01, v2  }
0x8a: {  	vm0 =	vgt.f32 v2, $0.0e+00  }
0x8b: {  	v3 =	vsel vm0, v2, v3;
	v2 =	vpop (erf)  }
0x8c: {  	_ = 	snop  }
0x8d: {  	v0 =	vadd.f32 v1, v0;
	_ =	sdelay $0x1  }
0x8e: {  	v1 =	vmul.f32 $2.000000030e-01, v0  }
0x8f: {  	vm0 =	vgt.f32 v0, $0.0e+00  }
0x90: {  	v3 =	vmul.f32 $1.442695020e+00, v3;
	v0 =	vsel vm0, v0, v1  }
0x91: {  	v0 =	vmul.f32 $1.442695020e+00, v0  }
0x92: {  	(erf) = vpow2.f32 v3  }
0x93: {  	(erf) = vpow2.f32 v0;
	_ =	sdelay $0x6  }
0x94: {  	[tilespmem:s3+$0x9200] =	vst v2;
	v0 =	vpop (erf)  }
0x95: {  	[tilespmem:s11+$0x9200] =	vst v0;
	v0 =	vpop (erf)  }
0x96: {  	[tilespmem:s13+$0x9200] =	vst v0;
	v0 =	vpop (erf)  }
0x97: {  	[tilespmem:s22+$0x9200] =	vst v0  }
0x98: {  	_ =	swait.ge [sflag:s12], $0x4000  }
0x99: {  	[sflag:s12] =	ssyncset.done $0x0  }
0x9a: {  	s3 =	simm.s32 $0x9210;
	[sflag:s12] =	ssyncadd.s32 $0xFFFFC000  }
0x9b: {  	v1 =	vld [tilespmem:s3+$0xFFFFFFF0]  }
0x9c: {  	s13 =	simm.s32 $0x280  }
0x9d: {  	v3 =	vld [tilespmem:s13+$0xFFFFFFC0]  }
0x9e: {  	v4 =	vld [tilespmem:s13+$0xFFFFFF90]  }
0x9f: {  	v7 =	vld [tilespmem:s13+$0xFFFFFFB0]  }
0xa0: {  	v0 =	vld [tilespmem:s13+$0xFFFFFFE0];
	v5 =	vbroadcast v1, $0x4  }
0xa1: {  	v6 =	vld [tilespmem:s13+$0xFFFFFFA0];
	v2 =	vbroadcast v1, $0x0  }
0xa2: {  	v9 =	vbroadcast v1, $0x1;
	v10 =	vmul.f32 v3, v5;
	v3 =	vld [tilespmem:s13+$0xFFFFFF80]  }
0xa3: {  	v8 =	vbroadcast v1, $0x2;
	v12 =	vbroadcast v1, $0x3;
	v5 =	vld [tilespmem:s13+$0xFFFFFFF0]  }
0xa4: {  	v11 =	vmul.f32 v4, v9;
	v4 =	vbroadcast v1, $0x5  }
0xa5: {  	s24 =	simm.s32 $0x0;
	s11 =	simm.s32 $0x280;
	s22 =	simm.s32 $0x9210;
	v9 =	vmul.f32 v7, v12;
	v7 =	vld [tilespmem:s13+$0xFFFFFFD0];
	[tilespmem:s13+$0xFFFFFFC0] =	vst v10;
	v10 =	vbroadcast v1, $0x6  }
.LBB2_5:
0xa6: {  	s24 =	sadd.s32 $0x2, s24;
	[tilespmem:s13+$0xFFFFFF90] =	vst v11;
	v6 =	vmul.f32 v6, v8;
	v1 =	vbroadcast v1, $0x7;
	s3 =	sadd.s32 $0x20, s3;
	s11 =	sadd.s32 $0x100, s11  }
0xa7: {  	p0 =	slt.u32 s24, $0x7E;
	v2 =	vmul.f32 v2, v3;
	[tilespmem:s13+$0xFFFFFFB0] =	vst v9;
	v0 =	vmul.f32 v0, v10  }
0xa8: {  	[tilespmem:s13+$0xFFFFFFA0] =	vst v6;
	v1 =	vmul.f32 v5, v1  }
0xa9: {  	[tilespmem:s13+$0xFFFFFFE0] =	vst v0  }
0xaa: {  	v0 =	vmul.f32 v7, v4;
	[tilespmem:s13+$0xFFFFFFF0] =	vst v1  }
0xab: {  	[tilespmem:s13+$0xFFFFFF80] =	vst v2  }
0xac: {  	[tilespmem:s13+$0xFFFFFFD0] =	vst v0;
	v0 =	vld [tilespmem:s13+$0x10]  }
0xad: {  	v1 =	vld [tilespmem:s22+$0x0];
	s22 =	smov.u32 s3  }
0xae: {  	v2 =	vld [tilespmem:s13+$0x70]  }
0xaf: {  	v3 =	vld [tilespmem:s13+$0x0]  }
0xb0: {  	v4 =	vld [tilespmem:s13+$0x20]  }
0xb1: {  	v5 =	vld [tilespmem:s13+$0x40]  }
0xb2: {  	v6 =	vbroadcast v1, $0x0;
	v7 =	vld [tilespmem:s13+$0x30];
	v8 =	vbroadcast v1, $0x7  }
0xb3: {  	v9 =	vbroadcast v1, $0x2;
	v11 =	vbroadcast v1, $0x6;
	v10 =	vld [tilespmem:s13+$0x60]  }
0xb4: {  	v3 =	vmul.f32 v6, v3;
	v6 =	vbroadcast v1, $0x4;
	v12 =	vld [tilespmem:s13+$0x50]  }
0xb5: {  	v4 =	vmul.f32 v4, v9;
	v9 =	vbroadcast v1, $0x3  }
0xb6: {  	[tilespmem:s13+$0x0] =	vst v3;
	v3 =	vbroadcast v1, $0x1;
	v5 =	vmul.f32 v5, v6  }
0xb7: {  	v1 =	vbroadcast v1, $0x5;
	[tilespmem:s13+$0x20] =	vst v4;
	v4 =	vmul.f32 v7, v9  }
0xb8: {  	v2 =	vmul.f32 v2, v8;
	[tilespmem:s13+$0x40] =	vst v5;
	v5 =	vmul.f32 v10, v11  }
0xb9: {  	v0 =	vmul.f32 v0, v3;
	[tilespmem:s13+$0x30] =	vst v4;
	v1 =	vmul.f32 v12, v1  }
0xba: {  	[tilespmem:s13+$0x70] =	vst v2  }
0xbb: {  	[tilespmem:s13+$0x10] =	vst v0  }
0xbc: {  	[tilespmem:s13+$0x60] =	vst v5  }
0xbd: {  	[tilespmem:s13+$0x50] =	vst v1;
	s13 =	smov.u32 s11  }
0xbe: {  	v1 =	vld [tilespmem:s3+$0xFFFFFFF0]  }
0xbf: {  	v0 =	vld [tilespmem:s11+$0xFFFFFFE0]  }
0xc0: {  	v4 =	vld [tilespmem:s11+$0xFFFFFFC0]  }
0xc1: {  	v7 =	vld [tilespmem:s11+$0xFFFFFF90]  }
0xc2: {  	v9 =	vld [tilespmem:s11+$0xFFFFFFB0]  }
.Ltmp3:
0xc3: {  	v2 =	vbroadcast v1, $0x0;
	v6 =	vld [tilespmem:s11+$0xFFFFFFA0];
	v5 =	vbroadcast v1, $0x4;
	(pc) =	sbr.rel @p0 .LBB2_5-.Ltmp3, $4  }
0xc4: {  	v10 =	vbroadcast v1, $0x1;
	v8 =	vbroadcast v1, $0x2;
	v3 =	vld [tilespmem:s11+$0xFFFFFF80]  }
0xc5: {  	v12 =	vbroadcast v1, $0x3;
	v13 =	vmul.f32 v4, v5;
	v5 =	vld [tilespmem:s11+$0xFFFFFFF0]  }
0xc6: {  	v4 =	vbroadcast v1, $0x5;
	v11 =	vmul.f32 v7, v10  }
0xc7: {  	v10 =	vbroadcast v1, $0x6;
	v9 =	vmul.f32 v9, v12;
	[tilespmem:s11+$0xFFFFFFC0] =	vst v13;
	v7 =	vld [tilespmem:s11+$0xFFFFFFD0]  }
0xc8: {  	[tilespmem:s13+$0xFFFFFF90] =	vst v11;
	v6 =	vmul.f32 v6, v8  }
0xc9: {  	v1 =	vbroadcast v1, $0x7;
	[tilespmem:s13+$0xFFFFFFB0] =	vst v9;
	v0 =	vmul.f32 v0, v10  }
0xca: {  	v2 =	vmul.f32 v2, v3;
	[tilespmem:s13+$0xFFFFFFA0] =	vst v6  }
0xcb: {  	v1 =	vmul.f32 v5, v1;
	[tilespmem:s13+$0xFFFFFFE0] =	vst v0  }
0xcc: {  	[tilespmem:s13+$0xFFFFFF80] =	vst v2;
	v0 =	vmul.f32 v7, v4  }
0xcd: {  	[tilespmem:s13+$0xFFFFFFF0] =	vst v1  }
0xce: {  	[tilespmem:s13+$0xFFFFFFD0] =	vst v0  }
0xcf: {  	v0 =	vld [tilespmem:s22+$0x0];
	_ =	sdelay $0x1  }
0xd0: {  	v1 =	vld [tilespmem:s13+$0x0]  }
0xd1: {  	v2 =	vld [tilespmem:s13+$0x20]  }
0xd2: {  	v3 =	vld [tilespmem:s13+$0x40]  }
0xd3: {  	v5 =	vld [tilespmem:s13+$0x30];
	v4 =	vbroadcast v0, $0x0  }
0xd4: {  	v57 =	vld [tilespmem:s13+$0x70];
	v58 =	vbroadcast v0, $0x2  }
0xd5: {  	v59 =	vld [tilespmem:s13+$0x10];
	v1 =	vmul.f32 v4, v1;
	v4 =	vbroadcast v0, $0x4  }
0xd6: {  	v60 =	vld [tilespmem:s13+$0x60];
	v61 =	vbroadcast v0, $0x3;
	v2 =	vmul.f32 v2, v58  }
0xd7: {  	v63 =	vld [tilespmem:s13+$0x50];
	v62 =	vbroadcast v0, $0x7;
	[tilespmem:s13+$0x0] =	vst v1;
	v1 =	vmul.f32 v3, v4  }
0xd8: {  	v3 =	vbroadcast v0, $0x1;
	[tilespmem:s13+$0x20] =	vst v2;
	v2 =	vmul.f32 v5, v61  }
0xd9: {  	v4 =	vbroadcast v0, $0x6;
	[tilespmem:s13+$0x40] =	vst v1;
	v1 =	vmul.f32 v57, v62  }
0xda: {  	v0 =	vbroadcast v0, $0x5;
	v3 =	vmul.f32 v59, v3;
	[tilespmem:s13+$0x30] =	vst v2  }
0xdb: {  	v2 =	vmul.f32 v60, v4;
	[tilespmem:s13+$0x70] =	vst v1  }
0xdc: {  	p0 =	sne.s32 s18, $0x27;
	v0 =	vmul.f32 v63, v0;
	[tilespmem:s13+$0x10] =	vst v3  }
0xdd: {  	s3 =	sadd.s32 @p0 s19, s20;
	[tilespmem:s13+$0x60] =	vst v2  }
0xde: {  	s3 =	sshll.u32 @p0 s3, $0x4;
	[tilespmem:s13+$0x50] =	vst v0  }
0xdf: {  	[spmem:s2] =	stream.indirect.scatter.add.f32 [tilespmem:s28], [sflag:$0x6], $0x80, s25, s25, $0xb8;
	[tilespmem:$0x1FD80] =	vst v63  }
0xe0: {  	s3 =	sand.u32 @p0 $0x1FFFFFE0, s3  }
0xe1: {  	[spmem:s4] =	stream.indirect.scatter.add.f32 [tilespmem:s14], [sflag:$0x8], $0x10, s25, s25, $0xb8;
	[tilespmem:$0x1FD80] =	vst v63  }
0xe2: {  	s11 =	sadd.s32 @p0 s6, s3;
	s13 =	simm.s32 @p0 $0x0  }
0xe3: {  	[tilespmem:s13], [sflag:$0x1] =	stream.linear.gather @p0 [hbm4b:s11+s13], $0x80, $0x38;
	[tilespmem:$0x1FD80] =	vst v63  }
0xe4: {  	s3 =	sadd.s32 @p0 s1, s3;
	s11 =	simm.s32 @p0 $0x80  }
0xe5: {  	[tilespmem:s11], [sflag:$0x1] =	stream.linear.gather @p0 [hbm4b:s3+s13], $0x80, $0x38;
	[tilespmem:$0x1FD80] =	vst v63  }
0xe6: {  	s22 =	simm.s32 @p0 $0x8200;
	s3 =	simm.s32 @p0 $0x100  }
0xe7: {  	[tilespmem:s22], [sflag:$0x4] =	stream.indirect.gather @p0 [hbm4b:s7+s11], $0x10, s3, s11, $0xb8;
	[tilespmem:$0x1FD80] =	vst v63  }
0xe8: {  	s3 =	simm.s32 @p0 $0x180;
	s22 =	simm.s32 @p0 $0x8A00  }
0xe9: {  	[tilespmem:s22], [sflag:$0x4] =	stream.indirect.gather @p0 [hbm4b:s8+s11], $0x10, s3, s11, $0xb8;
	[tilespmem:$0x1FD80] =	vst v63  }
0xea: {  	s3 =	simm.s32 @p0 $0x1  }
0xeb: {  	_ =	swait.ge @p0 [sflag:s3], $0x80  }
0xec: {  	[sflag:s3] =	ssyncset.done @p0 $0x0  }
0xed: {  	[sflag:s3] =	ssyncadd.s32 @p0 $0xFFFFFF80  }
0xee: {  	_ =	swait.ge @p0 [sflag:s3], $0x80  }
0xef: {  	[sflag:s3] =	ssyncset.done @p0 $0x0  }
0xf0: {  	[sflag:s3] =	ssyncadd.s32 @p0 $0xFFFFFF80;
	s3 =	simm.s32 @p0 $0x6  }
0xf1: {  	_ =	swait.ge @p0 [sflag:s3], $0x4000  }
0xf2: {  	[sflag:s3] =	ssyncset.done @p0 $0x0  }
0xf3: {  	[sflag:s3] =	ssyncadd.s32 @p0 $0xFFFFC000;
	s3 =	simm.s32 @p0 $0x200  }
0xf4: {  	[tilespmem:s3], [sflag:$0x2] =	stream.indirect.gather @p0 [hbm4b:s9+s11], $0x80, s13, s11, $0xb8;
	[tilespmem:$0x1FD80] =	vst v63  }
0xf5: {  	s3 =	simm.s32 @!p0 $0x80;
	s11 =	simm.s32 @!p0 $0x100;
	s13 =	simm.s32 @!p0 $0x8200  }
0xf6: {  	[tilespmem:s13], [sflag:$0x4] =	stream.indirect.gather @!p0 [hbm4b:s7+s3], $0x10, s11, s3, $0xb8;
	[tilespmem:$0x1FD80] =	vst v63  }
0xf7: {  	s11 =	simm.s32 @!p0 $0x180;
	s13 =	simm.s32 @!p0 $0x8A00  }
0xf8: {  	[tilespmem:s13], [sflag:$0x4] =	stream.indirect.gather @!p0 [hbm4b:s8+s3], $0x10, s11, s3, $0xb8;
	[tilespmem:$0x1FD80] =	vst v63  }
0xf9: {  	_ =	swait.ge [sflag:s10], $0x800  }
0xfa: {  	[sflag:s10] =	ssyncset.done $0x0  }
0xfb: {  	[sflag:s10] =	ssyncadd.s32 $0xFFFFF800  }
0xfc: {  	_ =	swait.ge [sflag:s10], $0x800  }
0xfd: {  	[sflag:s10] =	ssyncset.done $0x0  }
0xfe: {  	[sflag:s10] =	ssyncadd.s32 $0xFFFFF800  }
0xff: {  	_ =	swait.ge [sflag:s15], $0x800  }
0x100: {  	[sflag:s15] =	ssyncset.done $0x0  }
0x101: {  	s3 =	simm.s32 $0x0;
	[sflag:s15] =	ssyncadd.s32 $0xFFFFF800  }
0x102: {  	v0 =	vld [tilespmem:s3+$0x8200]  }
0x103: {  	v1 =	vld [tilespmem:s3+$0x8A00];
	_ =	sdelay $0x4  }
0x104: {  	s11 =	simm.s32 $0x10;
	v0 =	vadd.f32 v1, v0  }
0x105: {  	v2 =	vld [tilespmem:s11+$0x8200]  }
0x106: {  	v3 =	vld [tilespmem:s11+$0x8A00];
	v1 =	vmul.f32 $2.000000030e-01, v0  }
0x107: {  	vm0 =	vgt.f32 v0, $0.0e+00  }
0x108: {  	v0 =	vsel vm0, v0, v1  }
0x109: {  	s13 =	simm.s32 $0x20;
	v0 =	vmul.f32 $1.442695020e+00, v0  }
0x10a: {  	v4 =	vld [tilespmem:s13+$0x8A00]  }
0x10b: {  	v1 =	vld [tilespmem:s13+$0x8200];
	(erf) = vpow2.f32 v0;
	v0 =	vadd.f32 v3, v2;
	_ =	sdelay $0x1  }
0x10c: {  	v2 =	vmul.f32 $2.000000030e-01, v0  }
0x10d: {  	vm14 =	vgt.f32 v0, $0.0e+00  }
0x10e: {  	v0 =	vsel vm14, v0, v2  }
0x10f: {  	s22 =	simm.s32 $0x30;
	v3 =	vadd.f32 v4, v1;
	v2 =	vmul.f32 $1.442695020e+00, v0  }
0x110: {  	v1 =	vld [tilespmem:s22+$0x8A00]  }
0x111: {  	v4 =	vmul.f32 $2.000000030e-01, v3;
	v0 =	vld [tilespmem:s22+$0x8200];
	(erf) = vpow2.f32 v2  }
0x112: {  	vm15 =	vgt.f32 v3, $0.0e+00  }
0x113: {  	s24 =	simm.s32 $0x100;
	v3 =	vsel vm15, v3, v4;
	v2 =	vpop (erf)  }
.LBB2_7:
0x114: {  	s23 =	sshra.s32 s24, $0x2  }
0x115: {  	v3 =	vmul.f32 $1.442695020e+00, v3;
	[tilespmem:s3+$0x9200] =	vst v2;
	s3 =	smov.u32 s11;
	s11 =	smov.u32 s13;
	p0 =	sne.s32 s24, $0x1FC0  }
.Ltmp4:
0x116: {  	s24 =	sadd.s32 $0x40, s24;
	v2 =	vadd.f32 v1, v0;
	v0 =	vld [tilespmem:s23+$0x8200];
	(pc) =	sbr.rel @p0 .LBB2_7-.Ltmp4, $4  }
0x117: {  	s13 =	smov.u32 s22;
	s22 =	smov.u32 s23;
	v1 =	vld [tilespmem:s23+$0x8A00];
	(erf) = vpow2.f32 v3  }
0x118: {  	v3 =	vmul.f32 $2.000000030e-01, v2  }
0x119: {  	vm0 =	vgt.f32 v2, $0.0e+00  }
0x11a: {  	v3 =	vsel vm0, v2, v3;
	v2 =	vpop (erf)  }
0x11b: {  	_ = 	snop  }
0x11c: {  	v0 =	vadd.f32 v1, v0;
	_ =	sdelay $0x1  }
0x11d: {  	v1 =	vmul.f32 $2.000000030e-01, v0  }
0x11e: {  	vm0 =	vgt.f32 v0, $0.0e+00  }
0x11f: {  	v3 =	vmul.f32 $1.442695020e+00, v3;
	v0 =	vsel vm0, v0, v1  }
0x120: {  	v0 =	vmul.f32 $1.442695020e+00, v0  }
0x121: {  	(erf) = vpow2.f32 v3  }
0x122: {  	(erf) = vpow2.f32 v0;
	_ =	sdelay $0x6  }
0x123: {  	[tilespmem:s3+$0x9200] =	vst v2;
	v0 =	vpop (erf)  }
0x124: {  	[tilespmem:s11+$0x9200] =	vst v0;
	v0 =	vpop (erf)  }
0x125: {  	[tilespmem:s13+$0x9200] =	vst v0;
	v0 =	vpop (erf)  }
0x126: {  	[tilespmem:s22+$0x9200] =	vst v0  }
0x127: {  	_ =	swait.ge [sflag:s16], $0x4000  }
0x128: {  	[sflag:s16] =	ssyncset.done $0x0  }
0x129: {  	s3 =	simm.s32 $0x9210;
	[sflag:s16] =	ssyncadd.s32 $0xFFFFC000  }
0x12a: {  	v1 =	vld [tilespmem:s3+$0xFFFFFFF0]  }
0x12b: {  	s13 =	simm.s32 $0x4280  }
0x12c: {  	v3 =	vld [tilespmem:s13+$0xFFFFFFC0]  }
0x12d: {  	v4 =	vld [tilespmem:s13+$0xFFFFFF90]  }
0x12e: {  	v7 =	vld [tilespmem:s13+$0xFFFFFFB0]  }
0x12f: {  	v0 =	vld [tilespmem:s13+$0xFFFFFFE0];
	v5 =	vbroadcast v1, $0x4  }
0x130: {  	v6 =	vld [tilespmem:s13+$0xFFFFFFA0];
	v2 =	vbroadcast v1, $0x0  }
0x131: {  	v9 =	vbroadcast v1, $0x1;
	v10 =	vmul.f32 v3, v5;
	v3 =	vld [tilespmem:s13+$0xFFFFFF80]  }
0x132: {  	v8 =	vbroadcast v1, $0x2;
	v12 =	vbroadcast v1, $0x3;
	v5 =	vld [tilespmem:s13+$0xFFFFFFF0]  }
0x133: {  	v11 =	vmul.f32 v4, v9;
	v4 =	vbroadcast v1, $0x5  }
0x134: {  	s24 =	simm.s32 $0x0;
	s11 =	simm.s32 $0x4280;
	s22 =	simm.s32 $0x9210;
	v9 =	vmul.f32 v7, v12;
	v7 =	vld [tilespmem:s13+$0xFFFFFFD0];
	[tilespmem:s13+$0xFFFFFFC0] =	vst v10;
	v10 =	vbroadcast v1, $0x6  }
.LBB2_9:
0x135: {  	s24 =	sadd.s32 $0x2, s24;
	[tilespmem:s13+$0xFFFFFF90] =	vst v11;
	v6 =	vmul.f32 v6, v8;
	v1 =	vbroadcast v1, $0x7;
	s3 =	sadd.s32 $0x20, s3;
	s11 =	sadd.s32 $0x100, s11  }
0x136: {  	p0 =	slt.u32 s24, $0x7E;
	v2 =	vmul.f32 v2, v3;
	[tilespmem:s13+$0xFFFFFFB0] =	vst v9;
	v0 =	vmul.f32 v0, v10  }
0x137: {  	[tilespmem:s13+$0xFFFFFFA0] =	vst v6;
	v1 =	vmul.f32 v5, v1  }
0x138: {  	[tilespmem:s13+$0xFFFFFFE0] =	vst v0  }
0x139: {  	v0 =	vmul.f32 v7, v4;
	[tilespmem:s13+$0xFFFFFFF0] =	vst v1  }
0x13a: {  	[tilespmem:s13+$0xFFFFFF80] =	vst v2  }
0x13b: {  	[tilespmem:s13+$0xFFFFFFD0] =	vst v0;
	v0 =	vld [tilespmem:s13+$0x10]  }
0x13c: {  	v1 =	vld [tilespmem:s22+$0x0];
	s22 =	smov.u32 s3  }
0x13d: {  	v2 =	vld [tilespmem:s13+$0x70]  }
0x13e: {  	v3 =	vld [tilespmem:s13+$0x0]  }
0x13f: {  	v4 =	vld [tilespmem:s13+$0x20]  }
0x140: {  	v5 =	vld [tilespmem:s13+$0x40]  }
0x141: {  	v6 =	vbroadcast v1, $0x0;
	v7 =	vld [tilespmem:s13+$0x30];
	v8 =	vbroadcast v1, $0x7  }
0x142: {  	v9 =	vbroadcast v1, $0x2;
	v11 =	vbroadcast v1, $0x6;
	v10 =	vld [tilespmem:s13+$0x60]  }
0x143: {  	v3 =	vmul.f32 v6, v3;
	v6 =	vbroadcast v1, $0x4;
	v12 =	vld [tilespmem:s13+$0x50]  }
0x144: {  	v4 =	vmul.f32 v4, v9;
	v9 =	vbroadcast v1, $0x3  }
0x145: {  	[tilespmem:s13+$0x0] =	vst v3;
	v3 =	vbroadcast v1, $0x1;
	v5 =	vmul.f32 v5, v6  }
0x146: {  	v1 =	vbroadcast v1, $0x5;
	[tilespmem:s13+$0x20] =	vst v4;
	v4 =	vmul.f32 v7, v9  }
0x147: {  	v2 =	vmul.f32 v2, v8;
	[tilespmem:s13+$0x40] =	vst v5;
	v5 =	vmul.f32 v10, v11  }
0x148: {  	v0 =	vmul.f32 v0, v3;
	[tilespmem:s13+$0x30] =	vst v4;
	v1 =	vmul.f32 v12, v1  }
0x149: {  	[tilespmem:s13+$0x70] =	vst v2  }
0x14a: {  	[tilespmem:s13+$0x10] =	vst v0  }
0x14b: {  	[tilespmem:s13+$0x60] =	vst v5  }
0x14c: {  	[tilespmem:s13+$0x50] =	vst v1;
	s13 =	smov.u32 s11  }
0x14d: {  	v1 =	vld [tilespmem:s3+$0xFFFFFFF0]  }
0x14e: {  	v0 =	vld [tilespmem:s11+$0xFFFFFFE0]  }
0x14f: {  	v4 =	vld [tilespmem:s11+$0xFFFFFFC0]  }
0x150: {  	v7 =	vld [tilespmem:s11+$0xFFFFFF90]  }
0x151: {  	v9 =	vld [tilespmem:s11+$0xFFFFFFB0]  }
.Ltmp5:
0x152: {  	v2 =	vbroadcast v1, $0x0;
	v6 =	vld [tilespmem:s11+$0xFFFFFFA0];
	v5 =	vbroadcast v1, $0x4;
	(pc) =	sbr.rel @p0 .LBB2_9-.Ltmp5, $4  }
0x153: {  	v10 =	vbroadcast v1, $0x1;
	v8 =	vbroadcast v1, $0x2;
	v3 =	vld [tilespmem:s11+$0xFFFFFF80]  }
0x154: {  	v12 =	vbroadcast v1, $0x3;
	v13 =	vmul.f32 v4, v5;
	v5 =	vld [tilespmem:s11+$0xFFFFFFF0]  }
0x155: {  	v4 =	vbroadcast v1, $0x5;
	v11 =	vmul.f32 v7, v10  }
0x156: {  	v10 =	vbroadcast v1, $0x6;
	v9 =	vmul.f32 v9, v12;
	[tilespmem:s11+$0xFFFFFFC0] =	vst v13;
	v7 =	vld [tilespmem:s11+$0xFFFFFFD0]  }
0x157: {  	[tilespmem:s13+$0xFFFFFF90] =	vst v11;
	v6 =	vmul.f32 v6, v8  }
0x158: {  	v1 =	vbroadcast v1, $0x7;
	[tilespmem:s13+$0xFFFFFFB0] =	vst v9;
	v0 =	vmul.f32 v0, v10  }
0x159: {  	v2 =	vmul.f32 v2, v3;
	[tilespmem:s13+$0xFFFFFFA0] =	vst v6  }
0x15a: {  	v1 =	vmul.f32 v5, v1;
	[tilespmem:s13+$0xFFFFFFE0] =	vst v0  }
0x15b: {  	[tilespmem:s13+$0xFFFFFF80] =	vst v2;
	v44 =	vmul.f32 v7, v4  }
0x15c: {  	[tilespmem:s13+$0xFFFFFFF0] =	vst v1  }
0x15d: {  	[tilespmem:s13+$0xFFFFFFD0] =	vst v44  }
0x15e: {  	v0 =	vld [tilespmem:s22+$0x0];
	_ =	sdelay $0x1  }
0x15f: {  	v45 =	vld [tilespmem:s13+$0x0]  }
0x160: {  	v46 =	vld [tilespmem:s13+$0x20]  }
0x161: {  	v47 =	vld [tilespmem:s13+$0x40]  }
0x162: {  	v49 =	vld [tilespmem:s13+$0x30];
	v48 =	vbroadcast v0, $0x0  }
0x163: {  	v50 =	vld [tilespmem:s13+$0x70];
	v51 =	vbroadcast v0, $0x2  }
0x164: {  	v52 =	vld [tilespmem:s13+$0x10];
	v53 =	vbroadcast v0, $0x4;
	v1 =	vmul.f32 v48, v45  }
0x165: {  	v54 =	vld [tilespmem:s13+$0x60];
	v55 =	vbroadcast v0, $0x3;
	v2 =	vmul.f32 v46, v51  }
0x166: {  	v57 =	vld [tilespmem:s13+$0x50];
	v56 =	vbroadcast v0, $0x7;
	v58 =	vmul.f32 v47, v53;
	[tilespmem:s13+$0x0] =	vst v1  }
0x167: {  	v59 =	vbroadcast v0, $0x1;
	v60 =	vmul.f32 v49, v55;
	[tilespmem:s13+$0x20] =	vst v2  }
0x168: {  	v61 =	vbroadcast v0, $0x6;
	v62 =	vmul.f32 v50, v56;
	[tilespmem:s13+$0x40] =	vst v58  }
0x169: {  	v0 =	vbroadcast v0, $0x5;
	v3 =	vmul.f32 v52, v59;
	[tilespmem:s13+$0x30] =	vst v60  }
0x16a: {  	v63 =	vmul.f32 v54, v61;
	[tilespmem:s13+$0x70] =	vst v62  }
0x16b: {  	p0 =	seq.s32 s18, $0x27;
	v0 =	vmul.f32 v57, v0;
	[tilespmem:s13+$0x10] =	vst v3  }
.Ltmp6:
0x16c: {  	[tilespmem:s13+$0x60] =	vst v63;
	(pc) =	sbr.rel @p0 .LBB2_12-.Ltmp6, $4  }
0x16d: {  	[tilespmem:s13+$0x50] =	vst v0  }
0x16e: {  	[spmem:s2] =	stream.indirect.scatter.add.f32 [tilespmem:s17], [sflag:$0x7], $0x80, s0, s25, $0xb8;
	[tilespmem:$0x1FD80] =	vst v63  }
0x16f: {  	_ = 	snop  }
0x170: {  	[spmem:s4] =	stream.indirect.scatter.add.f32 [tilespmem:s14], [sflag:$0x8], $0x10, s0, s25, $0xb8;
	[tilespmem:$0x1FD80] =	vst v63  }
0x171: {  	s3 =	sadd.s32 s19, s21  }
0x172: {  	s3 =	sshll.u32 s3, $0x4  }
0x173: {  	s3 =	sand.u32 $0x1FFFFFF0, s3  }
0x174: {  	s11 =	sadd.s32 s6, s3  }
0x175: {  	[tilespmem:s31], [sflag:$0x1] =	stream.linear.gather [hbm4b:s11+s5], $0x80, $0x38;
	[tilespmem:$0x1FD80] =	vst v63  }
0x176: {  	s3 =	sadd.s32 s1, s3  }
0x177: {  	[tilespmem:s0], [sflag:$0x1] =	stream.linear.gather [hbm4b:s3+s5], $0x80, $0x38;
	[tilespmem:$0x1FD80] =	vst v63  }
.Ltmp7:
0x178: {  	_ = 	snop;
	(pc) =	sbr.rel .LBB2_2-.Ltmp7, $4  }
0x179: {  	_ = 	snop  }
0x17a: {  	[tilespmem:s29], [sflag:$0x4] =	stream.indirect.gather [hbm4b:s7+s25], $0x10, s5, s25, $0xb8;
	[tilespmem:$0x1FD80] =	vst v63  }
0x17b: {  	s18 =	sadd.s32 $0x1, s18  }
0x17c: {  	[tilespmem:s30], [sflag:$0x4] =	stream.indirect.gather [hbm4b:s8+s25], $0x10, s25, s25, $0xb8;
	[tilespmem:$0x1FD80] =	vst v63  }
.LBB2_13:
0x17d: {  	_ =	sfence.sel $0x180000  }
0x17e: {  	[bflag:$0x0] =	sbarrier.arrive $0xFFFF  }
0x17f: {  	_ =	strace $0x90000047  }
0x180: {  	s0 =	stileid.u32;
	[bflag:$0x2] =	sbarrier.arrive $0xFFFF  }
0x181: {  	p0 =	sne.s32 s0, $0x0;
	s0 =	rddreg [dreg:$0x4]  }
0x182: {  	s0 =	sadd.s32 @!p0 $0x100000, s0  }
0x183: {  	[sflag:s0] =	ssyncadd.tile.s32 @!p0 $0x1;
	_ =	shalt  }
.Lfunc_end2:
_tile_overlayer_lowered:
.L_overlay_start_2:
0x184: {  	(tag) =	ssettag $0x2  }
0x185: {  	s0 =	rddreg [dreg:$0x0];
	s2 =	stileid.u32  }
0x186: {  	s1 =	rddreg [dreg:$0x1];
	p0 =	sne.s32 s2, $0x0  }
0x187: {  	s3 =	rddreg [dreg:$0x2];
	[bflag:$0x3] =	sbarrier.arrive $0xFFFF;
	s2 =	simm.s32 @!p0 $0x1C09  }
0x188: {  	[timem:s3], [sflag:s2] =	dma.local @!p0 [hbm:s0], s1  }
0x189: {  	s0 =	simm.s32 @!p0 $0x9  }
0x18a: {  	_ =	swait.ge @!p0 [sflag:s0], s1  }
0x18b: {  	s1 =	ssub.s32 @!p0 $0x0, s1;
	[sflag:s0] =	ssyncset.done @!p0 $0x0  }
0x18c: {  	[sflag:s0] =	ssyncadd.s32 @!p0 s1  }
0x18d: {  	[bflag:$0x3] =	sbarrier.arrive $0xFFFF  }
0x18e: {  	_ =	shalt  }

</sc_bundles>
